<compile_context>
chip_gen: v7x
topology: tpu7x:2x2x1
jax: 0.10.2.dev20260603
libtpu: 0.0.44.dev20260713+nightly
codegen_flags: <defaults>
</compile_context>

<pallas_src>
import functools

import jax
import jax.numpy as jnp
from jax import lax
from jax.experimental import pallas as pl
from jax.experimental.pallas import tpu as pltpu
from jax.experimental.pallas import tpu_sc as plsc

_B, _D, _H, _W = 2, 128, 512, 512
_K = 100
_THR = 0.8
_BORD = 4
_HW = _H * _W
_PAD_SLOTS = 256


def _shift_max_1d(p, axis, dist):
    n = p.shape[axis]
    if axis == 1:
        zero = jnp.zeros((p.shape[0], dist), p.dtype)
        left = jnp.concatenate([p[:, dist:], zero], axis=1)
        right = jnp.concatenate([zero, p[:, : n - dist]], axis=1)
    else:
        zero = jnp.zeros((dist, p.shape[1]), p.dtype)
        left = jnp.concatenate([p[dist:, :], zero], axis=0)
        right = jnp.concatenate([zero, p[: n - dist, :]], axis=0)
    return jnp.maximum(jnp.maximum(left, right), p)


def _nms_topk_body(prob_ref, vals_ref, idx_ref, masked_a, masked_b):
    masked_refs = (masked_a, masked_b)
    ys = lax.broadcasted_iota(jnp.int32, (_H, _W), 0)
    xs = lax.broadcasted_iota(jnp.int32, (_H, _W), 1)
    border = (ys >= _BORD) & (ys < _H - _BORD) & (xs >= _BORD) & (xs < _W - _BORD)
    rowid = (lax.broadcasted_iota(jnp.int32, (8, _H // 8), 0) * (_H // 8)
             + lax.broadcasted_iota(jnp.int32, (8, _H // 8), 1))
    colid = (lax.broadcasted_iota(jnp.int32, (8, _W // 8), 0) * (_W // 8)
             + lax.broadcasted_iota(jnp.int32, (8, _W // 8), 1))
    big = jnp.int32(1 << 20)

    rmax0 = []
    for b in range(_B):
        p = prob_ref[b]
        m = _shift_max_1d(p, 1, 1)
        m = _shift_max_1d(m, 1, 3)
        m = _shift_max_1d(m, 0, 1)
        m = _shift_max_1d(m, 0, 3)
        mask = (p >= m) & (p > _THR) & border
        masked = jnp.where(mask, p, 0.0)
        masked_refs[b][...] = masked.reshape(_H, 8, _W // 8)
        rmax0.append(jnp.max(masked.reshape(8, _H // 8, _W), axis=2))

    def step(k, rmaxs):
        out = []
        for b in range(_B):
            rmax = rmaxs[b]
            mval = jnp.max(rmax)
            rid = jnp.min(jnp.where(rmax == mval, rowid, big))
            row = masked_refs[b][rid]
            col = jnp.min(jnp.where(row == mval, colid, big))
            vals_ref[b, 0, k] = mval
            idx_ref[b, 0, k] = rid * _W + col
            newrow = jnp.where(colid == col, -1.0, row)
            masked_refs[b][rid] = newrow
            out.append(jnp.where(rowid == rid, jnp.max(newrow), rmax))
        return tuple(out)

    lax.fori_loop(0, _K, step, tuple(rmax0))


def _nms_topk(prob):
    return pl.pallas_call(
        _nms_topk_body,
        out_specs=[
            pl.BlockSpec(memory_space=pltpu.SMEM),
            pl.BlockSpec(memory_space=pltpu.SMEM),
        ],
        out_shape=[
            jax.ShapeDtypeStruct((_B, 1, _K), jnp.float32),
            jax.ShapeDtypeStruct((_B, 1, _K), jnp.int32),
        ],
        scratch_shapes=[pltpu.VMEM((_H, 8, _W // 8), jnp.float32),
                        pltpu.VMEM((_H, 8, _W // 8), jnp.float32)],
    )(prob)


def _sc_gather_body(desc_hbm, idx_hbm, xcol_hbm, out_hbm, ibuf, xwin, rbuf,
                    obuf, tmp, sem):
    wid = lax.axis_index("s") * 2 + lax.axis_index("c")
    @pl.when(wid < (_B * _K + 7) // 8)
    def _work():
        pltpu.sync_copy(idx_hbm.at[pl.ds(wid * 8, 8)], ibuf)
        pltpu.sync_copy(xcol_hbm.at[pl.ds(wid * 8, 8)], xwin)
        table = desc_hbm.reshape(_B * _D * _H, _W)

        lanes16 = lax.broadcasted_iota(jnp.int32, (16,), 0)
        for j in range(8):
            pltpu.async_copy(table.at[ibuf.at[j]], rbuf, sem).wait()
            xv = xwin[j]
            vecs = [
                plsc.load_gather(rbuf, [kb * 16 + lanes16, xv])
                for kb in range(8)
            ]
            acc = vecs[0] * vecs[0]
            for kb in range(1, 8):
                acc = acc + vecs[kb] * vecs[kb]
            s_v = acc
            for off in (8, 4, 2, 1):
                tmp[pl.ds(0, 16)] = s_v
                tmp[pl.ds(16, 16)] = s_v
                s_v = s_v + tmp[pl.ds(off, 16)]
            bits = plsc.bitcast(s_v, jnp.int32)
            r = plsc.bitcast(jnp.int32(0x5F3759DF) - (bits >> 1), jnp.float32)
            for _ in range(3):
                r = r * (1.5 - 0.5 * s_v * r * r)
            denom = jnp.maximum(s_v * r, 1e-12)
            for kb in range(8):
                obuf[j, pl.ds(kb * 16, 16)] = vecs[kb] / denom

        pltpu.sync_copy(obuf, out_hbm.at[pl.ds(wid * 8, 8)])


@functools.cache
def _make_sc_gather():
    return pl.kernel(
        _sc_gather_body,
        out_type=jax.ShapeDtypeStruct((_PAD_SLOTS, _D), jnp.float32),
        mesh=plsc.VectorSubcoreMesh(core_axis_name="c", subcore_axis_name="s"),
        compiler_params=pltpu.CompilerParams(needs_layout_passes=False),
        scratch_types=[
            pltpu.VMEM((8, _D), jnp.int32),
            pltpu.VMEM((8, 16), jnp.int32),
            pltpu.VMEM((_D, _W), jnp.float32),
            pltpu.VMEM((8, _D), jnp.float32),
            pltpu.VMEM((32,), jnp.float32),
            pltpu.SemaphoreType.DMA,
        ],
    )


def kernel(logits, raw_descriptors):
    prob = jax.nn.sigmoid(logits[:, 0])
    vals, idx = _nms_topk(prob)
    vals, idx = vals[:, 0], idx[:, 0]
    y = (idx // _W).astype(jnp.float32)
    x = (idx % _W).astype(jnp.float32)
    positions = jnp.stack([y, x, vals], axis=-1)

    yi = idx // _W
    xi = idx % _W
    base = yi + jnp.array([[0], [_D * _H]], jnp.int32)
    base = jnp.pad(base.reshape(-1), (0, _PAD_SLOTS - _B * _K))
    row_idx = base[:, None] + jnp.arange(_D, dtype=jnp.int32)[None, :] * _H
    xcol = jnp.pad(xi.reshape(-1), (0, _PAD_SLOTS - _B * _K))
    xcol_b = jnp.broadcast_to(xcol[:, None], (_PAD_SLOTS, 16))
    gathered = _make_sc_gather()(raw_descriptors, row_idx, xcol_b)
    sparse_desc = gathered[: _B * _K].reshape(_B, _K, _D)
    return positions, sparse_desc

# --- scband reference (transcript-rebuilt; emitter-appended) ---
"""Pipeline reference for scband-si-lkvgg-80341658239213 (READ-ONLY COPY).

The authoritative reference and input builder live on the scoring server;
editing this copy changes nothing except your own understanding.
"""

import jax, jax.numpy as jnp
import numpy as np

B, D, H, W = 2, 128, 512, 512
DET_THRESH = 0.8
TOP_K = 100
NMS_DIST = 4
BORDER_DIST = 4
SCALE_FACTOR = 1.0

def setup_inputs(seed: int = 0) -> dict:
    key = jax.random.key(seed)
    k1, k2 = jax.random.split(key)
    logits = jax.random.normal(k1, (B, 1, H, W), dtype=jnp.float32)
    raw_descriptors = jax.random.normal(k2, (B, D, H, W), dtype=jnp.float32)
    return {"logits": logits, "raw_descriptors": raw_descriptors}

def _normalize_descriptors(desc, scale_factor, normalize):
    # SuperPoint.normalize_descriptors: scale_factor * F.normalize(desc, dim=-1)
    if normalize:
        norm = jnp.sqrt(jnp.sum(desc * desc, axis=-1, keepdims=True))
        desc = desc / jnp.maximum(norm, 1e-12)
    return scale_factor * desc

def reference(logits, raw_descriptors):
    b, _, h, w = logits.shape
    # MagicPoint detector post-processing, cell_size=1: logits -> probability
    prob = jax.nn.sigmoid(logits[:, 0, :, :])  # [B, H, W]
    # fast NMS: keep only local maxima in (2*nms_dist+1)^2 window
    win = 2 * NMS_DIST + 1
    local_max = jax.lax.reduce_window(
        prob, -jnp.inf, jax.lax.max,
        window_dimensions=(1, win, win),
        window_strides=(1, 1, 1),
        padding='SAME')
    keep = prob >= local_max
    # remove border detections
    ys = jnp.arange(h)
    xs = jnp.arange(w)
    border = ((ys >= BORDER_DIST) & (ys < h - BORDER_DIST))[:, None] & \
             ((xs >= BORDER_DIST) & (xs < w - BORDER_DIST))[None, :]
    mask = keep & (prob > DET_THRESH) & border[None, :, :]
    masked_prob = jnp.where(mask, prob, 0.0)
    # top-k detections per image
    flat = masked_prob.reshape(b, -1)
    vals, idx = jax.lax.top_k(flat, TOP_K)          # [B, K]
    y = idx // w
    x = idx % w
    positions = jnp.stack([y.astype(jnp.float32),
                           x.astype(jnp.float32),
                           vals], axis=-1)           # [B, K, 3]
    # SiLKVGG.sparsify_descriptors: gather descriptor columns at keypoints
    d = raw_descriptors.shape[1]
    desc_flat = raw_descriptors.reshape(b, d, -1)   # [B, D, H*W]
    gathered = jnp.take_along_axis(desc_flat, idx[:, None, :], axis=2)  # [B, D, K]
    sparse_desc = jnp.transpose(gathered, (0, 2, 1))  # [B, K, D]
    sparse_desc = _normalize_descriptors(sparse_desc, SCALE_FACTOR, True)
    return positions, sparse_desc

if __name__ == "__main__":
    import jax
    _d = setup_inputs()
    print(jax.jit(kernel)(*tuple(_d.values())))

</pallas_src>

<mosaic_0001>
#map = affine_map<(d0, d1) -> (0, 0, 0, 0)>
#map1 = affine_map<(d0, d1) -> (0, 0)>
module attributes {stable_mosaic.version = 14 : i64} {
  func.func @_sc_gather_body(%arg0: i32, %arg1: i32, %arg2: memref<2x128x512x512xf32, #tpu.memory_space<hbm>>, %arg3: memref<256x128xi32, #tpu.memory_space<hbm>>, %arg4: memref<256x16xi32, #tpu.memory_space<hbm>>, %arg5: memref<256x128xf32, #tpu.memory_space<hbm>>, %arg6: memref<8x128xi32, #tpu.memory_space<vmem>>, %arg7: memref<8x16xi32, #tpu.memory_space<vmem>>, %arg8: memref<128x512xf32, #tpu.memory_space<vmem>>, %arg9: memref<8x128xf32, #tpu.memory_space<vmem>>, %arg10: memref<32xf32, #tpu.memory_space<vmem>>, %arg11: memref<!tpu.dma_semaphore, #tpu.memory_space<semaphore_mem>>) attributes {dimension_semantics = [#tpu.dimension_semantics<core_parallel>, #tpu.dimension_semantics<subcore_parallel>], iteration_bounds = array<i64: 2, 16>, scalar_prefetch = 0 : i64, scratch_operands = 6 : i64, tpu.core_type = #tpu.core_type<sc_vector_subcore>, window_params = [{transform_indices = #map}, {transform_indices = #map1}, {transform_indices = #map1}, {transform_indices = #map1}]} {
    %mul3A = arith.constant 2 : i32
    %mul3A_0 = arith.muli %arg1, %mul3A : i32
    %add3A = arith.addi %mul3A_0, %arg0 : i32
    %lt3A = arith.constant 25 : i32
    %lt3A_1 = arith.cmpi slt, %add3A, %lt3A : i32
    %convert_element_type3A = arith.extui %lt3A_1 : i1 to i32
    %cond3A = arith.constant 0 : i32
    %cond3A_2 = arith.cmpi ne, %convert_element_type3A, %cond3A : i32
    scf.if %cond3A_2 {
      %mul3A_3 = arith.constant 8 : i32
      %mul3A_4 = arith.muli %add3A, %mul3A_3 : i32
      "tpu.region"() ({
        %run_scoped3A = tpu.sem_alloc : memref<!tpu.dma_semaphore, #tpu.memory_space<semaphore_mem>>
        %dma_start3A_1391 = arith.constant 0 : i32
        %dma_start3A_1392 = tpu.memref_slice %arg3[%mul3A_4, %dma_start3A_1391] : memref<256x128xi32, #tpu.memory_space<hbm>> -> memref<8x128xi32, #tpu.memory_space<hbm>>
        %dma_start3A_1393 = arith.constant 0 : i32
        %dma_start3A_1394 = tpu.memref_slice %arg3[%mul3A_4, %dma_start3A_1393] : memref<256x128xi32, #tpu.memory_space<hbm>> -> memref<8x128xi32, #tpu.memory_space<hbm>>
        tpu.enqueue_dma source(%dma_start3A_1394 : memref<8x128xi32, #tpu.memory_space<hbm>>) target(%arg6 : memref<8x128xi32, #tpu.memory_space<vmem>>) target_semaphore(%run_scoped3A : memref<!tpu.dma_semaphore, #tpu.memory_space<semaphore_mem>>)
        %dma_wait3A_1395 = arith.constant 0 : i32
        %dma_wait3A_1396 = tpu.memref_slice %arg3[%mul3A_4, %dma_wait3A_1395] : memref<256x128xi32, #tpu.memory_space<hbm>> -> memref<8x128xi32, #tpu.memory_space<hbm>>
        %dma_wait3A_1397 = arith.constant 0 : i32
        %dma_wait3A_1398 = tpu.memref_slice %arg3[%mul3A_4, %dma_wait3A_1397] : memref<256x128xi32, #tpu.memory_space<hbm>> -> memref<8x128xi32, #tpu.memory_space<hbm>>
        tpu.wait_dma2 semaphore(%run_scoped3A : memref<!tpu.dma_semaphore, #tpu.memory_space<semaphore_mem>>) src(%dma_wait3A_1398 : memref<8x128xi32, #tpu.memory_space<hbm>>) dst(%arg6 : memref<8x128xi32, #tpu.memory_space<vmem>>)
        tpu.yield
      }) : () -> ()
      %mul3A_5 = arith.constant 8 : i32
      %mul3A_6 = arith.muli %add3A, %mul3A_5 : i32
      "tpu.region"() ({
        %run_scoped3A = tpu.sem_alloc : memref<!tpu.dma_semaphore, #tpu.memory_space<semaphore_mem>>
        %dma_start3A_1391 = arith.constant 0 : i32
        %dma_start3A_1392 = tpu.memref_slice %arg4[%mul3A_6, %dma_start3A_1391] : memref<256x16xi32, #tpu.memory_space<hbm>> -> memref<8x16xi32, #tpu.memory_space<hbm>>
        %dma_start3A_1393 = arith.constant 0 : i32
        %dma_start3A_1394 = tpu.memref_slice %arg4[%mul3A_6, %dma_start3A_1393] : memref<256x16xi32, #tpu.memory_space<hbm>> -> memref<8x16xi32, #tpu.memory_space<hbm>>
        tpu.enqueue_dma source(%dma_start3A_1394 : memref<8x16xi32, #tpu.memory_space<hbm>>) target(%arg7 : memref<8x16xi32, #tpu.memory_space<vmem>>) target_semaphore(%run_scoped3A : memref<!tpu.dma_semaphore, #tpu.memory_space<semaphore_mem>>)
        %dma_wait3A_1395 = arith.constant 0 : i32
        %dma_wait3A_1396 = tpu.memref_slice %arg4[%mul3A_6, %dma_wait3A_1395] : memref<256x16xi32, #tpu.memory_space<hbm>> -> memref<8x16xi32, #tpu.memory_space<hbm>>
        %dma_wait3A_1397 = arith.constant 0 : i32
        %dma_wait3A_1398 = tpu.memref_slice %arg4[%mul3A_6, %dma_wait3A_1397] : memref<256x16xi32, #tpu.memory_space<hbm>> -> memref<8x16xi32, #tpu.memory_space<hbm>>
        tpu.wait_dma2 semaphore(%run_scoped3A : memref<!tpu.dma_semaphore, #tpu.memory_space<semaphore_mem>>) src(%dma_wait3A_1398 : memref<8x16xi32, #tpu.memory_space<hbm>>) dst(%arg7 : memref<8x16xi32, #tpu.memory_space<vmem>>)
        tpu.yield
      }) : () -> ()
      %iota3A = tpu.iota {dimensions = array<i32: 0>} : vector<16xi32>
      %dma_start3A = arith.constant 0 : i32
      %dma_start3A_7 = arith.constant 0 : i32
      %dma_start3A_8 = tpu.memref_slice %arg6[%dma_start3A, %dma_start3A_7] : memref<8x128xi32, #tpu.memory_space<vmem>> -> memref<1x128xi32, #tpu.memory_space<vmem>>
      %dma_start3A_9 = tpu.memref_squeeze %dma_start3A_8 : memref<1x128xi32, #tpu.memory_space<vmem>> -> memref<128xi32, #tpu.memory_space<vmem>>
      %dma_start3A_10 = tpu.memref_reshape %arg2 : memref<2x128x512x512xf32, #tpu.memory_space<hbm>> -> memref<131072x512xf32, #tpu.memory_space<hbm>>
      %dma_start3A_11 = arith.constant 0 : i32
      %dma_start3A_12 = arith.constant 0 : i32
      %dma_start3A_13 = tpu.memref_slice %dma_start3A_10[%dma_start3A_11, %dma_start3A_12] : memref<131072x512xf32, #tpu.memory_space<hbm>> -> memref<131072x512xf32, #tpu.memory_space<hbm>>
      tpu.enqueue_indirect_dma source(%dma_start3A_13 : memref<131072x512xf32, #tpu.memory_space<hbm>>) target(%arg8 : memref<128x512xf32, #tpu.memory_space<vmem>>) offsets(%dma_start3A_9 : memref<128xi32, #tpu.memory_space<vmem>>) semaphore(%arg11 : memref<!tpu.dma_semaphore, #tpu.memory_space<semaphore_mem>>)
      %dma_wait3A = arith.constant 0 : i32
      %dma_wait3A_14 = arith.constant 0 : i32
      %dma_wait3A_15 = tpu.memref_slice %arg6[%dma_wait3A, %dma_wait3A_14] : memref<8x128xi32, #tpu.memory_space<vmem>> -> memref<1x128xi32, #tpu.memory_space<vmem>>
      %dma_wait3A_16 = tpu.memref_squeeze %dma_wait3A_15 : memref<1x128xi32, #tpu.memory_space<vmem>> -> memref<128xi32, #tpu.memory_space<vmem>>
      %dma_wait3A_17 = tpu.memref_reshape %arg2 : memref<2x128x512x512xf32, #tpu.memory_space<hbm>> -> memref<131072x512xf32, #tpu.memory_space<hbm>>
      %dma_wait3A_18 = arith.constant 0 : i32
      %dma_wait3A_19 = arith.constant 0 : i32
      %dma_wait3A_20 = tpu.memref_slice %dma_wait3A_17[%dma_wait3A_18, %dma_wait3A_19] : memref<131072x512xf32, #tpu.memory_space<hbm>> -> memref<131072x512xf32, #tpu.memory_space<hbm>>
      tpu.wait_indirect_dma semaphore(%arg11 : memref<!tpu.dma_semaphore, #tpu.memory_space<semaphore_mem>>) src(%dma_wait3A_20 : memref<131072x512xf32, #tpu.memory_space<hbm>>) dst(%arg8 : memref<128x512xf32, #tpu.memory_space<vmem>>)
      %get3A = arith.constant 0 : i32
      %get3A_21 = arith.index_cast %get3A : i32 to index
      %get3A_22 = arith.constant 0 : index
      %get3A_23 = tpu.vector_load %arg7[%get3A_21, %get3A_22] {strides = array<i32>} : memref<8x16xi32, #tpu.memory_space<vmem>>, vector<16xi32>,
      %add3A_24 = arith.constant 0 : i32
      %add3A_25 = vector.broadcast %add3A_24 : i32 to vector<16xi32>
      %add3A_26 = arith.addi %add3A_25, %iota3A : vector<16xi32>
      %gather3A = tpu.vector_load_idx %arg8[%add3A_26, %get3A_23] : memref<128x512xf32, #tpu.memory_space<vmem>>[vector<16xi32>, vector<16xi32>], vector<16xf32>,
      %add3A_27 = arith.constant 16 : i32
      %add3A_28 = vector.broadcast %add3A_27 : i32 to vector<16xi32>
      %add3A_29 = arith.addi %add3A_28, %iota3A : vector<16xi32>
      %gather3A_30 = tpu.vector_load_idx %arg8[%add3A_29, %get3A_23] : memref<128x512xf32, #tpu.memory_space<vmem>>[vector<16xi32>, vector<16xi32>], vector<16xf32>,
      %add3A_31 = arith.constant 32 : i32
      %add3A_32 = vector.broadcast %add3A_31 : i32 to vector<16xi32>
      %add3A_33 = arith.addi %add3A_32, %iota3A : vector<16xi32>
      %gather3A_34 = tpu.vector_load_idx %arg8[%add3A_33, %get3A_23] : memref<128x512xf32, #tpu.memory_space<vmem>>[vector<16xi32>, vector<16xi32>], vector<16xf32>,
      %add3A_35 = arith.constant 48 : i32
      %add3A_36 = vector.broadcast %add3A_35 : i32 to vector<16xi32>
      %add3A_37 = arith.addi %add3A_36, %iota3A : vector<16xi32>
      %gather3A_38 = tpu.vector_load_idx %arg8[%add3A_37, %get3A_23] : memref<128x512xf32, #tpu.memory_space<vmem>>[vector<16xi32>, vector<16xi32>], vector<16xf32>,
      %add3A_39 = arith.constant 64 : i32
      %add3A_40 = vector.broadcast %add3A_39 : i32 to vector<16xi32>
      %add3A_41 = arith.addi %add3A_40, %iota3A : vector<16xi32>
      %gather3A_42 = tpu.vector_load_idx %arg8[%add3A_41, %get3A_23] : memref<128x512xf32, #tpu.memory_space<vmem>>[vector<16xi32>, vector<16xi32>], vector<16xf32>,
      %add3A_43 = arith.constant 80 : i32
      %add3A_44 = vector.broadcast %add3A_43 : i32 to vector<16xi32>
      %add3A_45 = arith.addi %add3A_44, %iota3A : vector<16xi32>
      %gather3A_46 = tpu.vector_load_idx %arg8[%add3A_45, %get3A_23] : memref<128x512xf32, #tpu.memory_space<vmem>>[vector<16xi32>, vector<16xi32>], vector<16xf32>,
      %add3A_47 = arith.constant 96 : i32
      %add3A_48 = vector.broadcast %add3A_47 : i32 to vector<16xi32>
      %add3A_49 = arith.addi %add3A_48, %iota3A : vector<16xi32>
      %gather3A_50 = tpu.vector_load_idx %arg8[%add3A_49, %get3A_23] : memref<128x512xf32, #tpu.memory_space<vmem>>[vector<16xi32>, vector<16xi32>], vector<16xf32>,
      %add3A_51 = arith.constant 112 : i32
      %add3A_52 = vector.broadcast %add3A_51 : i32 to vector<16xi32>
      %add3A_53 = arith.addi %add3A_52, %iota3A : vector<16xi32>
      %gather3A_54 = tpu.vector_load_idx %arg8[%add3A_53, %get3A_23] : memref<128x512xf32, #tpu.memory_space<vmem>>[vector<16xi32>, vector<16xi32>], vector<16xf32>,
      %mul3A_55 = arith.mulf %gather3A, %gather3A : vector<16xf32>
      %mul3A_56 = arith.mulf %gather3A_30, %gather3A_30 : vector<16xf32>
      %add3A_57 = arith.addf %mul3A_55, %mul3A_56 : vector<16xf32>
      %mul3A_58 = arith.mulf %gather3A_34, %gather3A_34 : vector<16xf32>
      %add3A_59 = arith.addf %add3A_57, %mul3A_58 : vector<16xf32>
      %mul3A_60 = arith.mulf %gather3A_38, %gather3A_38 : vector<16xf32>
      %add3A_61 = arith.addf %add3A_59, %mul3A_60 : vector<16xf32>
      %mul3A_62 = arith.mulf %gather3A_42, %gather3A_42 : vector<16xf32>
      %add3A_63 = arith.addf %add3A_61, %mul3A_62 : vector<16xf32>
      %mul3A_64 = arith.mulf %gather3A_46, %gather3A_46 : vector<16xf32>
      %add3A_65 = arith.addf %add3A_63, %mul3A_64 : vector<16xf32>
      %mul3A_66 = arith.mulf %gather3A_50, %gather3A_50 : vector<16xf32>
      %add3A_67 = arith.addf %add3A_65, %mul3A_66 : vector<16xf32>
      %mul3A_68 = arith.mulf %gather3A_54, %gather3A_54 : vector<16xf32>
      %add3A_69 = arith.addf %add3A_67, %mul3A_68 : vector<16xf32>
      %swap3A = arith.constant 0 : index
      %swap3A_70 = tpu.vector_load %arg10[%swap3A] {strides = array<i32>} : memref<32xf32, #tpu.memory_space<vmem>>, vector<16xf32>,
      tpu.vector_store %arg10[%swap3A], %add3A_69 {strides = array<i32>} : memref<32xf32, #tpu.memory_space<vmem>>, vector<16xf32>,
      %swap3A_71 = arith.constant 16 : index
      %swap3A_72 = tpu.vector_load %arg10[%swap3A_71] {strides = array<i32>} : memref<32xf32, #tpu.memory_space<vmem>>, vector<16xf32>,
      tpu.vector_store %arg10[%swap3A_71], %add3A_69 {strides = array<i32>} : memref<32xf32, #tpu.memory_space<vmem>>, vector<16xf32>,
      %get3A_73 = arith.constant 8 : index
      %get3A_74 = tpu.vector_load %arg10[%get3A_73] {strides = array<i32>} : memref<32xf32, #tpu.memory_space<vmem>>, vector<16xf32>,
      %add3A_75 = arith.addf %add3A_69, %get3A_74 : vector<16xf32>
      %swap3A_76 = arith.constant 0 : index
      %swap3A_77 = tpu.vector_load %arg10[%swap3A_76] {strides = array<i32>} : memref<32xf32, #tpu.memory_space<vmem>>, vector<16xf32>,
      tpu.vector_store %arg10[%swap3A_76], %add3A_75 {strides = array<i32>} : memref<32xf32, #tpu.memory_space<vmem>>, vector<16xf32>,
      %swap3A_78 = arith.constant 16 : index
      %swap3A_79 = tpu.vector_load %arg10[%swap3A_78] {strides = array<i32>} : memref<32xf32, #tpu.memory_space<vmem>>, vector<16xf32>,
      tpu.vector_store %arg10[%swap3A_78], %add3A_75 {strides = array<i32>} : memref<32xf32, #tpu.memory_space<vmem>>, vector<16xf32>,
      %get3A_80 = arith.constant 4 : index
      %get3A_81 = tpu.vector_load %arg10[%get3A_80] {strides = array<i32>} : memref<32xf32, #tpu.memory_space<vmem>>, vector<16xf32>,
      %add3A_82 = arith.addf %add3A_75, %get3A_81 : vector<16xf32>
      %swap3A_83 = arith.constant 0 : index
      %swap3A_84 = tpu.vector_load %arg10[%swap3A_83] {strides = array<i32>} : memref<32xf32, #tpu.memory_space<vmem>>, vector<16xf32>,
      tpu.vector_store %arg10[%swap3A_83], %add3A_82 {strides = array<i32>} : memref<32xf32, #tpu.memory_space<vmem>>, vector<16xf32>,
      %swap3A_85 = arith.constant 16 : index
      %swap3A_86 = tpu.vector_load %arg10[%swap3A_85] {strides = array<i32>} : memref<32xf32, #tpu.memory_space<vmem>>, vector<16xf32>,
      tpu.vector_store %arg10[%swap3A_85], %add3A_82 {strides = array<i32>} : memref<32xf32, #tpu.memory_space<vmem>>, vector<16xf32>,
      %get3A_87 = arith.constant 2 : index
      %get3A_88 = tpu.vector_load %arg10[%get3A_87] {strides = array<i32>} : memref<32xf32, #tpu.memory_space<vmem>>, vector<16xf32>,
      %add3A_89 = arith.addf %add3A_82, %get3A_88 : vector<16xf32>
      %swap3A_90 = arith.constant 0 : index
      %swap3A_91 = tpu.vector_load %arg10[%swap3A_90] {strides = array<i32>} : memref<32xf32, #tpu.memory_space<vmem>>, vector<16xf32>,
      tpu.vector_store %arg10[%swap3A_90], %add3A_89 {strides = array<i32>} : memref<32xf32, #tpu.memory_space<vmem>>, vector<16xf32>,
      %swap3A_92 = arith.constant 16 : index
      %swap3A_93 = tpu.vector_load %arg10[%swap3A_92] {strides = array<i32>} : memref<32xf32, #tpu.memory_space<vmem>>, vector<16xf32>,
      tpu.vector_store %arg10[%swap3A_92], %add3A_89 {strides = array<i32>} : memref<32xf32, #tpu.memory_space<vmem>>, vector<16xf32>,
      %get3A_94 = arith.constant 1 : index
      %get3A_95 = tpu.vector_load %arg10[%get3A_94] {strides = array<i32>} : memref<32xf32, #tpu.memory_space<vmem>>, vector<16xf32>,
      %add3A_96 = arith.addf %add3A_89, %get3A_95 : vector<16xf32>
      %bitcast3A = vector.bitcast %add3A_96 : vector<16xf32> to vector<16xi32>
      %shift_right_arithmetic3A = arith.constant 1 : i32
      %shift_right_arithmetic3A_97 = vector.broadcast %shift_right_arithmetic3A : i32 to vector<16xi32>
      %shift_right_arithmetic3A_98 = arith.shrsi %bitcast3A, %shift_right_arithmetic3A_97 : vector<16xi32>
      %sub3A = arith.constant 1597463007 : i32
      %sub3A_99 = vector.broadcast %sub3A : i32 to vector<16xi32>
      %sub3A_100 = arith.subi %sub3A_99, %shift_right_arithmetic3A_98 : vector<16xi32>
      %bitcast3A_101 = vector.bitcast %sub3A_100 : vector<16xi32> to vector<16xf32>
      %mul3A_102 = arith.constant 5.000000e-01 : f32
      %mul3A_103 = vector.broadcast %mul3A_102 : f32 to vector<16xf32>
      %mul3A_104 = arith.mulf %mul3A_103, %add3A_96 : vector<16xf32>
      %mul3A_105 = arith.mulf %mul3A_104, %bitcast3A_101 : vector<16xf32>
      %mul3A_106 = arith.mulf %mul3A_105, %bitcast3A_101 : vector<16xf32>
      %sub3A_107 = arith.constant 1.500000e+00 : f32
      %sub3A_108 = vector.broadcast %sub3A_107 : f32 to vector<16xf32>
      %sub3A_109 = arith.subf %sub3A_108, %mul3A_106 : vector<16xf32>
      %mul3A_110 = arith.mulf %bitcast3A_101, %sub3A_109 : vector<16xf32>
      %mul3A_111 = arith.constant 5.000000e-01 : f32
      %mul3A_112 = vector.broadcast %mul3A_111 : f32 to vector<16xf32>
      %mul3A_113 = arith.mulf %mul3A_112, %add3A_96 : vector<16xf32>
      %mul3A_114 = arith.mulf %mul3A_113, %mul3A_110 : vector<16xf32>
      %mul3A_115 = arith.mulf %mul3A_114, %mul3A_110 : vector<16xf32>
      %sub3A_116 = arith.constant 1.500000e+00 : f32
      %sub3A_117 = vector.broadcast %sub3A_116 : f32 to vector<16xf32>
      %sub3A_118 = arith.subf %sub3A_117, %mul3A_115 : vector<16xf32>
      %mul3A_119 = arith.mulf %mul3A_110, %sub3A_118 : vector<16xf32>
      %mul3A_120 = arith.constant 5.000000e-01 : f32
      %mul3A_121 = vector.broadcast %mul3A_120 : f32 to vector<16xf32>
      %mul3A_122 = arith.mulf %mul3A_121, %add3A_96 : vector<16xf32>
      %mul3A_123 = arith.mulf %mul3A_122, %mul3A_119 : vector<16xf32>
      %mul3A_124 = arith.mulf %mul3A_123, %mul3A_119 : vector<16xf32>
      %sub3A_125 = arith.constant 1.500000e+00 : f32
      %sub3A_126 = vector.broadcast %sub3A_125 : f32 to vector<16xf32>
      %sub3A_127 = arith.subf %sub3A_126, %mul3A_124 : vector<16xf32>
      %mul3A_128 = arith.mulf %mul3A_119, %sub3A_127 : vector<16xf32>
      %mul3A_129 = arith.mulf %add3A_96, %mul3A_128 : vector<16xf32>
      %max3A = arith.constant 9.99999996E-13 : f32
      %max3A_130 = vector.broadcast %max3A : f32 to vector<16xf32>
      %max3A_131 = arith.maximumf %mul3A_129, %max3A_130 : vector<16xf32>
      %div3A = arith.divf %gather3A, %max3A_131 : vector<16xf32>
      %swap3A_132 = arith.constant 0 : i32
      %swap3A_133 = arith.index_cast %swap3A_132 : i32 to index
      %swap3A_134 = arith.constant 0 : index
      %swap3A_135 = tpu.vector_load %arg9[%swap3A_133, %swap3A_134] {strides = array<i32>} : memref<8x128xf32, #tpu.memory_space<vmem>>, vector<16xf32>,
      tpu.vector_store %arg9[%swap3A_133, %swap3A_134], %div3A {strides = array<i32>} : memref<8x128xf32, #tpu.memory_space<vmem>>, vector<16xf32>,
      %div3A_136 = arith.divf %gather3A_30, %max3A_131 : vector<16xf32>
      %swap3A_137 = arith.constant 0 : i32
      %swap3A_138 = arith.index_cast %swap3A_137 : i32 to index
      %swap3A_139 = arith.constant 16 : index
      %swap3A_140 = tpu.vector_load %arg9[%swap3A_138, %swap3A_139] {strides = array<i32>} : memref<8x128xf32, #tpu.memory_space<vmem>>, vector<16xf32>,
      tpu.vector_store %arg9[%swap3A_138, %swap3A_139], %div3A_136 {strides = array<i32>} : memref<8x128xf32, #tpu.memory_space<vmem>>, vector<16xf32>,
      %div3A_141 = arith.divf %gather3A_34, %max3A_131 : vector<16xf32>
      %swap3A_142 = arith.constant 0 : i32
      %swap3A_143 = arith.index_cast %swap3A_142 : i32 to index
      %swap3A_144 = arith.constant 32 : index
      %swap3A_145 = tpu.vector_load %arg9[%swap3A_143, %swap3A_144] {strides = array<i32>} : memref<8x128xf32, #tpu.memory_space<vmem>>, vector<16xf32>,
      tpu.vector_store %arg9[%swap3A_143, %swap3A_144], %div3A_141 {strides = array<i32>} : memref<8x128xf32, #tpu.memory_space<vmem>>, vector<16xf32>,
      %div3A_146 = arith.divf %gather3A_38, %max3A_131 : vector<16xf32>
      %swap3A_147 = arith.constant 0 : i32
      %swap3A_148 = arith.index_cast %swap3A_147 : i32 to index
      %swap3A_149 = arith.constant 48 : index
      %swap3A_150 = tpu.vector_load %arg9[%swap3A_148, %swap3A_149] {strides = array<i32>} : memref<8x128xf32, #tpu.memory_space<vmem>>, vector<16xf32>,
      tpu.vector_store %arg9[%swap3A_148, %swap3A_149], %div3A_146 {strides = array<i32>} : memref<8x128xf32, #tpu.memory_space<vmem>>, vector<16xf32>,
      %div3A_151 = arith.divf %gather3A_42, %max3A_131 : vector<16xf32>
      %swap3A_152 = arith.constant 0 : i32
      %swap3A_153 = arith.index_cast %swap3A_152 : i32 to index
      %swap3A_154 = arith.constant 64 : index
      %swap3A_155 = tpu.vector_load %arg9[%swap3A_153, %swap3A_154] {strides = array<i32>} : memref<8x128xf32, #tpu.memory_space<vmem>>, vector<16xf32>,
      tpu.vector_store %arg9[%swap3A_153, %swap3A_154], %div3A_151 {strides = array<i32>} : memref<8x128xf32, #tpu.memory_space<vmem>>, vector<16xf32>,
      %div3A_156 = arith.divf %gather3A_46, %max3A_131 : vector<16xf32>
      %swap3A_157 = arith.constant 0 : i32
      %swap3A_158 = arith.index_cast %swap3A_157 : i32 to index
      %swap3A_159 = arith.constant 80 : index
      %swap3A_160 = tpu.vector_load %arg9[%swap3A_158, %swap3A_159] {strides = array<i32>} : memref<8x128xf32, #tpu.memory_space<vmem>>, vector<16xf32>,
      tpu.vector_store %arg9[%swap3A_158, %swap3A_159], %div3A_156 {strides = array<i32>} : memref<8x128xf32, #tpu.memory_space<vmem>>, vector<16xf32>,
      %div3A_161 = arith.divf %gather3A_50, %max3A_131 : vector<16xf32>
      %swap3A_162 = arith.constant 0 : i32
      %swap3A_163 = arith.index_cast %swap3A_162 : i32 to index
      %swap3A_164 = arith.constant 96 : index
      %swap3A_165 = tpu.vector_load %arg9[%swap3A_163, %swap3A_164] {strides = array<i32>} : memref<8x128xf32, #tpu.memory_space<vmem>>, vector<16xf32>,
      tpu.vector_store %arg9[%swap3A_163, %swap3A_164], %div3A_161 {strides = array<i32>} : memref<8x128xf32, #tpu.memory_space<vmem>>, vector<16xf32>,
      %div3A_166 = arith.divf %gather3A_54, %max3A_131 : vector<16xf32>
      %swap3A_167 = arith.constant 0 : i32
      %swap3A_168 = arith.index_cast %swap3A_167 : i32 to index
      %swap3A_169 = arith.constant 112 : index
      %swap3A_170 = tpu.vector_load %arg9[%swap3A_168, %swap3A_169] {strides = array<i32>} : memref<8x128xf32, #tpu.memory_space<vmem>>, vector<16xf32>,
      tpu.vector_store %arg9[%swap3A_168, %swap3A_169], %div3A_166 {strides = array<i32>} : memref<8x128xf32, #tpu.memory_space<vmem>>, vector<16xf32>,
      %dma_start3A_171 = arith.constant 1 : i32
      %dma_start3A_172 = arith.constant 0 : i32
      %dma_start3A_173 = tpu.memref_slice %arg6[%dma_start3A_171, %dma_start3A_172] : memref<8x128xi32, #tpu.memory_space<vmem>> -> memref<1x128xi32, #tpu.memory_space<vmem>>
      %dma_start3A_174 = tpu.memref_squeeze %dma_start3A_173 : memref<1x128xi32, #tpu.memory_space<vmem>> -> memref<128xi32, #tpu.memory_space<vmem>>
      %dma_start3A_175 = tpu.memref_reshape %arg2 : memref<2x128x512x512xf32, #tpu.memory_space<hbm>> -> memref<131072x512xf32, #tpu.memory_space<hbm>>
      %dma_start3A_176 = arith.constant 0 : i32
      %dma_start3A_177 = arith.constant 0 : i32
      %dma_start3A_178 = tpu.memref_slice %dma_start3A_175[%dma_start3A_176, %dma_start3A_177] : memref<131072x512xf32, #tpu.memory_space<hbm>> -> memref<131072x512xf32, #tpu.memory_space<hbm>>
      tpu.enqueue_indirect_dma source(%dma_start3A_178 : memref<131072x512xf32, #tpu.memory_space<hbm>>) target(%arg8 : memref<128x512xf32, #tpu.memory_space<vmem>>) offsets(%dma_start3A_174 : memref<128xi32, #tpu.memory_space<vmem>>) semaphore(%arg11 : memref<!tpu.dma_semaphore, #tpu.memory_space<semaphore_mem>>)
      %dma_wait3A_179 = arith.constant 1 : i32
      %dma_wait3A_180 = arith.constant 0 : i32
      %dma_wait3A_181 = tpu.memref_slice %arg6[%dma_wait3A_179, %dma_wait3A_180] : memref<8x128xi32, #tpu.memory_space<vmem>> -> memref<1x128xi32, #tpu.memory_space<vmem>>
      %dma_wait3A_182 = tpu.memref_squeeze %dma_wait3A_181 : memref<1x128xi32, #tpu.memory_space<vmem>> -> memref<128xi32, #tpu.memory_space<vmem>>
      %dma_wait3A_183 = tpu.memref_reshape %arg2 : memref<2x128x512x512xf32, #tpu.memory_space<hbm>> -> memref<131072x512xf32, #tpu.memory_space<hbm>>
      %dma_wait3A_184 = arith.constant 0 : i32
      %dma_wait3A_185 = arith.constant 0 : i32
      %dma_wait3A_186 = tpu.memref_slice %dma_wait3A_183[%dma_wait3A_184, %dma_wait3A_185] : memref<131072x512xf32, #tpu.memory_space<hbm>> -> memref<131072x512xf32, #tpu.memory_space<hbm>>
      tpu.wait_indirect_dma semaphore(%arg11 : memref<!tpu.dma_semaphore, #tpu.memory_space<semaphore_mem>>) src(%dma_wait3A_186 : memref<131072x512xf32, #tpu.memory_space<hbm>>) dst(%arg8 : memref<128x512xf32, #tpu.memory_space<vmem>>)
      %get3A_187 = arith.constant 1 : i32
      %get3A_188 = arith.index_cast %get3A_187 : i32 to index
      %get3A_189 = arith.constant 0 : index
      %get3A_190 = tpu.vector_load %arg7[%get3A_188, %get3A_189] {strides = array<i32>} : memref<8x16xi32, #tpu.memory_space<vmem>>, vector<16xi32>,
      %add3A_191 = arith.constant 0 : i32
      %add3A_192 = vector.broadcast %add3A_191 : i32 to vector<16xi32>
      %add3A_193 = arith.addi %add3A_192, %iota3A : vector<16xi32>
      %gather3A_194 = tpu.vector_load_idx %arg8[%add3A_193, %get3A_190] : memref<128x512xf32, #tpu.memory_space<vmem>>[vector<16xi32>, vector<16xi32>], vector<16xf32>,
      %add3A_195 = arith.constant 16 : i32
      %add3A_196 = vector.broadcast %add3A_195 : i32 to vector<16xi32>
      %add3A_197 = arith.addi %add3A_196, %iota3A : vector<16xi32>
      %gather3A_198 = tpu.vector_load_idx %arg8[%add3A_197, %get3A_190] : memref<128x512xf32, #tpu.memory_space<vmem>>[vector<16xi32>, vector<16xi32>], vector<16xf32>,
      %add3A_199 = arith.constant 32 : i32
      %add3A_200 = vector.broadcast %add3A_199 : i32 to vector<16xi32>
      %add3A_201 = arith.addi %add3A_200, %iota3A : vector<16xi32>
      %gather3A_202 = tpu.vector_load_idx %arg8[%add3A_201, %get3A_190] : memref<128x512xf32, #tpu.memory_space<vmem>>[vector<16xi32>, vector<16xi32>], vector<16xf32>,
      %add3A_203 = arith.constant 48 : i32
      %add3A_204 = vector.broadcast %add3A_203 : i32 to vector<16xi32>
      %add3A_205 = arith.addi %add3A_204, %iota3A : vector<16xi32>
      %gather3A_206 = tpu.vector_load_idx %arg8[%add3A_205, %get3A_190] : memref<128x512xf32, #tpu.memory_space<vmem>>[vector<16xi32>, vector<16xi32>], vector<16xf32>,
      %add3A_207 = arith.constant 64 : i32
      %add3A_208 = vector.broadcast %add3A_207 : i32 to vector<16xi32>
      %add3A_209 = arith.addi %add3A_208, %iota3A : vector<16xi32>
      %gather3A_210 = tpu.vector_load_idx %arg8[%add3A_209, %get3A_190] : memref<128x512xf32, #tpu.memory_space<vmem>>[vector<16xi32>, vector<16xi32>], vector<16xf32>,
      %add3A_211 = arith.constant 80 : i32
      %add3A_212 = vector.broadcast %add3A_211 : i32 to vector<16xi32>
      %add3A_213 = arith.addi %add3A_212, %iota3A : vector<16xi32>
      %gather3A_214 = tpu.vector_load_idx %arg8[%add3A_213, %get3A_190] : memref<128x512xf32, #tpu.memory_space<vmem>>[vector<16xi32>, vector<16xi32>], vector<16xf32>,
      %add3A_215 = arith.constant 96 : i32
      %add3A_216 = vector.broadcast %add3A_215 : i32 to vector<16xi32>
      %add3A_217 = arith.addi %add3A_216, %iota3A : vector<16xi32>
      %gather3A_218 = tpu.vector_load_idx %arg8[%add3A_217, %get3A_190] : memref<128x512xf32, #tpu.memory_space<vmem>>[vector<16xi32>, vector<16xi32>], vector<16xf32>,
      %add3A_219 = arith.constant 112 : i32
      %add3A_220 = vector.broadcast %add3A_219 : i32 to vector<16xi32>
      %add3A_221 = arith.addi %add3A_220, %iota3A : vector<16xi32>
      %gather3A_222 = tpu.vector_load_idx %arg8[%add3A_221, %get3A_190] : memref<128x512xf32, #tpu.memory_space<vmem>>[vector<16xi32>, vector<16xi32>], vector<16xf32>,
      %mul3A_223 = arith.mulf %gather3A_194, %gather3A_194 : vector<16xf32>
      %mul3A_224 = arith.mulf %gather3A_198, %gather3A_198 : vector<16xf32>
      %add3A_225 = arith.addf %mul3A_223, %mul3A_224 : vector<16xf32>
      %mul3A_226 = arith.mulf %gather3A_202, %gather3A_202 : vector<16xf32>
      %add3A_227 = arith.addf %add3A_225, %mul3A_226 : vector<16xf32>
      %mul3A_228 = arith.mulf %gather3A_206, %gather3A_206 : vector<16xf32>
      %add3A_229 = arith.addf %add3A_227, %mul3A_228 : vector<16xf32>
      %mul3A_230 = arith.mulf %gather3A_210, %gather3A_210 : vector<16xf32>
      %add3A_231 = arith.addf %add3A_229, %mul3A_230 : vector<16xf32>
      %mul3A_232 = arith.mulf %gather3A_214, %gather3A_214 : vector<16xf32>
      %add3A_233 = arith.addf %add3A_231, %mul3A_232 : vector<16xf32>
      %mul3A_234 = arith.mulf %gather3A_218, %gather3A_218 : vector<16xf32>
      %add3A_235 = arith.addf %add3A_233, %mul3A_234 : vector<16xf32>
      %mul3A_236 = arith.mulf %gather3A_222, %gather3A_222 : vector<16xf32>
      %add3A_237 = arith.addf %add3A_235, %mul3A_236 : vector<16xf32>
      %swap3A_238 = arith.constant 0 : index
      %swap3A_239 = tpu.vector_load %arg10[%swap3A_238] {strides = array<i32>} : memref<32xf32, #tpu.memory_space<vmem>>, vector<16xf32>,
      tpu.vector_store %arg10[%swap3A_238], %add3A_237 {strides = array<i32>} : memref<32xf32, #tpu.memory_space<vmem>>, vector<16xf32>,
      %swap3A_240 = arith.constant 16 : index
      %swap3A_241 = tpu.vector_load %arg10[%swap3A_240] {strides = array<i32>} : memref<32xf32, #tpu.memory_space<vmem>>, vector<16xf32>,
      tpu.vector_store %arg10[%swap3A_240], %add3A_237 {strides = array<i32>} : memref<32xf32, #tpu.memory_space<vmem>>, vector<16xf32>,
      %get3A_242 = arith.constant 8 : index
      %get3A_243 = tpu.vector_load %arg10[%get3A_242] {strides = array<i32>} : memref<32xf32, #tpu.memory_space<vmem>>, vector<16xf32>,
      %add3A_244 = arith.addf %add3A_237, %get3A_243 : vector<16xf32>
      %swap3A_245 = arith.constant 0 : index
      %swap3A_246 = tpu.vector_load %arg10[%swap3A_245] {strides = array<i32>} : memref<32xf32, #tpu.memory_space<vmem>>, vector<16xf32>,
      tpu.vector_store %arg10[%swap3A_245], %add3A_244 {strides = array<i32>} : memref<32xf32, #tpu.memory_space<vmem>>, vector<16xf32>,
      %swap3A_247 = arith.constant 16 : index
      %swap3A_248 = tpu.vector_load %arg10[%swap3A_247] {strides = array<i32>} : memref<32xf32, #tpu.memory_space<vmem>>, vector<16xf32>,
      tpu.vector_store %arg10[%swap3A_247], %add3A_244 {strides = array<i32>} : memref<32xf32, #tpu.memory_space<vmem>>, vector<16xf32>,
      %get3A_249 = arith.constant 4 : index
      %get3A_250 = tpu.vector_load %arg10[%get3A_249] {strides = array<i32>} : memref<32xf32, #tpu.memory_space<vmem>>, vector<16xf32>,
      %add3A_251 = arith.addf %add3A_244, %get3A_250 : vector<16xf32>
      %swap3A_252 = arith.constant 0 : index
      %swap3A_253 = tpu.vector_load %arg10[%swap3A_252] {strides = array<i32>} : memref<32xf32, #tpu.memory_space<vmem>>, vector<16xf32>,
      tpu.vector_store %arg10[%swap3A_252], %add3A_251 {strides = array<i32>} : memref<32xf32, #tpu.memory_space<vmem>>, vector<16xf32>,
      %swap3A_254 = arith.constant 16 : index
      %swap3A_255 = tpu.vector_load %arg10[%swap3A_254] {strides = array<i32>} : memref<32xf32, #tpu.memory_space<vmem>>, vector<16xf32>,
      tpu.vector_store %arg10[%swap3A_254], %add3A_251 {strides = array<i32>} : memref<32xf32, #tpu.memory_space<vmem>>, vector<16xf32>,
      %get3A_256 = arith.constant 2 : index
      %get3A_257 = tpu.vector_load %arg10[%get3A_256] {strides = array<i32>} : memref<32xf32, #tpu.memory_space<vmem>>, vector<16xf32>,
      %add3A_258 = arith.addf %add3A_251, %get3A_257 : vector<16xf32>
      %swap3A_259 = arith.constant 0 : index
      %swap3A_260 = tpu.vector_load %arg10[%swap3A_259] {strides = array<i32>} : memref<32xf32, #tpu.memory_space<vmem>>, vector<16xf32>,
      tpu.vector_store %arg10[%swap3A_259], %add3A_258 {strides = array<i32>} : memref<32xf32, #tpu.memory_space<vmem>>, vector<16xf32>,
      %swap3A_261 = arith.constant 16 : index
      %swap3A_262 = tpu.vector_load %arg10[%swap3A_261] {strides = array<i32>} : memref<32xf32, #tpu.memory_space<vmem>>, vector<16xf32>,
      tpu.vector_store %arg10[%swap3A_261], %add3A_258 {strides = array<i32>} : memref<32xf32, #tpu.memory_space<vmem>>, vector<16xf32>,
      %get3A_263 = arith.constant 1 : index
      %get3A_264 = tpu.vector_load %arg10[%get3A_263] {strides = array<i32>} : memref<32xf32, #tpu.memory_space<vmem>>, vector<16xf32>,
      %add3A_265 = arith.addf %add3A_258, %get3A_264 : vector<16xf32>
      %bitcast3A_266 = vector.bitcast %add3A_265 : vector<16xf32> to vector<16xi32>
      %shift_right_arithmetic3A_267 = arith.constant 1 : i32
      %shift_right_arithmetic3A_268 = vector.broadcast %shift_right_arithmetic3A_267 : i32 to vector<16xi32>
      %shift_right_arithmetic3A_269 = arith.shrsi %bitcast3A_266, %shift_right_arithmetic3A_268 : vector<16xi32>
      %sub3A_270 = arith.constant 1597463007 : i32
      %sub3A_271 = vector.broadcast %sub3A_270 : i32 to vector<16xi32>
      %sub3A_272 = arith.subi %sub3A_271, %shift_right_arithmetic3A_269 : vector<16xi32>
      %bitcast3A_273 = vector.bitcast %sub3A_272 : vector<16xi32> to vector<16xf32>
      %mul3A_274 = arith.constant 5.000000e-01 : f32
      %mul3A_275 = vector.broadcast %mul3A_274 : f32 to vector<16xf32>
      %mul3A_276 = arith.mulf %mul3A_275, %add3A_265 : vector<16xf32>
      %mul3A_277 = arith.mulf %mul3A_276, %bitcast3A_273 : vector<16xf32>
      %mul3A_278 = arith.mulf %mul3A_277, %bitcast3A_273 : vector<16xf32>
      %sub3A_279 = arith.constant 1.500000e+00 : f32
      %sub3A_280 = vector.broadcast %sub3A_279 : f32 to vector<16xf32>
      %sub3A_281 = arith.subf %sub3A_280, %mul3A_278 : vector<16xf32>
      %mul3A_282 = arith.mulf %bitcast3A_273, %sub3A_281 : vector<16xf32>
      %mul3A_283 = arith.constant 5.000000e-01 : f32
      %mul3A_284 = vector.broadcast %mul3A_283 : f32 to vector<16xf32>
      %mul3A_285 = arith.mulf %mul3A_284, %add3A_265 : vector<16xf32>
      %mul3A_286 = arith.mulf %mul3A_285, %mul3A_282 : vector<16xf32>
      %mul3A_287 = arith.mulf %mul3A_286, %mul3A_282 : vector<16xf32>
      %sub3A_288 = arith.constant 1.500000e+00 : f32
      %sub3A_289 = vector.broadcast %sub3A_288 : f32 to vector<16xf32>
      %sub3A_290 = arith.subf %sub3A_289, %mul3A_287 : vector<16xf32>
      %mul3A_291 = arith.mulf %mul3A_282, %sub3A_290 : vector<16xf32>
      %mul3A_292 = arith.constant 5.000000e-01 : f32
      %mul3A_293 = vector.broadcast %mul3A_292 : f32 to vector<16xf32>
      %mul3A_294 = arith.mulf %mul3A_293, %add3A_265 : vector<16xf32>
      %mul3A_295 = arith.mulf %mul3A_294, %mul3A_291 : vector<16xf32>
      %mul3A_296 = arith.mulf %mul3A_295, %mul3A_291 : vector<16xf32>
      %sub3A_297 = arith.constant 1.500000e+00 : f32
      %sub3A_298 = vector.broadcast %sub3A_297 : f32 to vector<16xf32>
      %sub3A_299 = arith.subf %sub3A_298, %mul3A_296 : vector<16xf32>
      %mul3A_300 = arith.mulf %mul3A_291, %sub3A_299 : vector<16xf32>
      %mul3A_301 = arith.mulf %add3A_265, %mul3A_300 : vector<16xf32>
      %max3A_302 = arith.constant 9.99999996E-13 : f32
      %max3A_303 = vector.broadcast %max3A_302 : f32 to vector<16xf32>
      %max3A_304 = arith.maximumf %mul3A_301, %max3A_303 : vector<16xf32>
      %div3A_305 = arith.divf %gather3A_194, %max3A_304 : vector<16xf32>
      %swap3A_306 = arith.constant 1 : i32
      %swap3A_307 = arith.index_cast %swap3A_306 : i32 to index
      %swap3A_308 = arith.constant 0 : index
      %swap3A_309 = tpu.vector_load %arg9[%swap3A_307, %swap3A_308] {strides = array<i32>} : memref<8x128xf32, #tpu.memory_space<vmem>>, vector<16xf32>,
      tpu.vector_store %arg9[%swap3A_307, %swap3A_308], %div3A_305 {strides = array<i32>} : memref<8x128xf32, #tpu.memory_space<vmem>>, vector<16xf32>,
      %div3A_310 = arith.divf %gather3A_198, %max3A_304 : vector<16xf32>
      %swap3A_311 = arith.constant 1 : i32
      %swap3A_312 = arith.index_cast %swap3A_311 : i32 to index
      %swap3A_313 = arith.constant 16 : index
      %swap3A_314 = tpu.vector_load %arg9[%swap3A_312, %swap3A_313] {strides = array<i32>} : memref<8x128xf32, #tpu.memory_space<vmem>>, vector<16xf32>,
      tpu.vector_store %arg9[%swap3A_312, %swap3A_313], %div3A_310 {strides = array<i32>} : memref<8x128xf32, #tpu.memory_space<vmem>>, vector<16xf32>,
      %div3A_315 = arith.divf %gather3A_202, %max3A_304 : vector<16xf32>
      %swap3A_316 = arith.constant 1 : i32
      %swap3A_317 = arith.index_cast %swap3A_316 : i32 to index
      %swap3A_318 = arith.constant 32 : index
      %swap3A_319 = tpu.vector_load %arg9[%swap3A_317, %swap3A_318] {strides = array<i32>} : memref<8x128xf32, #tpu.memory_space<vmem>>, vector<16xf32>,
      tpu.vector_store %arg9[%swap3A_317, %swap3A_318], %div3A_315 {strides = array<i32>} : memref<8x128xf32, #tpu.memory_space<vmem>>, vector<16xf32>,
      %div3A_320 = arith.divf %gather3A_206, %max3A_304 : vector<16xf32>
      %swap3A_321 = arith.constant 1 : i32
      %swap3A_322 = arith.index_cast %swap3A_321 : i32 to index
      %swap3A_323 = arith.constant 48 : index
      %swap3A_324 = tpu.vector_load %arg9[%swap3A_322, %swap3A_323] {strides = array<i32>} : memref<8x128xf32, #tpu.memory_space<vmem>>, vector<16xf32>,
      tpu.vector_store %arg9[%swap3A_322, %swap3A_323], %div3A_320 {strides = array<i32>} : memref<8x128xf32, #tpu.memory_space<vmem>>, vector<16xf32>,
      %div3A_325 = arith.divf %gather3A_210, %max3A_304 : vector<16xf32>
      %swap3A_326 = arith.constant 1 : i32
      %swap3A_327 = arith.index_cast %swap3A_326 : i32 to index
      %swap3A_328 = arith.constant 64 : index
      %swap3A_329 = tpu.vector_load %arg9[%swap3A_327, %swap3A_328] {strides = array<i32>} : memref<8x128xf32, #tpu.memory_space<vmem>>, vector<16xf32>,
      tpu.vector_store %arg9[%swap3A_327, %swap3A_328], %div3A_325 {strides = array<i32>} : memref<8x128xf32, #tpu.memory_space<vmem>>, vector<16xf32>,
      %div3A_330 = arith.divf %gather3A_214, %max3A_304 : vector<16xf32>
      %swap3A_331 = arith.constant 1 : i32
      %swap3A_332 = arith.index_cast %swap3A_331 : i32 to index
      %swap3A_333 = arith.constant 80 : index
      %swap3A_334 = tpu.vector_load %arg9[%swap3A_332, %swap3A_333] {strides = array<i32>} : memref<8x128xf32, #tpu.memory_space<vmem>>, vector<16xf32>,
      tpu.vector_store %arg9[%swap3A_332, %swap3A_333], %div3A_330 {strides = array<i32>} : memref<8x128xf32, #tpu.memory_space<vmem>>, vector<16xf32>,
      %div3A_335 = arith.divf %gather3A_218, %max3A_304 : vector<16xf32>
      %swap3A_336 = arith.constant 1 : i32
      %swap3A_337 = arith.index_cast %swap3A_336 : i32 to index
      %swap3A_338 = arith.constant 96 : index
      %swap3A_339 = tpu.vector_load %arg9[%swap3A_337, %swap3A_338] {strides = array<i32>} : memref<8x128xf32, #tpu.memory_space<vmem>>, vector<16xf32>,
      tpu.vector_store %arg9[%swap3A_337, %swap3A_338], %div3A_335 {strides = array<i32>} : memref<8x128xf32, #tpu.memory_space<vmem>>, vector<16xf32>,
      %div3A_340 = arith.divf %gather3A_222, %max3A_304 : vector<16xf32>
      %swap3A_341 = arith.constant 1 : i32
      %swap3A_342 = arith.index_cast %swap3A_341 : i32 to index
      %swap3A_343 = arith.constant 112 : index
      %swap3A_344 = tpu.vector_load %arg9[%swap3A_342, %swap3A_343] {strides = array<i32>} : memref<8x128xf32, #tpu.memory_space<vmem>>, vector<16xf32>,
      tpu.vector_store %arg9[%swap3A_342, %swap3A_343], %div3A_340 {strides = array<i32>} : memref<8x128xf32, #tpu.memory_space<vmem>>, vector<16xf32>,
      %dma_start3A_345 = arith.constant 2 : i32
      %dma_start3A_346 = arith.constant 0 : i32
      %dma_start3A_347 = tpu.memref_slice %arg6[%dma_start3A_345, %dma_start3A_346] : memref<8x128xi32, #tpu.memory_space<vmem>> -> memref<1x128xi32, #tpu.memory_space<vmem>>
      %dma_start3A_348 = tpu.memref_squeeze %dma_start3A_347 : memref<1x128xi32, #tpu.memory_space<vmem>> -> memref<128xi32, #tpu.memory_space<vmem>>
      %dma_start3A_349 = tpu.memref_reshape %arg2 : memref<2x128x512x512xf32, #tpu.memory_space<hbm>> -> memref<131072x512xf32, #tpu.memory_space<hbm>>
      %dma_start3A_350 = arith.constant 0 : i32
      %dma_start3A_351 = arith.constant 0 : i32
      %dma_start3A_352 = tpu.memref_slice %dma_start3A_349[%dma_start3A_350, %dma_start3A_351] : memref<131072x512xf32, #tpu.memory_space<hbm>> -> memref<131072x512xf32, #tpu.memory_space<hbm>>
      tpu.enqueue_indirect_dma source(%dma_start3A_352 : memref<131072x512xf32, #tpu.memory_space<hbm>>) target(%arg8 : memref<128x512xf32, #tpu.memory_space<vmem>>) offsets(%dma_start3A_348 : memref<128xi32, #tpu.memory_space<vmem>>) semaphore(%arg11 : memref<!tpu.dma_semaphore, #tpu.memory_space<semaphore_mem>>)
      %dma_wait3A_353 = arith.constant 2 : i32
      %dma_wait3A_354 = arith.constant 0 : i32
      %dma_wait3A_355 = tpu.memref_slice %arg6[%dma_wait3A_353, %dma_wait3A_354] : memref<8x128xi32, #tpu.memory_space<vmem>> -> memref<1x128xi32, #tpu.memory_space<vmem>>
      %dma_wait3A_356 = tpu.memref_squeeze %dma_wait3A_355 : memref<1x128xi32, #tpu.memory_space<vmem>> -> memref<128xi32, #tpu.memory_space<vmem>>
      %dma_wait3A_357 = tpu.memref_reshape %arg2 : memref<2x128x512x512xf32, #tpu.memory_space<hbm>> -> memref<131072x512xf32, #tpu.memory_space<hbm>>
      %dma_wait3A_358 = arith.constant 0 : i32
      %dma_wait3A_359 = arith.constant 0 : i32
      %dma_wait3A_360 = tpu.memref_slice %dma_wait3A_357[%dma_wait3A_358, %dma_wait3A_359] : memref<131072x512xf32, #tpu.memory_space<hbm>> -> memref<131072x512xf32, #tpu.memory_space<hbm>>
      tpu.wait_indirect_dma semaphore(%arg11 : memref<!tpu.dma_semaphore, #tpu.memory_space<semaphore_mem>>) src(%dma_wait3A_360 : memref<131072x512xf32, #tpu.memory_space<hbm>>) dst(%arg8 : memref<128x512xf32, #tpu.memory_space<vmem>>)
      %get3A_361 = arith.constant 2 : i32
      %get3A_362 = arith.index_cast %get3A_361 : i32 to index
      %get3A_363 = arith.constant 0 : index
      %get3A_364 = tpu.vector_load %arg7[%get3A_362, %get3A_363] {strides = array<i32>} : memref<8x16xi32, #tpu.memory_space<vmem>>, vector<16xi32>,
      %add3A_365 = arith.constant 0 : i32
      %add3A_366 = vector.broadcast %add3A_365 : i32 to vector<16xi32>
      %add3A_367 = arith.addi %add3A_366, %iota3A : vector<16xi32>
      %gather3A_368 = tpu.vector_load_idx %arg8[%add3A_367, %get3A_364] : memref<128x512xf32, #tpu.memory_space<vmem>>[vector<16xi32>, vector<16xi32>], vector<16xf32>,
      %add3A_369 = arith.constant 16 : i32
      %add3A_370 = vector.broadcast %add3A_369 : i32 to vector<16xi32>
      %add3A_371 = arith.addi %add3A_370, %iota3A : vector<16xi32>
      %gather3A_372 = tpu.vector_load_idx %arg8[%add3A_371, %get3A_364] : memref<128x512xf32, #tpu.memory_space<vmem>>[vector<16xi32>, vector<16xi32>], vector<16xf32>,
      %add3A_373 = arith.constant 32 : i32
      %add3A_374 = vector.broadcast %add3A_373 : i32 to vector<16xi32>
      %add3A_375 = arith.addi %add3A_374, %iota3A : vector<16xi32>
      %gather3A_376 = tpu.vector_load_idx %arg8[%add3A_375, %get3A_364] : memref<128x512xf32, #tpu.memory_space<vmem>>[vector<16xi32>, vector<16xi32>], vector<16xf32>,
      %add3A_377 = arith.constant 48 : i32
      %add3A_378 = vector.broadcast %add3A_377 : i32 to vector<16xi32>
      %add3A_379 = arith.addi %add3A_378, %iota3A : vector<16xi32>
      %gather3A_380 = tpu.vector_load_idx %arg8[%add3A_379, %get3A_364] : memref<128x512xf32, #tpu.memory_space<vmem>>[vector<16xi32>, vector<16xi32>], vector<16xf32>,
      %add3A_381 = arith.constant 64 : i32
      %add3A_382 = vector.broadcast %add3A_381 : i32 to vector<16xi32>
      %add3A_383 = arith.addi %add3A_382, %iota3A : vector<16xi32>
      %gather3A_384 = tpu.vector_load_idx %arg8[%add3A_383, %get3A_364] : memref<128x512xf32, #tpu.memory_space<vmem>>[vector<16xi32>, vector<16xi32>], vector<16xf32>,
      %add3A_385 = arith.constant 80 : i32
      %add3A_386 = vector.broadcast %add3A_385 : i32 to vector<16xi32>
      %add3A_387 = arith.addi %add3A_386, %iota3A : vector<16xi32>
      %gather3A_388 = tpu.vector_load_idx %arg8[%add3A_387, %get3A_364] : memref<128x512xf32, #tpu.memory_space<vmem>>[vector<16xi32>, vector<16xi32>], vector<16xf32>,
      %add3A_389 = arith.constant 96 : i32
      %add3A_390 = vector.broadcast %add3A_389 : i32 to vector<16xi32>
      %add3A_391 = arith.addi %add3A_390, %iota3A : vector<16xi32>
      %gather3A_392 = tpu.vector_load_idx %arg8[%add3A_391, %get3A_364] : memref<128x512xf32, #tpu.memory_space<vmem>>[vector<16xi32>, vector<16xi32>], vector<16xf32>,
      %add3A_393 = arith.constant 112 : i32
      %add3A_394 = vector.broadcast %add3A_393 : i32 to vector<16xi32>
      %add3A_395 = arith.addi %add3A_394, %iota3A : vector<16xi32>
      %gather3A_396 = tpu.vector_load_idx %arg8[%add3A_395, %get3A_364] : memref<128x512xf32, #tpu.memory_space<vmem>>[vector<16xi32>, vector<16xi32>], vector<16xf32>,
      %mul3A_397 = arith.mulf %gather3A_368, %gather3A_368 : vector<16xf32>
      %mul3A_398 = arith.mulf %gather3A_372, %gather3A_372 : vector<16xf32>
      %add3A_399 = arith.addf %mul3A_397, %mul3A_398 : vector<16xf32>
      %mul3A_400 = arith.mulf %gather3A_376, %gather3A_376 : vector<16xf32>
      %add3A_401 = arith.addf %add3A_399, %mul3A_400 : vector<16xf32>
      %mul3A_402 = arith.mulf %gather3A_380, %gather3A_380 : vector<16xf32>
      %add3A_403 = arith.addf %add3A_401, %mul3A_402 : vector<16xf32>
      %mul3A_404 = arith.mulf %gather3A_384, %gather3A_384 : vector<16xf32>
      %add3A_405 = arith.addf %add3A_403, %mul3A_404 : vector<16xf32>
      %mul3A_406 = arith.mulf %gather3A_388, %gather3A_388 : vector<16xf32>
      %add3A_407 = arith.addf %add3A_405, %mul3A_406 : vector<16xf32>
      %mul3A_408 = arith.mulf %gather3A_392, %gather3A_392 : vector<16xf32>
      %add3A_409 = arith.addf %add3A_407, %mul3A_408 : vector<16xf32>
      %mul3A_410 = arith.mulf %gather3A_396, %gather3A_396 : vector<16xf32>
      %add3A_411 = arith.addf %add3A_409, %mul3A_410 : vector<16xf32>
      %swap3A_412 = arith.constant 0 : index
      %swap3A_413 = tpu.vector_load %arg10[%swap3A_412] {strides = array<i32>} : memref<32xf32, #tpu.memory_space<vmem>>, vector<16xf32>,
      tpu.vector_store %arg10[%swap3A_412], %add3A_411 {strides = array<i32>} : memref<32xf32, #tpu.memory_space<vmem>>, vector<16xf32>,
      %swap3A_414 = arith.constant 16 : index
      %swap3A_415 = tpu.vector_load %arg10[%swap3A_414] {strides = array<i32>} : memref<32xf32, #tpu.memory_space<vmem>>, vector<16xf32>,
      tpu.vector_store %arg10[%swap3A_414], %add3A_411 {strides = array<i32>} : memref<32xf32, #tpu.memory_space<vmem>>, vector<16xf32>,
      %get3A_416 = arith.constant 8 : index
      %get3A_417 = tpu.vector_load %arg10[%get3A_416] {strides = array<i32>} : memref<32xf32, #tpu.memory_space<vmem>>, vector<16xf32>,
      %add3A_418 = arith.addf %add3A_411, %get3A_417 : vector<16xf32>
      %swap3A_419 = arith.constant 0 : index
      %swap3A_420 = tpu.vector_load %arg10[%swap3A_419] {strides = array<i32>} : memref<32xf32, #tpu.memory_space<vmem>>, vector<16xf32>,
      tpu.vector_store %arg10[%swap3A_419], %add3A_418 {strides = array<i32>} : memref<32xf32, #tpu.memory_space<vmem>>, vector<16xf32>,
      %swap3A_421 = arith.constant 16 : index
      %swap3A_422 = tpu.vector_load %arg10[%swap3A_421] {strides = array<i32>} : memref<32xf32, #tpu.memory_space<vmem>>, vector<16xf32>,
      tpu.vector_store %arg10[%swap3A_421], %add3A_418 {strides = array<i32>} : memref<32xf32, #tpu.memory_space<vmem>>, vector<16xf32>,
      %get3A_423 = arith.constant 4 : index
      %get3A_424 = tpu.vector_load %arg10[%get3A_423] {strides = array<i32>} : memref<32xf32, #tpu.memory_space<vmem>>, vector<16xf32>,
      %add3A_425 = arith.addf %add3A_418, %get3A_424 : vector<16xf32>
      %swap3A_426 = arith.constant 0 : index
      %swap3A_427 = tpu.vector_load %arg10[%swap3A_426] {strides = array<i32>} : memref<32xf32, #tpu.memory_space<vmem>>, vector<16xf32>,
      tpu.vector_store %arg10[%swap3A_426], %add3A_425 {strides = array<i32>} : memref<32xf32, #tpu.memory_space<vmem>>, vector<16xf32>,
      %swap3A_428 = arith.constant 16 : index
      %swap3A_429 = tpu.vector_load %arg10[%swap3A_428] {strides = array<i32>} : memref<32xf32, #tpu.memory_space<vmem>>, vector<16xf32>,
      tpu.vector_store %arg10[%swap3A_428], %add3A_425 {strides = array<i32>} : memref<32xf32, #tpu.memory_space<vmem>>, vector<16xf32>,
      %get3A_430 = arith.constant 2 : index
      %get3A_431 = tpu.vector_load %arg10[%get3A_430] {strides = array<i32>} : memref<32xf32, #tpu.memory_space<vmem>>, vector<16xf32>,
      %add3A_432 = arith.addf %add3A_425, %get3A_431 : vector<16xf32>
      %swap3A_433 = arith.constant 0 : index
      %swap3A_434 = tpu.vector_load %arg10[%swap3A_433] {strides = array<i32>} : memref<32xf32, #tpu.memory_space<vmem>>, vector<16xf32>,
      tpu.vector_store %arg10[%swap3A_433], %add3A_432 {strides = array<i32>} : memref<32xf32, #tpu.memory_space<vmem>>, vector<16xf32>,
      %swap3A_435 = arith.constant 16 : index
      %swap3A_436 = tpu.vector_load %arg10[%swap3A_435] {strides = array<i32>} : memref<32xf32, #tpu.memory_space<vmem>>, vector<16xf32>,
      tpu.vector_store %arg10[%swap3A_435], %add3A_432 {strides = array<i32>} : memref<32xf32, #tpu.memory_space<vmem>>, vector<16xf32>,
      %get3A_437 = arith.constant 1 : index
      %get3A_438 = tpu.vector_load %arg10[%get3A_437] {strides = array<i32>} : memref<32xf32, #tpu.memory_space<vmem>>, vector<16xf32>,
      %add3A_439 = arith.addf %add3A_432, %get3A_438 : vector<16xf32>
      %bitcast3A_440 = vector.bitcast %add3A_439 : vector<16xf32> to vector<16xi32>
      %shift_right_arithmetic3A_441 = arith.constant 1 : i32
      %shift_right_arithmetic3A_442 = vector.broadcast %shift_right_arithmetic3A_441 : i32 to vector<16xi32>
      %shift_right_arithmetic3A_443 = arith.shrsi %bitcast3A_440, %shift_right_arithmetic3A_442 : vector<16xi32>
      %sub3A_444 = arith.constant 1597463007 : i32
      %sub3A_445 = vector.broadcast %sub3A_444 : i32 to vector<16xi32>
      %sub3A_446 = arith.subi %sub3A_445, %shift_right_arithmetic3A_443 : vector<16xi32>
      %bitcast3A_447 = vector.bitcast %sub3A_446 : vector<16xi32> to vector<16xf32>
      %mul3A_448 = arith.constant 5.000000e-01 : f32
      %mul3A_449 = vector.broadcast %mul3A_448 : f32 to vector<16xf32>
      %mul3A_450 = arith.mulf %mul3A_449, %add3A_439 : vector<16xf32>
      %mul3A_451 = arith.mulf %mul3A_450, %bitcast3A_447 : vector<16xf32>
      %mul3A_452 = arith.mulf %mul3A_451, %bitcast3A_447 : vector<16xf32>
      %sub3A_453 = arith.constant 1.500000e+00 : f32
      %sub3A_454 = vector.broadcast %sub3A_453 : f32 to vector<16xf32>
      %sub3A_455 = arith.subf %sub3A_454, %mul3A_452 : vector<16xf32>
      %mul3A_456 = arith.mulf %bitcast3A_447, %sub3A_455 : vector<16xf32>
      %mul3A_457 = arith.constant 5.000000e-01 : f32
      %mul3A_458 = vector.broadcast %mul3A_457 : f32 to vector<16xf32>
      %mul3A_459 = arith.mulf %mul3A_458, %add3A_439 : vector<16xf32>
      %mul3A_460 = arith.mulf %mul3A_459, %mul3A_456 : vector<16xf32>
      %mul3A_461 = arith.mulf %mul3A_460, %mul3A_456 : vector<16xf32>
      %sub3A_462 = arith.constant 1.500000e+00 : f32
      %sub3A_463 = vector.broadcast %sub3A_462 : f32 to vector<16xf32>
      %sub3A_464 = arith.subf %sub3A_463, %mul3A_461 : vector<16xf32>
      %mul3A_465 = arith.mulf %mul3A_456, %sub3A_464 : vector<16xf32>
      %mul3A_466 = arith.constant 5.000000e-01 : f32
      %mul3A_467 = vector.broadcast %mul3A_466 : f32 to vector<16xf32>
      %mul3A_468 = arith.mulf %mul3A_467, %add3A_439 : vector<16xf32>
      %mul3A_469 = arith.mulf %mul3A_468, %mul3A_465 : vector<16xf32>
      %mul3A_470 = arith.mulf %mul3A_469, %mul3A_465 : vector<16xf32>
      %sub3A_471 = arith.constant 1.500000e+00 : f32
      %sub3A_472 = vector.broadcast %sub3A_471 : f32 to vector<16xf32>
      %sub3A_473 = arith.subf %sub3A_472, %mul3A_470 : vector<16xf32>
      %mul3A_474 = arith.mulf %mul3A_465, %sub3A_473 : vector<16xf32>
      %mul3A_475 = arith.mulf %add3A_439, %mul3A_474 : vector<16xf32>
      %max3A_476 = arith.constant 9.99999996E-13 : f32
      %max3A_477 = vector.broadcast %max3A_476 : f32 to vector<16xf32>
      %max3A_478 = arith.maximumf %mul3A_475, %max3A_477 : vector<16xf32>
      %div3A_479 = arith.divf %gather3A_368, %max3A_478 : vector<16xf32>
      %swap3A_480 = arith.constant 2 : i32
      %swap3A_481 = arith.index_cast %swap3A_480 : i32 to index
      %swap3A_482 = arith.constant 0 : index
      %swap3A_483 = tpu.vector_load %arg9[%swap3A_481, %swap3A_482] {strides = array<i32>} : memref<8x128xf32, #tpu.memory_space<vmem>>, vector<16xf32>,
      tpu.vector_store %arg9[%swap3A_481, %swap3A_482], %div3A_479 {strides = array<i32>} : memref<8x128xf32, #tpu.memory_space<vmem>>, vector<16xf32>,
      %div3A_484 = arith.divf %gather3A_372, %max3A_478 : vector<16xf32>
      %swap3A_485 = arith.constant 2 : i32
      %swap3A_486 = arith.index_cast %swap3A_485 : i32 to index
      %swap3A_487 = arith.constant 16 : index
      %swap3A_488 = tpu.vector_load %arg9[%swap3A_486, %swap3A_487] {strides = array<i32>} : memref<8x128xf32, #tpu.memory_space<vmem>>, vector<16xf32>,
      tpu.vector_store %arg9[%swap3A_486, %swap3A_487], %div3A_484 {strides = array<i32>} : memref<8x128xf32, #tpu.memory_space<vmem>>, vector<16xf32>,
      %div3A_489 = arith.divf %gather3A_376, %max3A_478 : vector<16xf32>
      %swap3A_490 = arith.constant 2 : i32
      %swap3A_491 = arith.index_cast %swap3A_490 : i32 to index
      %swap3A_492 = arith.constant 32 : index
      %swap3A_493 = tpu.vector_load %arg9[%swap3A_491, %swap3A_492] {strides = array<i32>} : memref<8x128xf32, #tpu.memory_space<vmem>>, vector<16xf32>,
      tpu.vector_store %arg9[%swap3A_491, %swap3A_492], %div3A_489 {strides = array<i32>} : memref<8x128xf32, #tpu.memory_space<vmem>>, vector<16xf32>,
      %div3A_494 = arith.divf %gather3A_380, %max3A_478 : vector<16xf32>
      %swap3A_495 = arith.constant 2 : i32
      %swap3A_496 = arith.index_cast %swap3A_495 : i32 to index
      %swap3A_497 = arith.constant 48 : index
      %swap3A_498 = tpu.vector_load %arg9[%swap3A_496, %swap3A_497] {strides = array<i32>} : memref<8x128xf32, #tpu.memory_space<vmem>>, vector<16xf32>,
      tpu.vector_store %arg9[%swap3A_496, %swap3A_497], %div3A_494 {strides = array<i32>} : memref<8x128xf32, #tpu.memory_space<vmem>>, vector<16xf32>,
      %div3A_499 = arith.divf %gather3A_384, %max3A_478 : vector<16xf32>
      %swap3A_500 = arith.constant 2 : i32
      %swap3A_501 = arith.index_cast %swap3A_500 : i32 to index
      %swap3A_502 = arith.constant 64 : index
      %swap3A_503 = tpu.vector_load %arg9[%swap3A_501, %swap3A_502] {strides = array<i32>} : memref<8x128xf32, #tpu.memory_space<vmem>>, vector<16xf32>,
      tpu.vector_store %arg9[%swap3A_501, %swap3A_502], %div3A_499 {strides = array<i32>} : memref<8x128xf32, #tpu.memory_space<vmem>>, vector<16xf32>,
      %div3A_504 = arith.divf %gather3A_388, %max3A_478 : vector<16xf32>
      %swap3A_505 = arith.constant 2 : i32
      %swap3A_506 = arith.index_cast %swap3A_505 : i32 to index
      %swap3A_507 = arith.constant 80 : index
      %swap3A_508 = tpu.vector_load %arg9[%swap3A_506, %swap3A_507] {strides = array<i32>} : memref<8x128xf32, #tpu.memory_space<vmem>>, vector<16xf32>,
      tpu.vector_store %arg9[%swap3A_506, %swap3A_507], %div3A_504 {strides = array<i32>} : memref<8x128xf32, #tpu.memory_space<vmem>>, vector<16xf32>,
      %div3A_509 = arith.divf %gather3A_392, %max3A_478 : vector<16xf32>
      %swap3A_510 = arith.constant 2 : i32
      %swap3A_511 = arith.index_cast %swap3A_510 : i32 to index
      %swap3A_512 = arith.constant 96 : index
      %swap3A_513 = tpu.vector_load %arg9[%swap3A_511, %swap3A_512] {strides = array<i32>} : memref<8x128xf32, #tpu.memory_space<vmem>>, vector<16xf32>,
      tpu.vector_store %arg9[%swap3A_511, %swap3A_512], %div3A_509 {strides = array<i32>} : memref<8x128xf32, #tpu.memory_space<vmem>>, vector<16xf32>,
      %div3A_514 = arith.divf %gather3A_396, %max3A_478 : vector<16xf32>
      %swap3A_515 = arith.constant 2 : i32
      %swap3A_516 = arith.index_cast %swap3A_515 : i32 to index
      %swap3A_517 = arith.constant 112 : index
      %swap3A_518 = tpu.vector_load %arg9[%swap3A_516, %swap3A_517] {strides = array<i32>} : memref<8x128xf32, #tpu.memory_space<vmem>>, vector<16xf32>,
      tpu.vector_store %arg9[%swap3A_516, %swap3A_517], %div3A_514 {strides = array<i32>} : memref<8x128xf32, #tpu.memory_space<vmem>>, vector<16xf32>,
      %dma_start3A_519 = arith.constant 3 : i32
      %dma_start3A_520 = arith.constant 0 : i32
      %dma_start3A_521 = tpu.memref_slice %arg6[%dma_start3A_519, %dma_start3A_520] : memref<8x128xi32, #tpu.memory_space<vmem>> -> memref<1x128xi32, #tpu.memory_space<vmem>>
      %dma_start3A_522 = tpu.memref_squeeze %dma_start3A_521 : memref<1x128xi32, #tpu.memory_space<vmem>> -> memref<128xi32, #tpu.memory_space<vmem>>
      %dma_start3A_523 = tpu.memref_reshape %arg2 : memref<2x128x512x512xf32, #tpu.memory_space<hbm>> -> memref<131072x512xf32, #tpu.memory_space<hbm>>
      %dma_start3A_524 = arith.constant 0 : i32
      %dma_start3A_525 = arith.constant 0 : i32
      %dma_start3A_526 = tpu.memref_slice %dma_start3A_523[%dma_start3A_524, %dma_start3A_525] : memref<131072x512xf32, #tpu.memory_space<hbm>> -> memref<131072x512xf32, #tpu.memory_space<hbm>>
      tpu.enqueue_indirect_dma source(%dma_start3A_526 : memref<131072x512xf32, #tpu.memory_space<hbm>>) target(%arg8 : memref<128x512xf32, #tpu.memory_space<vmem>>) offsets(%dma_start3A_522 : memref<128xi32, #tpu.memory_space<vmem>>) semaphore(%arg11 : memref<!tpu.dma_semaphore, #tpu.memory_space<semaphore_mem>>)
      %dma_wait3A_527 = arith.constant 3 : i32
      %dma_wait3A_528 = arith.constant 0 : i32
      %dma_wait3A_529 = tpu.memref_slice %arg6[%dma_wait3A_527, %dma_wait3A_528] : memref<8x128xi32, #tpu.memory_space<vmem>> -> memref<1x128xi32, #tpu.memory_space<vmem>>
      %dma_wait3A_530 = tpu.memref_squeeze %dma_wait3A_529 : memref<1x128xi32, #tpu.memory_space<vmem>> -> memref<128xi32, #tpu.memory_space<vmem>>
      %dma_wait3A_531 = tpu.memref_reshape %arg2 : memref<2x128x512x512xf32, #tpu.memory_space<hbm>> -> memref<131072x512xf32, #tpu.memory_space<hbm>>
      %dma_wait3A_532 = arith.constant 0 : i32
      %dma_wait3A_533 = arith.constant 0 : i32
      %dma_wait3A_534 = tpu.memref_slice %dma_wait3A_531[%dma_wait3A_532, %dma_wait3A_533] : memref<131072x512xf32, #tpu.memory_space<hbm>> -> memref<131072x512xf32, #tpu.memory_space<hbm>>
      tpu.wait_indirect_dma semaphore(%arg11 : memref<!tpu.dma_semaphore, #tpu.memory_space<semaphore_mem>>) src(%dma_wait3A_534 : memref<131072x512xf32, #tpu.memory_space<hbm>>) dst(%arg8 : memref<128x512xf32, #tpu.memory_space<vmem>>)
      %get3A_535 = arith.constant 3 : i32
      %get3A_536 = arith.index_cast %get3A_535 : i32 to index
      %get3A_537 = arith.constant 0 : index
      %get3A_538 = tpu.vector_load %arg7[%get3A_536, %get3A_537] {strides = array<i32>} : memref<8x16xi32, #tpu.memory_space<vmem>>, vector<16xi32>,
      %add3A_539 = arith.constant 0 : i32
      %add3A_540 = vector.broadcast %add3A_539 : i32 to vector<16xi32>
      %add3A_541 = arith.addi %add3A_540, %iota3A : vector<16xi32>
      %gather3A_542 = tpu.vector_load_idx %arg8[%add3A_541, %get3A_538] : memref<128x512xf32, #tpu.memory_space<vmem>>[vector<16xi32>, vector<16xi32>], vector<16xf32>,
      %add3A_543 = arith.constant 16 : i32
      %add3A_544 = vector.broadcast %add3A_543 : i32 to vector<16xi32>
      %add3A_545 = arith.addi %add3A_544, %iota3A : vector<16xi32>
      %gather3A_546 = tpu.vector_load_idx %arg8[%add3A_545, %get3A_538] : memref<128x512xf32, #tpu.memory_space<vmem>>[vector<16xi32>, vector<16xi32>], vector<16xf32>,
      %add3A_547 = arith.constant 32 : i32
      %add3A_548 = vector.broadcast %add3A_547 : i32 to vector<16xi32>
      %add3A_549 = arith.addi %add3A_548, %iota3A : vector<16xi32>
      %gather3A_550 = tpu.vector_load_idx %arg8[%add3A_549, %get3A_538] : memref<128x512xf32, #tpu.memory_space<vmem>>[vector<16xi32>, vector<16xi32>], vector<16xf32>,
      %add3A_551 = arith.constant 48 : i32
      %add3A_552 = vector.broadcast %add3A_551 : i32 to vector<16xi32>
      %add3A_553 = arith.addi %add3A_552, %iota3A : vector<16xi32>
      %gather3A_554 = tpu.vector_load_idx %arg8[%add3A_553, %get3A_538] : memref<128x512xf32, #tpu.memory_space<vmem>>[vector<16xi32>, vector<16xi32>], vector<16xf32>,
      %add3A_555 = arith.constant 64 : i32
      %add3A_556 = vector.broadcast %add3A_555 : i32 to vector<16xi32>
      %add3A_557 = arith.addi %add3A_556, %iota3A : vector<16xi32>
      %gather3A_558 = tpu.vector_load_idx %arg8[%add3A_557, %get3A_538] : memref<128x512xf32, #tpu.memory_space<vmem>>[vector<16xi32>, vector<16xi32>], vector<16xf32>,
      %add3A_559 = arith.constant 80 : i32
      %add3A_560 = vector.broadcast %add3A_559 : i32 to vector<16xi32>
      %add3A_561 = arith.addi %add3A_560, %iota3A : vector<16xi32>
      %gather3A_562 = tpu.vector_load_idx %arg8[%add3A_561, %get3A_538] : memref<128x512xf32, #tpu.memory_space<vmem>>[vector<16xi32>, vector<16xi32>], vector<16xf32>,
      %add3A_563 = arith.constant 96 : i32
      %add3A_564 = vector.broadcast %add3A_563 : i32 to vector<16xi32>
      %add3A_565 = arith.addi %add3A_564, %iota3A : vector<16xi32>
      %gather3A_566 = tpu.vector_load_idx %arg8[%add3A_565, %get3A_538] : memref<128x512xf32, #tpu.memory_space<vmem>>[vector<16xi32>, vector<16xi32>], vector<16xf32>,
      %add3A_567 = arith.constant 112 : i32
      %add3A_568 = vector.broadcast %add3A_567 : i32 to vector<16xi32>
      %add3A_569 = arith.addi %add3A_568, %iota3A : vector<16xi32>
      %gather3A_570 = tpu.vector_load_idx %arg8[%add3A_569, %get3A_538] : memref<128x512xf32, #tpu.memory_space<vmem>>[vector<16xi32>, vector<16xi32>], vector<16xf32>,
      %mul3A_571 = arith.mulf %gather3A_542, %gather3A_542 : vector<16xf32>
      %mul3A_572 = arith.mulf %gather3A_546, %gather3A_546 : vector<16xf32>
      %add3A_573 = arith.addf %mul3A_571, %mul3A_572 : vector<16xf32>
      %mul3A_574 = arith.mulf %gather3A_550, %gather3A_550 : vector<16xf32>
      %add3A_575 = arith.addf %add3A_573, %mul3A_574 : vector<16xf32>
      %mul3A_576 = arith.mulf %gather3A_554, %gather3A_554 : vector<16xf32>
      %add3A_577 = arith.addf %add3A_575, %mul3A_576 : vector<16xf32>
      %mul3A_578 = arith.mulf %gather3A_558, %gather3A_558 : vector<16xf32>
      %add3A_579 = arith.addf %add3A_577, %mul3A_578 : vector<16xf32>
      %mul3A_580 = arith.mulf %gather3A_562, %gather3A_562 : vector<16xf32>
      %add3A_581 = arith.addf %add3A_579, %mul3A_580 : vector<16xf32>
      %mul3A_582 = arith.mulf %gather3A_566, %gather3A_566 : vector<16xf32>
      %add3A_583 = arith.addf %add3A_581, %mul3A_582 : vector<16xf32>
      %mul3A_584 = arith.mulf %gather3A_570, %gather3A_570 : vector<16xf32>
      %add3A_585 = arith.addf %add3A_583, %mul3A_584 : vector<16xf32>
      %swap3A_586 = arith.constant 0 : index
      %swap3A_587 = tpu.vector_load %arg10[%swap3A_586] {strides = array<i32>} : memref<32xf32, #tpu.memory_space<vmem>>, vector<16xf32>,
      tpu.vector_store %arg10[%swap3A_586], %add3A_585 {strides = array<i32>} : memref<32xf32, #tpu.memory_space<vmem>>, vector<16xf32>,
      %swap3A_588 = arith.constant 16 : index
      %swap3A_589 = tpu.vector_load %arg10[%swap3A_588] {strides = array<i32>} : memref<32xf32, #tpu.memory_space<vmem>>, vector<16xf32>,
      tpu.vector_store %arg10[%swap3A_588], %add3A_585 {strides = array<i32>} : memref<32xf32, #tpu.memory_space<vmem>>, vector<16xf32>,
      %get3A_590 = arith.constant 8 : index
      %get3A_591 = tpu.vector_load %arg10[%get3A_590] {strides = array<i32>} : memref<32xf32, #tpu.memory_space<vmem>>, vector<16xf32>,
      %add3A_592 = arith.addf %add3A_585, %get3A_591 : vector<16xf32>
      %swap3A_593 = arith.constant 0 : index
      %swap3A_594 = tpu.vector_load %arg10[%swap3A_593] {strides = array<i32>} : memref<32xf32, #tpu.memory_space<vmem>>, vector<16xf32>,
      tpu.vector_store %arg10[%swap3A_593], %add3A_592 {strides = array<i32>} : memref<32xf32, #tpu.memory_space<vmem>>, vector<16xf32>,
      %swap3A_595 = arith.constant 16 : index
      %swap3A_596 = tpu.vector_load %arg10[%swap3A_595] {strides = array<i32>} : memref<32xf32, #tpu.memory_space<vmem>>, vector<16xf32>,
      tpu.vector_store %arg10[%swap3A_595], %add3A_592 {strides = array<i32>} : memref<32xf32, #tpu.memory_space<vmem>>, vector<16xf32>,
      %get3A_597 = arith.constant 4 : index
      %get3A_598 = tpu.vector_load %arg10[%get3A_597] {strides = array<i32>} : memref<32xf32, #tpu.memory_space<vmem>>, vector<16xf32>,
      %add3A_599 = arith.addf %add3A_592, %get3A_598 : vector<16xf32>
      %swap3A_600 = arith.constant 0 : index
      %swap3A_601 = tpu.vector_load %arg10[%swap3A_600] {strides = array<i32>} : memref<32xf32, #tpu.memory_space<vmem>>, vector<16xf32>,
      tpu.vector_store %arg10[%swap3A_600], %add3A_599 {strides = array<i32>} : memref<32xf32, #tpu.memory_space<vmem>>, vector<16xf32>,
      %swap3A_602 = arith.constant 16 : index
      %swap3A_603 = tpu.vector_load %arg10[%swap3A_602] {strides = array<i32>} : memref<32xf32, #tpu.memory_space<vmem>>, vector<16xf32>,
      tpu.vector_store %arg10[%swap3A_602], %add3A_599 {strides = array<i32>} : memref<32xf32, #tpu.memory_space<vmem>>, vector<16xf32>,
      %get3A_604 = arith.constant 2 : index
      %get3A_605 = tpu.vector_load %arg10[%get3A_604] {strides = array<i32>} : memref<32xf32, #tpu.memory_space<vmem>>, vector<16xf32>,
      %add3A_606 = arith.addf %add3A_599, %get3A_605 : vector<16xf32>
      %swap3A_607 = arith.constant 0 : index
      %swap3A_608 = tpu.vector_load %arg10[%swap3A_607] {strides = array<i32>} : memref<32xf32, #tpu.memory_space<vmem>>, vector<16xf32>,
      tpu.vector_store %arg10[%swap3A_607], %add3A_606 {strides = array<i32>} : memref<32xf32, #tpu.memory_space<vmem>>, vector<16xf32>,
      %swap3A_609 = arith.constant 16 : index
      %swap3A_610 = tpu.vector_load %arg10[%swap3A_609] {strides = array<i32>} : memref<32xf32, #tpu.memory_space<vmem>>, vector<16xf32>,
      tpu.vector_store %arg10[%swap3A_609], %add3A_606 {strides = array<i32>} : memref<32xf32, #tpu.memory_space<vmem>>, vector<16xf32>,
      %get3A_611 = arith.constant 1 : index
      %get3A_612 = tpu.vector_load %arg10[%get3A_611] {strides = array<i32>} : memref<32xf32, #tpu.memory_space<vmem>>, vector<16xf32>,
      %add3A_613 = arith.addf %add3A_606, %get3A_612 : vector<16xf32>
      %bitcast3A_614 = vector.bitcast %add3A_613 : vector<16xf32> to vector<16xi32>
      %shift_right_arithmetic3A_615 = arith.constant 1 : i32
      %shift_right_arithmetic3A_616 = vector.broadcast %shift_right_arithmetic3A_615 : i32 to vector<16xi32>
      %shift_right_arithmetic3A_617 = arith.shrsi %bitcast3A_614, %shift_right_arithmetic3A_616 : vector<16xi32>
      %sub3A_618 = arith.constant 1597463007 : i32
      %sub3A_619 = vector.broadcast %sub3A_618 : i32 to vector<16xi32>
      %sub3A_620 = arith.subi %sub3A_619, %shift_right_arithmetic3A_617 : vector<16xi32>
      %bitcast3A_621 = vector.bitcast %sub3A_620 : vector<16xi32> to vector<16xf32>
      %mul3A_622 = arith.constant 5.000000e-01 : f32
      %mul3A_623 = vector.broadcast %mul3A_622 : f32 to vector<16xf32>
      %mul3A_624 = arith.mulf %mul3A_623, %add3A_613 : vector<16xf32>
      %mul3A_625 = arith.mulf %mul3A_624, %bitcast3A_621 : vector<16xf32>
      %mul3A_626 = arith.mulf %mul3A_625, %bitcast3A_621 : vector<16xf32>
      %sub3A_627 = arith.constant 1.500000e+00 : f32
      %sub3A_628 = vector.broadcast %sub3A_627 : f32 to vector<16xf32>
      %sub3A_629 = arith.subf %sub3A_628, %mul3A_626 : vector<16xf32>
      %mul3A_630 = arith.mulf %bitcast3A_621, %sub3A_629 : vector<16xf32>
      %mul3A_631 = arith.constant 5.000000e-01 : f32
      %mul3A_632 = vector.broadcast %mul3A_631 : f32 to vector<16xf32>
      %mul3A_633 = arith.mulf %mul3A_632, %add3A_613 : vector<16xf32>
      %mul3A_634 = arith.mulf %mul3A_633, %mul3A_630 : vector<16xf32>
      %mul3A_635 = arith.mulf %mul3A_634, %mul3A_630 : vector<16xf32>
      %sub3A_636 = arith.constant 1.500000e+00 : f32
      %sub3A_637 = vector.broadcast %sub3A_636 : f32 to vector<16xf32>
      %sub3A_638 = arith.subf %sub3A_637, %mul3A_635 : vector<16xf32>
      %mul3A_639 = arith.mulf %mul3A_630, %sub3A_638 : vector<16xf32>
      %mul3A_640 = arith.constant 5.000000e-01 : f32
      %mul3A_641 = vector.broadcast %mul3A_640 : f32 to vector<16xf32>
      %mul3A_642 = arith.mulf %mul3A_641, %add3A_613 : vector<16xf32>
      %mul3A_643 = arith.mulf %mul3A_642, %mul3A_639 : vector<16xf32>
      %mul3A_644 = arith.mulf %mul3A_643, %mul3A_639 : vector<16xf32>
      %sub3A_645 = arith.constant 1.500000e+00 : f32
      %sub3A_646 = vector.broadcast %sub3A_645 : f32 to vector<16xf32>
      %sub3A_647 = arith.subf %sub3A_646, %mul3A_644 : vector<16xf32>
      %mul3A_648 = arith.mulf %mul3A_639, %sub3A_647 : vector<16xf32>
      %mul3A_649 = arith.mulf %add3A_613, %mul3A_648 : vector<16xf32>
      %max3A_650 = arith.constant 9.99999996E-13 : f32
      %max3A_651 = vector.broadcast %max3A_650 : f32 to vector<16xf32>
      %max3A_652 = arith.maximumf %mul3A_649, %max3A_651 : vector<16xf32>
      %div3A_653 = arith.divf %gather3A_542, %max3A_652 : vector<16xf32>
      %swap3A_654 = arith.constant 3 : i32
      %swap3A_655 = arith.index_cast %swap3A_654 : i32 to index
      %swap3A_656 = arith.constant 0 : index
      %swap3A_657 = tpu.vector_load %arg9[%swap3A_655, %swap3A_656] {strides = array<i32>} : memref<8x128xf32, #tpu.memory_space<vmem>>, vector<16xf32>,
      tpu.vector_store %arg9[%swap3A_655, %swap3A_656], %div3A_653 {strides = array<i32>} : memref<8x128xf32, #tpu.memory_space<vmem>>, vector<16xf32>,
      %div3A_658 = arith.divf %gather3A_546, %max3A_652 : vector<16xf32>
      %swap3A_659 = arith.constant 3 : i32
      %swap3A_660 = arith.index_cast %swap3A_659 : i32 to index
      %swap3A_661 = arith.constant 16 : index
      %swap3A_662 = tpu.vector_load %arg9[%swap3A_660, %swap3A_661] {strides = array<i32>} : memref<8x128xf32, #tpu.memory_space<vmem>>, vector<16xf32>,
      tpu.vector_store %arg9[%swap3A_660, %swap3A_661], %div3A_658 {strides = array<i32>} : memref<8x128xf32, #tpu.memory_space<vmem>>, vector<16xf32>,
      %div3A_663 = arith.divf %gather3A_550, %max3A_652 : vector<16xf32>
      %swap3A_664 = arith.constant 3 : i32
      %swap3A_665 = arith.index_cast %swap3A_664 : i32 to index
      %swap3A_666 = arith.constant 32 : index
      %swap3A_667 = tpu.vector_load %arg9[%swap3A_665, %swap3A_666] {strides = array<i32>} : memref<8x128xf32, #tpu.memory_space<vmem>>, vector<16xf32>,
      tpu.vector_store %arg9[%swap3A_665, %swap3A_666], %div3A_663 {strides = array<i32>} : memref<8x128xf32, #tpu.memory_space<vmem>>, vector<16xf32>,
      %div3A_668 = arith.divf %gather3A_554, %max3A_652 : vector<16xf32>
      %swap3A_669 = arith.constant 3 : i32
      %swap3A_670 = arith.index_cast %swap3A_669 : i32 to index
      %swap3A_671 = arith.constant 48 : index
      %swap3A_672 = tpu.vector_load %arg9[%swap3A_670, %swap3A_671] {strides = array<i32>} : memref<8x128xf32, #tpu.memory_space<vmem>>, vector<16xf32>,
      tpu.vector_store %arg9[%swap3A_670, %swap3A_671], %div3A_668 {strides = array<i32>} : memref<8x128xf32, #tpu.memory_space<vmem>>, vector<16xf32>,
      %div3A_673 = arith.divf %gather3A_558, %max3A_652 : vector<16xf32>
      %swap3A_674 = arith.constant 3 : i32
      %swap3A_675 = arith.index_cast %swap3A_674 : i32 to index
      %swap3A_676 = arith.constant 64 : index
      %swap3A_677 = tpu.vector_load %arg9[%swap3A_675, %swap3A_676] {strides = array<i32>} : memref<8x128xf32, #tpu.memory_space<vmem>>, vector<16xf32>,
      tpu.vector_store %arg9[%swap3A_675, %swap3A_676], %div3A_673 {strides = array<i32>} : memref<8x128xf32, #tpu.memory_space<vmem>>, vector<16xf32>,
      %div3A_678 = arith.divf %gather3A_562, %max3A_652 : vector<16xf32>
      %swap3A_679 = arith.constant 3 : i32
      %swap3A_680 = arith.index_cast %swap3A_679 : i32 to index
      %swap3A_681 = arith.constant 80 : index
      %swap3A_682 = tpu.vector_load %arg9[%swap3A_680, %swap3A_681] {strides = array<i32>} : memref<8x128xf32, #tpu.memory_space<vmem>>, vector<16xf32>,
      tpu.vector_store %arg9[%swap3A_680, %swap3A_681], %div3A_678 {strides = array<i32>} : memref<8x128xf32, #tpu.memory_space<vmem>>, vector<16xf32>,
      %div3A_683 = arith.divf %gather3A_566, %max3A_652 : vector<16xf32>
      %swap3A_684 = arith.constant 3 : i32
      %swap3A_685 = arith.index_cast %swap3A_684 : i32 to index
      %swap3A_686 = arith.constant 96 : index
      %swap3A_687 = tpu.vector_load %arg9[%swap3A_685, %swap3A_686] {strides = array<i32>} : memref<8x128xf32, #tpu.memory_space<vmem>>, vector<16xf32>,
      tpu.vector_store %arg9[%swap3A_685, %swap3A_686], %div3A_683 {strides = array<i32>} : memref<8x128xf32, #tpu.memory_space<vmem>>, vector<16xf32>,
      %div3A_688 = arith.divf %gather3A_570, %max3A_652 : vector<16xf32>
      %swap3A_689 = arith.constant 3 : i32
      %swap3A_690 = arith.index_cast %swap3A_689 : i32 to index
      %swap3A_691 = arith.constant 112 : index
      %swap3A_692 = tpu.vector_load %arg9[%swap3A_690, %swap3A_691] {strides = array<i32>} : memref<8x128xf32, #tpu.memory_space<vmem>>, vector<16xf32>,
      tpu.vector_store %arg9[%swap3A_690, %swap3A_691], %div3A_688 {strides = array<i32>} : memref<8x128xf32, #tpu.memory_space<vmem>>, vector<16xf32>,
      %dma_start3A_693 = arith.constant 4 : i32
      %dma_start3A_694 = arith.constant 0 : i32
      %dma_start3A_695 = tpu.memref_slice %arg6[%dma_start3A_693, %dma_start3A_694] : memref<8x128xi32, #tpu.memory_space<vmem>> -> memref<1x128xi32, #tpu.memory_space<vmem>>
      %dma_start3A_696 = tpu.memref_squeeze %dma_start3A_695 : memref<1x128xi32, #tpu.memory_space<vmem>> -> memref<128xi32, #tpu.memory_space<vmem>>
      %dma_start3A_697 = tpu.memref_reshape %arg2 : memref<2x128x512x512xf32, #tpu.memory_space<hbm>> -> memref<131072x512xf32, #tpu.memory_space<hbm>>
      %dma_start3A_698 = arith.constant 0 : i32
      %dma_start3A_699 = arith.constant 0 : i32
      %dma_start3A_700 = tpu.memref_slice %dma_start3A_697[%dma_start3A_698, %dma_start3A_699] : memref<131072x512xf32, #tpu.memory_space<hbm>> -> memref<131072x512xf32, #tpu.memory_space<hbm>>
      tpu.enqueue_indirect_dma source(%dma_start3A_700 : memref<131072x512xf32, #tpu.memory_space<hbm>>) target(%arg8 : memref<128x512xf32, #tpu.memory_space<vmem>>) offsets(%dma_start3A_696 : memref<128xi32, #tpu.memory_space<vmem>>) semaphore(%arg11 : memref<!tpu.dma_semaphore, #tpu.memory_space<semaphore_mem>>)
      %dma_wait3A_701 = arith.constant 4 : i32
      %dma_wait3A_702 = arith.constant 0 : i32
      %dma_wait3A_703 = tpu.memref_slice %arg6[%dma_wait3A_701, %dma_wait3A_702] : memref<8x128xi32, #tpu.memory_space<vmem>> -> memref<1x128xi32, #tpu.memory_space<vmem>>
      %dma_wait3A_704 = tpu.memref_squeeze %dma_wait3A_703 : memref<1x128xi32, #tpu.memory_space<vmem>> -> memref<128xi32, #tpu.memory_space<vmem>>
      %dma_wait3A_705 = tpu.memref_reshape %arg2 : memref<2x128x512x512xf32, #tpu.memory_space<hbm>> -> memref<131072x512xf32, #tpu.memory_space<hbm>>
      %dma_wait3A_706 = arith.constant 0 : i32
      %dma_wait3A_707 = arith.constant 0 : i32
      %dma_wait3A_708 = tpu.memref_slice %dma_wait3A_705[%dma_wait3A_706, %dma_wait3A_707] : memref<131072x512xf32, #tpu.memory_space<hbm>> -> memref<131072x512xf32, #tpu.memory_space<hbm>>
      tpu.wait_indirect_dma semaphore(%arg11 : memref<!tpu.dma_semaphore, #tpu.memory_space<semaphore_mem>>) src(%dma_wait3A_708 : memref<131072x512xf32, #tpu.memory_space<hbm>>) dst(%arg8 : memref<128x512xf32, #tpu.memory_space<vmem>>)
      %get3A_709 = arith.constant 4 : i32
      %get3A_710 = arith.index_cast %get3A_709 : i32 to index
      %get3A_711 = arith.constant 0 : index
      %get3A_712 = tpu.vector_load %arg7[%get3A_710, %get3A_711] {strides = array<i32>} : memref<8x16xi32, #tpu.memory_space<vmem>>, vector<16xi32>,
      %add3A_713 = arith.constant 0 : i32
      %add3A_714 = vector.broadcast %add3A_713 : i32 to vector<16xi32>
      %add3A_715 = arith.addi %add3A_714, %iota3A : vector<16xi32>
      %gather3A_716 = tpu.vector_load_idx %arg8[%add3A_715, %get3A_712] : memref<128x512xf32, #tpu.memory_space<vmem>>[vector<16xi32>, vector<16xi32>], vector<16xf32>,
      %add3A_717 = arith.constant 16 : i32
      %add3A_718 = vector.broadcast %add3A_717 : i32 to vector<16xi32>
      %add3A_719 = arith.addi %add3A_718, %iota3A : vector<16xi32>
      %gather3A_720 = tpu.vector_load_idx %arg8[%add3A_719, %get3A_712] : memref<128x512xf32, #tpu.memory_space<vmem>>[vector<16xi32>, vector<16xi32>], vector<16xf32>,
      %add3A_721 = arith.constant 32 : i32
      %add3A_722 = vector.broadcast %add3A_721 : i32 to vector<16xi32>
      %add3A_723 = arith.addi %add3A_722, %iota3A : vector<16xi32>
      %gather3A_724 = tpu.vector_load_idx %arg8[%add3A_723, %get3A_712] : memref<128x512xf32, #tpu.memory_space<vmem>>[vector<16xi32>, vector<16xi32>], vector<16xf32>,
      %add3A_725 = arith.constant 48 : i32
      %add3A_726 = vector.broadcast %add3A_725 : i32 to vector<16xi32>
      %add3A_727 = arith.addi %add3A_726, %iota3A : vector<16xi32>
      %gather3A_728 = tpu.vector_load_idx %arg8[%add3A_727, %get3A_712] : memref<128x512xf32, #tpu.memory_space<vmem>>[vector<16xi32>, vector<16xi32>], vector<16xf32>,
      %add3A_729 = arith.constant 64 : i32
      %add3A_730 = vector.broadcast %add3A_729 : i32 to vector<16xi32>
      %add3A_731 = arith.addi %add3A_730, %iota3A : vector<16xi32>
      %gather3A_732 = tpu.vector_load_idx %arg8[%add3A_731, %get3A_712] : memref<128x512xf32, #tpu.memory_space<vmem>>[vector<16xi32>, vector<16xi32>], vector<16xf32>,
      %add3A_733 = arith.constant 80 : i32
      %add3A_734 = vector.broadcast %add3A_733 : i32 to vector<16xi32>
      %add3A_735 = arith.addi %add3A_734, %iota3A : vector<16xi32>
      %gather3A_736 = tpu.vector_load_idx %arg8[%add3A_735, %get3A_712] : memref<128x512xf32, #tpu.memory_space<vmem>>[vector<16xi32>, vector<16xi32>], vector<16xf32>,
      %add3A_737 = arith.constant 96 : i32
      %add3A_738 = vector.broadcast %add3A_737 : i32 to vector<16xi32>
      %add3A_739 = arith.addi %add3A_738, %iota3A : vector<16xi32>
      %gather3A_740 = tpu.vector_load_idx %arg8[%add3A_739, %get3A_712] : memref<128x512xf32, #tpu.memory_space<vmem>>[vector<16xi32>, vector<16xi32>], vector<16xf32>,
      %add3A_741 = arith.constant 112 : i32
      %add3A_742 = vector.broadcast %add3A_741 : i32 to vector<16xi32>
      %add3A_743 = arith.addi %add3A_742, %iota3A : vector<16xi32>
      %gather3A_744 = tpu.vector_load_idx %arg8[%add3A_743, %get3A_712] : memref<128x512xf32, #tpu.memory_space<vmem>>[vector<16xi32>, vector<16xi32>], vector<16xf32>,
      %mul3A_745 = arith.mulf %gather3A_716, %gather3A_716 : vector<16xf32>
      %mul3A_746 = arith.mulf %gather3A_720, %gather3A_720 : vector<16xf32>
      %add3A_747 = arith.addf %mul3A_745, %mul3A_746 : vector<16xf32>
      %mul3A_748 = arith.mulf %gather3A_724, %gather3A_724 : vector<16xf32>
      %add3A_749 = arith.addf %add3A_747, %mul3A_748 : vector<16xf32>
      %mul3A_750 = arith.mulf %gather3A_728, %gather3A_728 : vector<16xf32>
      %add3A_751 = arith.addf %add3A_749, %mul3A_750 : vector<16xf32>
      %mul3A_752 = arith.mulf %gather3A_732, %gather3A_732 : vector<16xf32>
      %add3A_753 = arith.addf %add3A_751, %mul3A_752 : vector<16xf32>
      %mul3A_754 = arith.mulf %gather3A_736, %gather3A_736 : vector<16xf32>
      %add3A_755 = arith.addf %add3A_753, %mul3A_754 : vector<16xf32>
      %mul3A_756 = arith.mulf %gather3A_740, %gather3A_740 : vector<16xf32>
      %add3A_757 = arith.addf %add3A_755, %mul3A_756 : vector<16xf32>
      %mul3A_758 = arith.mulf %gather3A_744, %gather3A_744 : vector<16xf32>
      %add3A_759 = arith.addf %add3A_757, %mul3A_758 : vector<16xf32>
      %swap3A_760 = arith.constant 0 : index
      %swap3A_761 = tpu.vector_load %arg10[%swap3A_760] {strides = array<i32>} : memref<32xf32, #tpu.memory_space<vmem>>, vector<16xf32>,
      tpu.vector_store %arg10[%swap3A_760], %add3A_759 {strides = array<i32>} : memref<32xf32, #tpu.memory_space<vmem>>, vector<16xf32>,
      %swap3A_762 = arith.constant 16 : index
      %swap3A_763 = tpu.vector_load %arg10[%swap3A_762] {strides = array<i32>} : memref<32xf32, #tpu.memory_space<vmem>>, vector<16xf32>,
      tpu.vector_store %arg10[%swap3A_762], %add3A_759 {strides = array<i32>} : memref<32xf32, #tpu.memory_space<vmem>>, vector<16xf32>,
      %get3A_764 = arith.constant 8 : index
      %get3A_765 = tpu.vector_load %arg10[%get3A_764] {strides = array<i32>} : memref<32xf32, #tpu.memory_space<vmem>>, vector<16xf32>,
      %add3A_766 = arith.addf %add3A_759, %get3A_765 : vector<16xf32>
      %swap3A_767 = arith.constant 0 : index
      %swap3A_768 = tpu.vector_load %arg10[%swap3A_767] {strides = array<i32>} : memref<32xf32, #tpu.memory_space<vmem>>, vector<16xf32>,
      tpu.vector_store %arg10[%swap3A_767], %add3A_766 {strides = array<i32>} : memref<32xf32, #tpu.memory_space<vmem>>, vector<16xf32>,
      %swap3A_769 = arith.constant 16 : index
      %swap3A_770 = tpu.vector_load %arg10[%swap3A_769] {strides = array<i32>} : memref<32xf32, #tpu.memory_space<vmem>>, vector<16xf32>,
      tpu.vector_store %arg10[%swap3A_769], %add3A_766 {strides = array<i32>} : memref<32xf32, #tpu.memory_space<vmem>>, vector<16xf32>,
      %get3A_771 = arith.constant 4 : index
      %get3A_772 = tpu.vector_load %arg10[%get3A_771] {strides = array<i32>} : memref<32xf32, #tpu.memory_space<vmem>>, vector<16xf32>,
      %add3A_773 = arith.addf %add3A_766, %get3A_772 : vector<16xf32>
      %swap3A_774 = arith.constant 0 : index
      %swap3A_775 = tpu.vector_load %arg10[%swap3A_774] {strides = array<i32>} : memref<32xf32, #tpu.memory_space<vmem>>, vector<16xf32>,
      tpu.vector_store %arg10[%swap3A_774], %add3A_773 {strides = array<i32>} : memref<32xf32, #tpu.memory_space<vmem>>, vector<16xf32>,
      %swap3A_776 = arith.constant 16 : index
      %swap3A_777 = tpu.vector_load %arg10[%swap3A_776] {strides = array<i32>} : memref<32xf32, #tpu.memory_space<vmem>>, vector<16xf32>,
      tpu.vector_store %arg10[%swap3A_776], %add3A_773 {strides = array<i32>} : memref<32xf32, #tpu.memory_space<vmem>>, vector<16xf32>,
      %get3A_778 = arith.constant 2 : index
      %get3A_779 = tpu.vector_load %arg10[%get3A_778] {strides = array<i32>} : memref<32xf32, #tpu.memory_space<vmem>>, vector<16xf32>,
      %add3A_780 = arith.addf %add3A_773, %get3A_779 : vector<16xf32>
      %swap3A_781 = arith.constant 0 : index
      %swap3A_782 = tpu.vector_load %arg10[%swap3A_781] {strides = array<i32>} : memref<32xf32, #tpu.memory_space<vmem>>, vector<16xf32>,
      tpu.vector_store %arg10[%swap3A_781], %add3A_780 {strides = array<i32>} : memref<32xf32, #tpu.memory_space<vmem>>, vector<16xf32>,
      %swap3A_783 = arith.constant 16 : index
      %swap3A_784 = tpu.vector_load %arg10[%swap3A_783] {strides = array<i32>} : memref<32xf32, #tpu.memory_space<vmem>>, vector<16xf32>,
      tpu.vector_store %arg10[%swap3A_783], %add3A_780 {strides = array<i32>} : memref<32xf32, #tpu.memory_space<vmem>>, vector<16xf32>,
      %get3A_785 = arith.constant 1 : index
      %get3A_786 = tpu.vector_load %arg10[%get3A_785] {strides = array<i32>} : memref<32xf32, #tpu.memory_space<vmem>>, vector<16xf32>,
      %add3A_787 = arith.addf %add3A_780, %get3A_786 : vector<16xf32>
      %bitcast3A_788 = vector.bitcast %add3A_787 : vector<16xf32> to vector<16xi32>
      %shift_right_arithmetic3A_789 = arith.constant 1 : i32
      %shift_right_arithmetic3A_790 = vector.broadcast %shift_right_arithmetic3A_789 : i32 to vector<16xi32>
      %shift_right_arithmetic3A_791 = arith.shrsi %bitcast3A_788, %shift_right_arithmetic3A_790 : vector<16xi32>
      %sub3A_792 = arith.constant 1597463007 : i32
      %sub3A_793 = vector.broadcast %sub3A_792 : i32 to vector<16xi32>
      %sub3A_794 = arith.subi %sub3A_793, %shift_right_arithmetic3A_791 : vector<16xi32>
      %bitcast3A_795 = vector.bitcast %sub3A_794 : vector<16xi32> to vector<16xf32>
      %mul3A_796 = arith.constant 5.000000e-01 : f32
      %mul3A_797 = vector.broadcast %mul3A_796 : f32 to vector<16xf32>
      %mul3A_798 = arith.mulf %mul3A_797, %add3A_787 : vector<16xf32>
      %mul3A_799 = arith.mulf %mul3A_798, %bitcast3A_795 : vector<16xf32>
      %mul3A_800 = arith.mulf %mul3A_799, %bitcast3A_795 : vector<16xf32>
      %sub3A_801 = arith.constant 1.500000e+00 : f32
      %sub3A_802 = vector.broadcast %sub3A_801 : f32 to vector<16xf32>
      %sub3A_803 = arith.subf %sub3A_802, %mul3A_800 : vector<16xf32>
      %mul3A_804 = arith.mulf %bitcast3A_795, %sub3A_803 : vector<16xf32>
      %mul3A_805 = arith.constant 5.000000e-01 : f32
      %mul3A_806 = vector.broadcast %mul3A_805 : f32 to vector<16xf32>
      %mul3A_807 = arith.mulf %mul3A_806, %add3A_787 : vector<16xf32>
      %mul3A_808 = arith.mulf %mul3A_807, %mul3A_804 : vector<16xf32>
      %mul3A_809 = arith.mulf %mul3A_808, %mul3A_804 : vector<16xf32>
      %sub3A_810 = arith.constant 1.500000e+00 : f32
      %sub3A_811 = vector.broadcast %sub3A_810 : f32 to vector<16xf32>
      %sub3A_812 = arith.subf %sub3A_811, %mul3A_809 : vector<16xf32>
      %mul3A_813 = arith.mulf %mul3A_804, %sub3A_812 : vector<16xf32>
      %mul3A_814 = arith.constant 5.000000e-01 : f32
      %mul3A_815 = vector.broadcast %mul3A_814 : f32 to vector<16xf32>
      %mul3A_816 = arith.mulf %mul3A_815, %add3A_787 : vector<16xf32>
      %mul3A_817 = arith.mulf %mul3A_816, %mul3A_813 : vector<16xf32>
      %mul3A_818 = arith.mulf %mul3A_817, %mul3A_813 : vector<16xf32>
      %sub3A_819 = arith.constant 1.500000e+00 : f32
      %sub3A_820 = vector.broadcast %sub3A_819 : f32 to vector<16xf32>
      %sub3A_821 = arith.subf %sub3A_820, %mul3A_818 : vector<16xf32>
      %mul3A_822 = arith.mulf %mul3A_813, %sub3A_821 : vector<16xf32>
      %mul3A_823 = arith.mulf %add3A_787, %mul3A_822 : vector<16xf32>
      %max3A_824 = arith.constant 9.99999996E-13 : f32
      %max3A_825 = vector.broadcast %max3A_824 : f32 to vector<16xf32>
      %max3A_826 = arith.maximumf %mul3A_823, %max3A_825 : vector<16xf32>
      %div3A_827 = arith.divf %gather3A_716, %max3A_826 : vector<16xf32>
      %swap3A_828 = arith.constant 4 : i32
      %swap3A_829 = arith.index_cast %swap3A_828 : i32 to index
      %swap3A_830 = arith.constant 0 : index
      %swap3A_831 = tpu.vector_load %arg9[%swap3A_829, %swap3A_830] {strides = array<i32>} : memref<8x128xf32, #tpu.memory_space<vmem>>, vector<16xf32>,
      tpu.vector_store %arg9[%swap3A_829, %swap3A_830], %div3A_827 {strides = array<i32>} : memref<8x128xf32, #tpu.memory_space<vmem>>, vector<16xf32>,
      %div3A_832 = arith.divf %gather3A_720, %max3A_826 : vector<16xf32>
      %swap3A_833 = arith.constant 4 : i32
      %swap3A_834 = arith.index_cast %swap3A_833 : i32 to index
      %swap3A_835 = arith.constant 16 : index
      %swap3A_836 = tpu.vector_load %arg9[%swap3A_834, %swap3A_835] {strides = array<i32>} : memref<8x128xf32, #tpu.memory_space<vmem>>, vector<16xf32>,
      tpu.vector_store %arg9[%swap3A_834, %swap3A_835], %div3A_832 {strides = array<i32>} : memref<8x128xf32, #tpu.memory_space<vmem>>, vector<16xf32>,
      %div3A_837 = arith.divf %gather3A_724, %max3A_826 : vector<16xf32>
      %swap3A_838 = arith.constant 4 : i32
      %swap3A_839 = arith.index_cast %swap3A_838 : i32 to index
      %swap3A_840 = arith.constant 32 : index
      %swap3A_841 = tpu.vector_load %arg9[%swap3A_839, %swap3A_840] {strides = array<i32>} : memref<8x128xf32, #tpu.memory_space<vmem>>, vector<16xf32>,
      tpu.vector_store %arg9[%swap3A_839, %swap3A_840], %div3A_837 {strides = array<i32>} : memref<8x128xf32, #tpu.memory_space<vmem>>, vector<16xf32>,
      %div3A_842 = arith.divf %gather3A_728, %max3A_826 : vector<16xf32>
      %swap3A_843 = arith.constant 4 : i32
      %swap3A_844 = arith.index_cast %swap3A_843 : i32 to index
      %swap3A_845 = arith.constant 48 : index
      %swap3A_846 = tpu.vector_load %arg9[%swap3A_844, %swap3A_845] {strides = array<i32>} : memref<8x128xf32, #tpu.memory_space<vmem>>, vector<16xf32>,
      tpu.vector_store %arg9[%swap3A_844, %swap3A_845], %div3A_842 {strides = array<i32>} : memref<8x128xf32, #tpu.memory_space<vmem>>, vector<16xf32>,
      %div3A_847 = arith.divf %gather3A_732, %max3A_826 : vector<16xf32>
      %swap3A_848 = arith.constant 4 : i32
      %swap3A_849 = arith.index_cast %swap3A_848 : i32 to index
      %swap3A_850 = arith.constant 64 : index
      %swap3A_851 = tpu.vector_load %arg9[%swap3A_849, %swap3A_850] {strides = array<i32>} : memref<8x128xf32, #tpu.memory_space<vmem>>, vector<16xf32>,
      tpu.vector_store %arg9[%swap3A_849, %swap3A_850], %div3A_847 {strides = array<i32>} : memref<8x128xf32, #tpu.memory_space<vmem>>, vector<16xf32>,
      %div3A_852 = arith.divf %gather3A_736, %max3A_826 : vector<16xf32>
      %swap3A_853 = arith.constant 4 : i32
      %swap3A_854 = arith.index_cast %swap3A_853 : i32 to index
      %swap3A_855 = arith.constant 80 : index
      %swap3A_856 = tpu.vector_load %arg9[%swap3A_854, %swap3A_855] {strides = array<i32>} : memref<8x128xf32, #tpu.memory_space<vmem>>, vector<16xf32>,
      tpu.vector_store %arg9[%swap3A_854, %swap3A_855], %div3A_852 {strides = array<i32>} : memref<8x128xf32, #tpu.memory_space<vmem>>, vector<16xf32>,
      %div3A_857 = arith.divf %gather3A_740, %max3A_826 : vector<16xf32>
      %swap3A_858 = arith.constant 4 : i32
      %swap3A_859 = arith.index_cast %swap3A_858 : i32 to index
      %swap3A_860 = arith.constant 96 : index
      %swap3A_861 = tpu.vector_load %arg9[%swap3A_859, %swap3A_860] {strides = array<i32>} : memref<8x128xf32, #tpu.memory_space<vmem>>, vector<16xf32>,
      tpu.vector_store %arg9[%swap3A_859, %swap3A_860], %div3A_857 {strides = array<i32>} : memref<8x128xf32, #tpu.memory_space<vmem>>, vector<16xf32>,
      %div3A_862 = arith.divf %gather3A_744, %max3A_826 : vector<16xf32>
      %swap3A_863 = arith.constant 4 : i32
      %swap3A_864 = arith.index_cast %swap3A_863 : i32 to index
      %swap3A_865 = arith.constant 112 : index
      %swap3A_866 = tpu.vector_load %arg9[%swap3A_864, %swap3A_865] {strides = array<i32>} : memref<8x128xf32, #tpu.memory_space<vmem>>, vector<16xf32>,
      tpu.vector_store %arg9[%swap3A_864, %swap3A_865], %div3A_862 {strides = array<i32>} : memref<8x128xf32, #tpu.memory_space<vmem>>, vector<16xf32>,
      %dma_start3A_867 = arith.constant 5 : i32
      %dma_start3A_868 = arith.constant 0 : i32
      %dma_start3A_869 = tpu.memref_slice %arg6[%dma_start3A_867, %dma_start3A_868] : memref<8x128xi32, #tpu.memory_space<vmem>> -> memref<1x128xi32, #tpu.memory_space<vmem>>
      %dma_start3A_870 = tpu.memref_squeeze %dma_start3A_869 : memref<1x128xi32, #tpu.memory_space<vmem>> -> memref<128xi32, #tpu.memory_space<vmem>>
      %dma_start3A_871 = tpu.memref_reshape %arg2 : memref<2x128x512x512xf32, #tpu.memory_space<hbm>> -> memref<131072x512xf32, #tpu.memory_space<hbm>>
      %dma_start3A_872 = arith.constant 0 : i32
      %dma_start3A_873 = arith.constant 0 : i32
      %dma_start3A_874 = tpu.memref_slice %dma_start3A_871[%dma_start3A_872, %dma_start3A_873] : memref<131072x512xf32, #tpu.memory_space<hbm>> -> memref<131072x512xf32, #tpu.memory_space<hbm>>
      tpu.enqueue_indirect_dma source(%dma_start3A_874 : memref<131072x512xf32, #tpu.memory_space<hbm>>) target(%arg8 : memref<128x512xf32, #tpu.memory_space<vmem>>) offsets(%dma_start3A_870 : memref<128xi32, #tpu.memory_space<vmem>>) semaphore(%arg11 : memref<!tpu.dma_semaphore, #tpu.memory_space<semaphore_mem>>)
      %dma_wait3A_875 = arith.constant 5 : i32
      %dma_wait3A_876 = arith.constant 0 : i32
      %dma_wait3A_877 = tpu.memref_slice %arg6[%dma_wait3A_875, %dma_wait3A_876] : memref<8x128xi32, #tpu.memory_space<vmem>> -> memref<1x128xi32, #tpu.memory_space<vmem>>
      %dma_wait3A_878 = tpu.memref_squeeze %dma_wait3A_877 : memref<1x128xi32, #tpu.memory_space<vmem>> -> memref<128xi32, #tpu.memory_space<vmem>>
      %dma_wait3A_879 = tpu.memref_reshape %arg2 : memref<2x128x512x512xf32, #tpu.memory_space<hbm>> -> memref<131072x512xf32, #tpu.memory_space<hbm>>
      %dma_wait3A_880 = arith.constant 0 : i32
      %dma_wait3A_881 = arith.constant 0 : i32
      %dma_wait3A_882 = tpu.memref_slice %dma_wait3A_879[%dma_wait3A_880, %dma_wait3A_881] : memref<131072x512xf32, #tpu.memory_space<hbm>> -> memref<131072x512xf32, #tpu.memory_space<hbm>>
      tpu.wait_indirect_dma semaphore(%arg11 : memref<!tpu.dma_semaphore, #tpu.memory_space<semaphore_mem>>) src(%dma_wait3A_882 : memref<131072x512xf32, #tpu.memory_space<hbm>>) dst(%arg8 : memref<128x512xf32, #tpu.memory_space<vmem>>)
      %get3A_883 = arith.constant 5 : i32
      %get3A_884 = arith.index_cast %get3A_883 : i32 to index
      %get3A_885 = arith.constant 0 : index
      %get3A_886 = tpu.vector_load %arg7[%get3A_884, %get3A_885] {strides = array<i32>} : memref<8x16xi32, #tpu.memory_space<vmem>>, vector<16xi32>,
      %add3A_887 = arith.constant 0 : i32
      %add3A_888 = vector.broadcast %add3A_887 : i32 to vector<16xi32>
      %add3A_889 = arith.addi %add3A_888, %iota3A : vector<16xi32>
      %gather3A_890 = tpu.vector_load_idx %arg8[%add3A_889, %get3A_886] : memref<128x512xf32, #tpu.memory_space<vmem>>[vector<16xi32>, vector<16xi32>], vector<16xf32>,
      %add3A_891 = arith.constant 16 : i32
      %add3A_892 = vector.broadcast %add3A_891 : i32 to vector<16xi32>
      %add3A_893 = arith.addi %add3A_892, %iota3A : vector<16xi32>
      %gather3A_894 = tpu.vector_load_idx %arg8[%add3A_893, %get3A_886] : memref<128x512xf32, #tpu.memory_space<vmem>>[vector<16xi32>, vector<16xi32>], vector<16xf32>,
      %add3A_895 = arith.constant 32 : i32
      %add3A_896 = vector.broadcast %add3A_895 : i32 to vector<16xi32>
      %add3A_897 = arith.addi %add3A_896, %iota3A : vector<16xi32>
      %gather3A_898 = tpu.vector_load_idx %arg8[%add3A_897, %get3A_886] : memref<128x512xf32, #tpu.memory_space<vmem>>[vector<16xi32>, vector<16xi32>], vector<16xf32>,
      %add3A_899 = arith.constant 48 : i32
      %add3A_900 = vector.broadcast %add3A_899 : i32 to vector<16xi32>
      %add3A_901 = arith.addi %add3A_900, %iota3A : vector<16xi32>
      %gather3A_902 = tpu.vector_load_idx %arg8[%add3A_901, %get3A_886] : memref<128x512xf32, #tpu.memory_space<vmem>>[vector<16xi32>, vector<16xi32>], vector<16xf32>,
      %add3A_903 = arith.constant 64 : i32
      %add3A_904 = vector.broadcast %add3A_903 : i32 to vector<16xi32>
      %add3A_905 = arith.addi %add3A_904, %iota3A : vector<16xi32>
      %gather3A_906 = tpu.vector_load_idx %arg8[%add3A_905, %get3A_886] : memref<128x512xf32, #tpu.memory_space<vmem>>[vector<16xi32>, vector<16xi32>], vector<16xf32>,
      %add3A_907 = arith.constant 80 : i32
      %add3A_908 = vector.broadcast %add3A_907 : i32 to vector<16xi32>
      %add3A_909 = arith.addi %add3A_908, %iota3A : vector<16xi32>
      %gather3A_910 = tpu.vector_load_idx %arg8[%add3A_909, %get3A_886] : memref<128x512xf32, #tpu.memory_space<vmem>>[vector<16xi32>, vector<16xi32>], vector<16xf32>,
      %add3A_911 = arith.constant 96 : i32
      %add3A_912 = vector.broadcast %add3A_911 : i32 to vector<16xi32>
      %add3A_913 = arith.addi %add3A_912, %iota3A : vector<16xi32>
      %gather3A_914 = tpu.vector_load_idx %arg8[%add3A_913, %get3A_886] : memref<128x512xf32, #tpu.memory_space<vmem>>[vector<16xi32>, vector<16xi32>], vector<16xf32>,
      %add3A_915 = arith.constant 112 : i32
      %add3A_916 = vector.broadcast %add3A_915 : i32 to vector<16xi32>
      %add3A_917 = arith.addi %add3A_916, %iota3A : vector<16xi32>
      %gather3A_918 = tpu.vector_load_idx %arg8[%add3A_917, %get3A_886] : memref<128x512xf32, #tpu.memory_space<vmem>>[vector<16xi32>, vector<16xi32>], vector<16xf32>,
      %mul3A_919 = arith.mulf %gather3A_890, %gather3A_890 : vector<16xf32>
      %mul3A_920 = arith.mulf %gather3A_894, %gather3A_894 : vector<16xf32>
      %add3A_921 = arith.addf %mul3A_919, %mul3A_920 : vector<16xf32>
      %mul3A_922 = arith.mulf %gather3A_898, %gather3A_898 : vector<16xf32>
      %add3A_923 = arith.addf %add3A_921, %mul3A_922 : vector<16xf32>
      %mul3A_924 = arith.mulf %gather3A_902, %gather3A_902 : vector<16xf32>
      %add3A_925 = arith.addf %add3A_923, %mul3A_924 : vector<16xf32>
      %mul3A_926 = arith.mulf %gather3A_906, %gather3A_906 : vector<16xf32>
      %add3A_927 = arith.addf %add3A_925, %mul3A_926 : vector<16xf32>
      %mul3A_928 = arith.mulf %gather3A_910, %gather3A_910 : vector<16xf32>
      %add3A_929 = arith.addf %add3A_927, %mul3A_928 : vector<16xf32>
      %mul3A_930 = arith.mulf %gather3A_914, %gather3A_914 : vector<16xf32>
      %add3A_931 = arith.addf %add3A_929, %mul3A_930 : vector<16xf32>
      %mul3A_932 = arith.mulf %gather3A_918, %gather3A_918 : vector<16xf32>
      %add3A_933 = arith.addf %add3A_931, %mul3A_932 : vector<16xf32>
      %swap3A_934 = arith.constant 0 : index
      %swap3A_935 = tpu.vector_load %arg10[%swap3A_934] {strides = array<i32>} : memref<32xf32, #tpu.memory_space<vmem>>, vector<16xf32>,
      tpu.vector_store %arg10[%swap3A_934], %add3A_933 {strides = array<i32>} : memref<32xf32, #tpu.memory_space<vmem>>, vector<16xf32>,
      %swap3A_936 = arith.constant 16 : index
      %swap3A_937 = tpu.vector_load %arg10[%swap3A_936] {strides = array<i32>} : memref<32xf32, #tpu.memory_space<vmem>>, vector<16xf32>,
      tpu.vector_store %arg10[%swap3A_936], %add3A_933 {strides = array<i32>} : memref<32xf32, #tpu.memory_space<vmem>>, vector<16xf32>,
      %get3A_938 = arith.constant 8 : index
      %get3A_939 = tpu.vector_load %arg10[%get3A_938] {strides = array<i32>} : memref<32xf32, #tpu.memory_space<vmem>>, vector<16xf32>,
      %add3A_940 = arith.addf %add3A_933, %get3A_939 : vector<16xf32>
      %swap3A_941 = arith.constant 0 : index
      %swap3A_942 = tpu.vector_load %arg10[%swap3A_941] {strides = array<i32>} : memref<32xf32, #tpu.memory_space<vmem>>, vector<16xf32>,
      tpu.vector_store %arg10[%swap3A_941], %add3A_940 {strides = array<i32>} : memref<32xf32, #tpu.memory_space<vmem>>, vector<16xf32>,
      %swap3A_943 = arith.constant 16 : index
      %swap3A_944 = tpu.vector_load %arg10[%swap3A_943] {strides = array<i32>} : memref<32xf32, #tpu.memory_space<vmem>>, vector<16xf32>,
      tpu.vector_store %arg10[%swap3A_943], %add3A_940 {strides = array<i32>} : memref<32xf32, #tpu.memory_space<vmem>>, vector<16xf32>,
      %get3A_945 = arith.constant 4 : index
      %get3A_946 = tpu.vector_load %arg10[%get3A_945] {strides = array<i32>} : memref<32xf32, #tpu.memory_space<vmem>>, vector<16xf32>,
      %add3A_947 = arith.addf %add3A_940, %get3A_946 : vector<16xf32>
      %swap3A_948 = arith.constant 0 : index
      %swap3A_949 = tpu.vector_load %arg10[%swap3A_948] {strides = array<i32>} : memref<32xf32, #tpu.memory_space<vmem>>, vector<16xf32>,
      tpu.vector_store %arg10[%swap3A_948], %add3A_947 {strides = array<i32>} : memref<32xf32, #tpu.memory_space<vmem>>, vector<16xf32>,
      %swap3A_950 = arith.constant 16 : index
      %swap3A_951 = tpu.vector_load %arg10[%swap3A_950] {strides = array<i32>} : memref<32xf32, #tpu.memory_space<vmem>>, vector<16xf32>,
      tpu.vector_store %arg10[%swap3A_950], %add3A_947 {strides = array<i32>} : memref<32xf32, #tpu.memory_space<vmem>>, vector<16xf32>,
      %get3A_952 = arith.constant 2 : index
      %get3A_953 = tpu.vector_load %arg10[%get3A_952] {strides = array<i32>} : memref<32xf32, #tpu.memory_space<vmem>>, vector<16xf32>,
      %add3A_954 = arith.addf %add3A_947, %get3A_953 : vector<16xf32>
      %swap3A_955 = arith.constant 0 : index
      %swap3A_956 = tpu.vector_load %arg10[%swap3A_955] {strides = array<i32>} : memref<32xf32, #tpu.memory_space<vmem>>, vector<16xf32>,
      tpu.vector_store %arg10[%swap3A_955], %add3A_954 {strides = array<i32>} : memref<32xf32, #tpu.memory_space<vmem>>, vector<16xf32>,
      %swap3A_957 = arith.constant 16 : index
      %swap3A_958 = tpu.vector_load %arg10[%swap3A_957] {strides = array<i32>} : memref<32xf32, #tpu.memory_space<vmem>>, vector<16xf32>,
      tpu.vector_store %arg10[%swap3A_957], %add3A_954 {strides = array<i32>} : memref<32xf32, #tpu.memory_space<vmem>>, vector<16xf32>,
      %get3A_959 = arith.constant 1 : index
      %get3A_960 = tpu.vector_load %arg10[%get3A_959] {strides = array<i32>} : memref<32xf32, #tpu.memory_space<vmem>>, vector<16xf32>,
      %add3A_961 = arith.addf %add3A_954, %get3A_960 : vector<16xf32>
      %bitcast3A_962 = vector.bitcast %add3A_961 : vector<16xf32> to vector<16xi32>
      %shift_right_arithmetic3A_963 = arith.constant 1 : i32
      %shift_right_arithmetic3A_964 = vector.broadcast %shift_right_arithmetic3A_963 : i32 to vector<16xi32>
      %shift_right_arithmetic3A_965 = arith.shrsi %bitcast3A_962, %shift_right_arithmetic3A_964 : vector<16xi32>
      %sub3A_966 = arith.constant 1597463007 : i32
      %sub3A_967 = vector.broadcast %sub3A_966 : i32 to vector<16xi32>
      %sub3A_968 = arith.subi %sub3A_967, %shift_right_arithmetic3A_965 : vector<16xi32>
      %bitcast3A_969 = vector.bitcast %sub3A_968 : vector<16xi32> to vector<16xf32>
      %mul3A_970 = arith.constant 5.000000e-01 : f32
      %mul3A_971 = vector.broadcast %mul3A_970 : f32 to vector<16xf32>
      %mul3A_972 = arith.mulf %mul3A_971, %add3A_961 : vector<16xf32>
      %mul3A_973 = arith.mulf %mul3A_972, %bitcast3A_969 : vector<16xf32>
      %mul3A_974 = arith.mulf %mul3A_973, %bitcast3A_969 : vector<16xf32>
      %sub3A_975 = arith.constant 1.500000e+00 : f32
      %sub3A_976 = vector.broadcast %sub3A_975 : f32 to vector<16xf32>
      %sub3A_977 = arith.subf %sub3A_976, %mul3A_974 : vector<16xf32>
      %mul3A_978 = arith.mulf %bitcast3A_969, %sub3A_977 : vector<16xf32>
      %mul3A_979 = arith.constant 5.000000e-01 : f32
      %mul3A_980 = vector.broadcast %mul3A_979 : f32 to vector<16xf32>
      %mul3A_981 = arith.mulf %mul3A_980, %add3A_961 : vector<16xf32>
      %mul3A_982 = arith.mulf %mul3A_981, %mul3A_978 : vector<16xf32>
      %mul3A_983 = arith.mulf %mul3A_982, %mul3A_978 : vector<16xf32>
      %sub3A_984 = arith.constant 1.500000e+00 : f32
      %sub3A_985 = vector.broadcast %sub3A_984 : f32 to vector<16xf32>
      %sub3A_986 = arith.subf %sub3A_985, %mul3A_983 : vector<16xf32>
      %mul3A_987 = arith.mulf %mul3A_978, %sub3A_986 : vector<16xf32>
      %mul3A_988 = arith.constant 5.000000e-01 : f32
      %mul3A_989 = vector.broadcast %mul3A_988 : f32 to vector<16xf32>
      %mul3A_990 = arith.mulf %mul3A_989, %add3A_961 : vector<16xf32>
      %mul3A_991 = arith.mulf %mul3A_990, %mul3A_987 : vector<16xf32>
      %mul3A_992 = arith.mulf %mul3A_991, %mul3A_987 : vector<16xf32>
      %sub3A_993 = arith.constant 1.500000e+00 : f32
      %sub3A_994 = vector.broadcast %sub3A_993 : f32 to vector<16xf32>
      %sub3A_995 = arith.subf %sub3A_994, %mul3A_992 : vector<16xf32>
      %mul3A_996 = arith.mulf %mul3A_987, %sub3A_995 : vector<16xf32>
      %mul3A_997 = arith.mulf %add3A_961, %mul3A_996 : vector<16xf32>
      %max3A_998 = arith.constant 9.99999996E-13 : f32
      %max3A_999 = vector.broadcast %max3A_998 : f32 to vector<16xf32>
      %max3A_1000 = arith.maximumf %mul3A_997, %max3A_999 : vector<16xf32>
      %div3A_1001 = arith.divf %gather3A_890, %max3A_1000 : vector<16xf32>
      %swap3A_1002 = arith.constant 5 : i32
      %swap3A_1003 = arith.index_cast %swap3A_1002 : i32 to index
      %swap3A_1004 = arith.constant 0 : index
      %swap3A_1005 = tpu.vector_load %arg9[%swap3A_1003, %swap3A_1004] {strides = array<i32>} : memref<8x128xf32, #tpu.memory_space<vmem>>, vector<16xf32>,
      tpu.vector_store %arg9[%swap3A_1003, %swap3A_1004], %div3A_1001 {strides = array<i32>} : memref<8x128xf32, #tpu.memory_space<vmem>>, vector<16xf32>,
      %div3A_1006 = arith.divf %gather3A_894, %max3A_1000 : vector<16xf32>
      %swap3A_1007 = arith.constant 5 : i32
      %swap3A_1008 = arith.index_cast %swap3A_1007 : i32 to index
      %swap3A_1009 = arith.constant 16 : index
      %swap3A_1010 = tpu.vector_load %arg9[%swap3A_1008, %swap3A_1009] {strides = array<i32>} : memref<8x128xf32, #tpu.memory_space<vmem>>, vector<16xf32>,
      tpu.vector_store %arg9[%swap3A_1008, %swap3A_1009], %div3A_1006 {strides = array<i32>} : memref<8x128xf32, #tpu.memory_space<vmem>>, vector<16xf32>,
      %div3A_1011 = arith.divf %gather3A_898, %max3A_1000 : vector<16xf32>
      %swap3A_1012 = arith.constant 5 : i32
      %swap3A_1013 = arith.index_cast %swap3A_1012 : i32 to index
      %swap3A_1014 = arith.constant 32 : index
      %swap3A_1015 = tpu.vector_load %arg9[%swap3A_1013, %swap3A_1014] {strides = array<i32>} : memref<8x128xf32, #tpu.memory_space<vmem>>, vector<16xf32>,
      tpu.vector_store %arg9[%swap3A_1013, %swap3A_1014], %div3A_1011 {strides = array<i32>} : memref<8x128xf32, #tpu.memory_space<vmem>>, vector<16xf32>,
      %div3A_1016 = arith.divf %gather3A_902, %max3A_1000 : vector<16xf32>
      %swap3A_1017 = arith.constant 5 : i32
      %swap3A_1018 = arith.index_cast %swap3A_1017 : i32 to index
      %swap3A_1019 = arith.constant 48 : index
      %swap3A_1020 = tpu.vector_load %arg9[%swap3A_1018, %swap3A_1019] {strides = array<i32>} : memref<8x128xf32, #tpu.memory_space<vmem>>, vector<16xf32>,
      tpu.vector_store %arg9[%swap3A_1018, %swap3A_1019], %div3A_1016 {strides = array<i32>} : memref<8x128xf32, #tpu.memory_space<vmem>>, vector<16xf32>,
      %div3A_1021 = arith.divf %gather3A_906, %max3A_1000 : vector<16xf32>
      %swap3A_1022 = arith.constant 5 : i32
      %swap3A_1023 = arith.index_cast %swap3A_1022 : i32 to index
      %swap3A_1024 = arith.constant 64 : index
      %swap3A_1025 = tpu.vector_load %arg9[%swap3A_1023, %swap3A_1024] {strides = array<i32>} : memref<8x128xf32, #tpu.memory_space<vmem>>, vector<16xf32>,
      tpu.vector_store %arg9[%swap3A_1023, %swap3A_1024], %div3A_1021 {strides = array<i32>} : memref<8x128xf32, #tpu.memory_space<vmem>>, vector<16xf32>,
      %div3A_1026 = arith.divf %gather3A_910, %max3A_1000 : vector<16xf32>
      %swap3A_1027 = arith.constant 5 : i32
      %swap3A_1028 = arith.index_cast %swap3A_1027 : i32 to index
      %swap3A_1029 = arith.constant 80 : index
      %swap3A_1030 = tpu.vector_load %arg9[%swap3A_1028, %swap3A_1029] {strides = array<i32>} : memref<8x128xf32, #tpu.memory_space<vmem>>, vector<16xf32>,
      tpu.vector_store %arg9[%swap3A_1028, %swap3A_1029], %div3A_1026 {strides = array<i32>} : memref<8x128xf32, #tpu.memory_space<vmem>>, vector<16xf32>,
      %div3A_1031 = arith.divf %gather3A_914, %max3A_1000 : vector<16xf32>
      %swap3A_1032 = arith.constant 5 : i32
      %swap3A_1033 = arith.index_cast %swap3A_1032 : i32 to index
      %swap3A_1034 = arith.constant 96 : index
      %swap3A_1035 = tpu.vector_load %arg9[%swap3A_1033, %swap3A_1034] {strides = array<i32>} : memref<8x128xf32, #tpu.memory_space<vmem>>, vector<16xf32>,
      tpu.vector_store %arg9[%swap3A_1033, %swap3A_1034], %div3A_1031 {strides = array<i32>} : memref<8x128xf32, #tpu.memory_space<vmem>>, vector<16xf32>,
      %div3A_1036 = arith.divf %gather3A_918, %max3A_1000 : vector<16xf32>
      %swap3A_1037 = arith.constant 5 : i32
      %swap3A_1038 = arith.index_cast %swap3A_1037 : i32 to index
      %swap3A_1039 = arith.constant 112 : index
      %swap3A_1040 = tpu.vector_load %arg9[%swap3A_1038, %swap3A_1039] {strides = array<i32>} : memref<8x128xf32, #tpu.memory_space<vmem>>, vector<16xf32>,
      tpu.vector_store %arg9[%swap3A_1038, %swap3A_1039], %div3A_1036 {strides = array<i32>} : memref<8x128xf32, #tpu.memory_space<vmem>>, vector<16xf32>,
      %dma_start3A_1041 = arith.constant 6 : i32
      %dma_start3A_1042 = arith.constant 0 : i32
      %dma_start3A_1043 = tpu.memref_slice %arg6[%dma_start3A_1041, %dma_start3A_1042] : memref<8x128xi32, #tpu.memory_space<vmem>> -> memref<1x128xi32, #tpu.memory_space<vmem>>
      %dma_start3A_1044 = tpu.memref_squeeze %dma_start3A_1043 : memref<1x128xi32, #tpu.memory_space<vmem>> -> memref<128xi32, #tpu.memory_space<vmem>>
      %dma_start3A_1045 = tpu.memref_reshape %arg2 : memref<2x128x512x512xf32, #tpu.memory_space<hbm>> -> memref<131072x512xf32, #tpu.memory_space<hbm>>
      %dma_start3A_1046 = arith.constant 0 : i32
      %dma_start3A_1047 = arith.constant 0 : i32
      %dma_start3A_1048 = tpu.memref_slice %dma_start3A_1045[%dma_start3A_1046, %dma_start3A_1047] : memref<131072x512xf32, #tpu.memory_space<hbm>> -> memref<131072x512xf32, #tpu.memory_space<hbm>>
      tpu.enqueue_indirect_dma source(%dma_start3A_1048 : memref<131072x512xf32, #tpu.memory_space<hbm>>) target(%arg8 : memref<128x512xf32, #tpu.memory_space<vmem>>) offsets(%dma_start3A_1044 : memref<128xi32, #tpu.memory_space<vmem>>) semaphore(%arg11 : memref<!tpu.dma_semaphore, #tpu.memory_space<semaphore_mem>>)
      %dma_wait3A_1049 = arith.constant 6 : i32
      %dma_wait3A_1050 = arith.constant 0 : i32
      %dma_wait3A_1051 = tpu.memref_slice %arg6[%dma_wait3A_1049, %dma_wait3A_1050] : memref<8x128xi32, #tpu.memory_space<vmem>> -> memref<1x128xi32, #tpu.memory_space<vmem>>
      %dma_wait3A_1052 = tpu.memref_squeeze %dma_wait3A_1051 : memref<1x128xi32, #tpu.memory_space<vmem>> -> memref<128xi32, #tpu.memory_space<vmem>>
      %dma_wait3A_1053 = tpu.memref_reshape %arg2 : memref<2x128x512x512xf32, #tpu.memory_space<hbm>> -> memref<131072x512xf32, #tpu.memory_space<hbm>>
      %dma_wait3A_1054 = arith.constant 0 : i32
      %dma_wait3A_1055 = arith.constant 0 : i32
      %dma_wait3A_1056 = tpu.memref_slice %dma_wait3A_1053[%dma_wait3A_1054, %dma_wait3A_1055] : memref<131072x512xf32, #tpu.memory_space<hbm>> -> memref<131072x512xf32, #tpu.memory_space<hbm>>
      tpu.wait_indirect_dma semaphore(%arg11 : memref<!tpu.dma_semaphore, #tpu.memory_space<semaphore_mem>>) src(%dma_wait3A_1056 : memref<131072x512xf32, #tpu.memory_space<hbm>>) dst(%arg8 : memref<128x512xf32, #tpu.memory_space<vmem>>)
      %get3A_1057 = arith.constant 6 : i32
      %get3A_1058 = arith.index_cast %get3A_1057 : i32 to index
      %get3A_1059 = arith.constant 0 : index
      %get3A_1060 = tpu.vector_load %arg7[%get3A_1058, %get3A_1059] {strides = array<i32>} : memref<8x16xi32, #tpu.memory_space<vmem>>, vector<16xi32>,
      %add3A_1061 = arith.constant 0 : i32
      %add3A_1062 = vector.broadcast %add3A_1061 : i32 to vector<16xi32>
      %add3A_1063 = arith.addi %add3A_1062, %iota3A : vector<16xi32>
      %gather3A_1064 = tpu.vector_load_idx %arg8[%add3A_1063, %get3A_1060] : memref<128x512xf32, #tpu.memory_space<vmem>>[vector<16xi32>, vector<16xi32>], vector<16xf32>,
      %add3A_1065 = arith.constant 16 : i32
      %add3A_1066 = vector.broadcast %add3A_1065 : i32 to vector<16xi32>
      %add3A_1067 = arith.addi %add3A_1066, %iota3A : vector<16xi32>
      %gather3A_1068 = tpu.vector_load_idx %arg8[%add3A_1067, %get3A_1060] : memref<128x512xf32, #tpu.memory_space<vmem>>[vector<16xi32>, vector<16xi32>], vector<16xf32>,
      %add3A_1069 = arith.constant 32 : i32
      %add3A_1070 = vector.broadcast %add3A_1069 : i32 to vector<16xi32>
      %add3A_1071 = arith.addi %add3A_1070, %iota3A : vector<16xi32>
      %gather3A_1072 = tpu.vector_load_idx %arg8[%add3A_1071, %get3A_1060] : memref<128x512xf32, #tpu.memory_space<vmem>>[vector<16xi32>, vector<16xi32>], vector<16xf32>,
      %add3A_1073 = arith.constant 48 : i32
      %add3A_1074 = vector.broadcast %add3A_1073 : i32 to vector<16xi32>
      %add3A_1075 = arith.addi %add3A_1074, %iota3A : vector<16xi32>
      %gather3A_1076 = tpu.vector_load_idx %arg8[%add3A_1075, %get3A_1060] : memref<128x512xf32, #tpu.memory_space<vmem>>[vector<16xi32>, vector<16xi32>], vector<16xf32>,
      %add3A_1077 = arith.constant 64 : i32
      %add3A_1078 = vector.broadcast %add3A_1077 : i32 to vector<16xi32>
      %add3A_1079 = arith.addi %add3A_1078, %iota3A : vector<16xi32>
      %gather3A_1080 = tpu.vector_load_idx %arg8[%add3A_1079, %get3A_1060] : memref<128x512xf32, #tpu.memory_space<vmem>>[vector<16xi32>, vector<16xi32>], vector<16xf32>,
      %add3A_1081 = arith.constant 80 : i32
      %add3A_1082 = vector.broadcast %add3A_1081 : i32 to vector<16xi32>
      %add3A_1083 = arith.addi %add3A_1082, %iota3A : vector<16xi32>
      %gather3A_1084 = tpu.vector_load_idx %arg8[%add3A_1083, %get3A_1060] : memref<128x512xf32, #tpu.memory_space<vmem>>[vector<16xi32>, vector<16xi32>], vector<16xf32>,
      %add3A_1085 = arith.constant 96 : i32
      %add3A_1086 = vector.broadcast %add3A_1085 : i32 to vector<16xi32>
      %add3A_1087 = arith.addi %add3A_1086, %iota3A : vector<16xi32>
      %gather3A_1088 = tpu.vector_load_idx %arg8[%add3A_1087, %get3A_1060] : memref<128x512xf32, #tpu.memory_space<vmem>>[vector<16xi32>, vector<16xi32>], vector<16xf32>,
      %add3A_1089 = arith.constant 112 : i32
      %add3A_1090 = vector.broadcast %add3A_1089 : i32 to vector<16xi32>
      %add3A_1091 = arith.addi %add3A_1090, %iota3A : vector<16xi32>
      %gather3A_1092 = tpu.vector_load_idx %arg8[%add3A_1091, %get3A_1060] : memref<128x512xf32, #tpu.memory_space<vmem>>[vector<16xi32>, vector<16xi32>], vector<16xf32>,
      %mul3A_1093 = arith.mulf %gather3A_1064, %gather3A_1064 : vector<16xf32>
      %mul3A_1094 = arith.mulf %gather3A_1068, %gather3A_1068 : vector<16xf32>
      %add3A_1095 = arith.addf %mul3A_1093, %mul3A_1094 : vector<16xf32>
      %mul3A_1096 = arith.mulf %gather3A_1072, %gather3A_1072 : vector<16xf32>
      %add3A_1097 = arith.addf %add3A_1095, %mul3A_1096 : vector<16xf32>
      %mul3A_1098 = arith.mulf %gather3A_1076, %gather3A_1076 : vector<16xf32>
      %add3A_1099 = arith.addf %add3A_1097, %mul3A_1098 : vector<16xf32>
      %mul3A_1100 = arith.mulf %gather3A_1080, %gather3A_1080 : vector<16xf32>
      %add3A_1101 = arith.addf %add3A_1099, %mul3A_1100 : vector<16xf32>
      %mul3A_1102 = arith.mulf %gather3A_1084, %gather3A_1084 : vector<16xf32>
      %add3A_1103 = arith.addf %add3A_1101, %mul3A_1102 : vector<16xf32>
      %mul3A_1104 = arith.mulf %gather3A_1088, %gather3A_1088 : vector<16xf32>
      %add3A_1105 = arith.addf %add3A_1103, %mul3A_1104 : vector<16xf32>
      %mul3A_1106 = arith.mulf %gather3A_1092, %gather3A_1092 : vector<16xf32>
      %add3A_1107 = arith.addf %add3A_1105, %mul3A_1106 : vector<16xf32>
      %swap3A_1108 = arith.constant 0 : index
      %swap3A_1109 = tpu.vector_load %arg10[%swap3A_1108] {strides = array<i32>} : memref<32xf32, #tpu.memory_space<vmem>>, vector<16xf32>,
      tpu.vector_store %arg10[%swap3A_1108], %add3A_1107 {strides = array<i32>} : memref<32xf32, #tpu.memory_space<vmem>>, vector<16xf32>,
      %swap3A_1110 = arith.constant 16 : index
      %swap3A_1111 = tpu.vector_load %arg10[%swap3A_1110] {strides = array<i32>} : memref<32xf32, #tpu.memory_space<vmem>>, vector<16xf32>,
      tpu.vector_store %arg10[%swap3A_1110], %add3A_1107 {strides = array<i32>} : memref<32xf32, #tpu.memory_space<vmem>>, vector<16xf32>,
      %get3A_1112 = arith.constant 8 : index
      %get3A_1113 = tpu.vector_load %arg10[%get3A_1112] {strides = array<i32>} : memref<32xf32, #tpu.memory_space<vmem>>, vector<16xf32>,
      %add3A_1114 = arith.addf %add3A_1107, %get3A_1113 : vector<16xf32>
      %swap3A_1115 = arith.constant 0 : index
      %swap3A_1116 = tpu.vector_load %arg10[%swap3A_1115] {strides = array<i32>} : memref<32xf32, #tpu.memory_space<vmem>>, vector<16xf32>,
      tpu.vector_store %arg10[%swap3A_1115], %add3A_1114 {strides = array<i32>} : memref<32xf32, #tpu.memory_space<vmem>>, vector<16xf32>,
      %swap3A_1117 = arith.constant 16 : index
      %swap3A_1118 = tpu.vector_load %arg10[%swap3A_1117] {strides = array<i32>} : memref<32xf32, #tpu.memory_space<vmem>>, vector<16xf32>,
      tpu.vector_store %arg10[%swap3A_1117], %add3A_1114 {strides = array<i32>} : memref<32xf32, #tpu.memory_space<vmem>>, vector<16xf32>,
      %get3A_1119 = arith.constant 4 : index
      %get3A_1120 = tpu.vector_load %arg10[%get3A_1119] {strides = array<i32>} : memref<32xf32, #tpu.memory_space<vmem>>, vector<16xf32>,
      %add3A_1121 = arith.addf %add3A_1114, %get3A_1120 : vector<16xf32>
      %swap3A_1122 = arith.constant 0 : index
      %swap3A_1123 = tpu.vector_load %arg10[%swap3A_1122] {strides = array<i32>} : memref<32xf32, #tpu.memory_space<vmem>>, vector<16xf32>,
      tpu.vector_store %arg10[%swap3A_1122], %add3A_1121 {strides = array<i32>} : memref<32xf32, #tpu.memory_space<vmem>>, vector<16xf32>,
      %swap3A_1124 = arith.constant 16 : index
      %swap3A_1125 = tpu.vector_load %arg10[%swap3A_1124] {strides = array<i32>} : memref<32xf32, #tpu.memory_space<vmem>>, vector<16xf32>,
      tpu.vector_store %arg10[%swap3A_1124], %add3A_1121 {strides = array<i32>} : memref<32xf32, #tpu.memory_space<vmem>>, vector<16xf32>,
      %get3A_1126 = arith.constant 2 : index
      %get3A_1127 = tpu.vector_load %arg10[%get3A_1126] {strides = array<i32>} : memref<32xf32, #tpu.memory_space<vmem>>, vector<16xf32>,
      %add3A_1128 = arith.addf %add3A_1121, %get3A_1127 : vector<16xf32>
      %swap3A_1129 = arith.constant 0 : index
      %swap3A_1130 = tpu.vector_load %arg10[%swap3A_1129] {strides = array<i32>} : memref<32xf32, #tpu.memory_space<vmem>>, vector<16xf32>,
      tpu.vector_store %arg10[%swap3A_1129], %add3A_1128 {strides = array<i32>} : memref<32xf32, #tpu.memory_space<vmem>>, vector<16xf32>,
      %swap3A_1131 = arith.constant 16 : index
      %swap3A_1132 = tpu.vector_load %arg10[%swap3A_1131] {strides = array<i32>} : memref<32xf32, #tpu.memory_space<vmem>>, vector<16xf32>,
      tpu.vector_store %arg10[%swap3A_1131], %add3A_1128 {strides = array<i32>} : memref<32xf32, #tpu.memory_space<vmem>>, vector<16xf32>,
      %get3A_1133 = arith.constant 1 : index
      %get3A_1134 = tpu.vector_load %arg10[%get3A_1133] {strides = array<i32>} : memref<32xf32, #tpu.memory_space<vmem>>, vector<16xf32>,
      %add3A_1135 = arith.addf %add3A_1128, %get3A_1134 : vector<16xf32>
      %bitcast3A_1136 = vector.bitcast %add3A_1135 : vector<16xf32> to vector<16xi32>
      %shift_right_arithmetic3A_1137 = arith.constant 1 : i32
      %shift_right_arithmetic3A_1138 = vector.broadcast %shift_right_arithmetic3A_1137 : i32 to vector<16xi32>
      %shift_right_arithmetic3A_1139 = arith.shrsi %bitcast3A_1136, %shift_right_arithmetic3A_1138 : vector<16xi32>
      %sub3A_1140 = arith.constant 1597463007 : i32
      %sub3A_1141 = vector.broadcast %sub3A_1140 : i32 to vector<16xi32>
      %sub3A_1142 = arith.subi %sub3A_1141, %shift_right_arithmetic3A_1139 : vector<16xi32>
      %bitcast3A_1143 = vector.bitcast %sub3A_1142 : vector<16xi32> to vector<16xf32>
      %mul3A_1144 = arith.constant 5.000000e-01 : f32
      %mul3A_1145 = vector.broadcast %mul3A_1144 : f32 to vector<16xf32>
      %mul3A_1146 = arith.mulf %mul3A_1145, %add3A_1135 : vector<16xf32>
      %mul3A_1147 = arith.mulf %mul3A_1146, %bitcast3A_1143 : vector<16xf32>
      %mul3A_1148 = arith.mulf %mul3A_1147, %bitcast3A_1143 : vector<16xf32>
      %sub3A_1149 = arith.constant 1.500000e+00 : f32
      %sub3A_1150 = vector.broadcast %sub3A_1149 : f32 to vector<16xf32>
      %sub3A_1151 = arith.subf %sub3A_1150, %mul3A_1148 : vector<16xf32>
      %mul3A_1152 = arith.mulf %bitcast3A_1143, %sub3A_1151 : vector<16xf32>
      %mul3A_1153 = arith.constant 5.000000e-01 : f32
      %mul3A_1154 = vector.broadcast %mul3A_1153 : f32 to vector<16xf32>
      %mul3A_1155 = arith.mulf %mul3A_1154, %add3A_1135 : vector<16xf32>
      %mul3A_1156 = arith.mulf %mul3A_1155, %mul3A_1152 : vector<16xf32>
      %mul3A_1157 = arith.mulf %mul3A_1156, %mul3A_1152 : vector<16xf32>
      %sub3A_1158 = arith.constant 1.500000e+00 : f32
      %sub3A_1159 = vector.broadcast %sub3A_1158 : f32 to vector<16xf32>
      %sub3A_1160 = arith.subf %sub3A_1159, %mul3A_1157 : vector<16xf32>
      %mul3A_1161 = arith.mulf %mul3A_1152, %sub3A_1160 : vector<16xf32>
      %mul3A_1162 = arith.constant 5.000000e-01 : f32
      %mul3A_1163 = vector.broadcast %mul3A_1162 : f32 to vector<16xf32>
      %mul3A_1164 = arith.mulf %mul3A_1163, %add3A_1135 : vector<16xf32>
      %mul3A_1165 = arith.mulf %mul3A_1164, %mul3A_1161 : vector<16xf32>
      %mul3A_1166 = arith.mulf %mul3A_1165, %mul3A_1161 : vector<16xf32>
      %sub3A_1167 = arith.constant 1.500000e+00 : f32
      %sub3A_1168 = vector.broadcast %sub3A_1167 : f32 to vector<16xf32>
      %sub3A_1169 = arith.subf %sub3A_1168, %mul3A_1166 : vector<16xf32>
      %mul3A_1170 = arith.mulf %mul3A_1161, %sub3A_1169 : vector<16xf32>
      %mul3A_1171 = arith.mulf %add3A_1135, %mul3A_1170 : vector<16xf32>
      %max3A_1172 = arith.constant 9.99999996E-13 : f32
      %max3A_1173 = vector.broadcast %max3A_1172 : f32 to vector<16xf32>
      %max3A_1174 = arith.maximumf %mul3A_1171, %max3A_1173 : vector<16xf32>
      %div3A_1175 = arith.divf %gather3A_1064, %max3A_1174 : vector<16xf32>
      %swap3A_1176 = arith.constant 6 : i32
      %swap3A_1177 = arith.index_cast %swap3A_1176 : i32 to index
      %swap3A_1178 = arith.constant 0 : index
      %swap3A_1179 = tpu.vector_load %arg9[%swap3A_1177, %swap3A_1178] {strides = array<i32>} : memref<8x128xf32, #tpu.memory_space<vmem>>, vector<16xf32>,
      tpu.vector_store %arg9[%swap3A_1177, %swap3A_1178], %div3A_1175 {strides = array<i32>} : memref<8x128xf32, #tpu.memory_space<vmem>>, vector<16xf32>,
      %div3A_1180 = arith.divf %gather3A_1068, %max3A_1174 : vector<16xf32>
      %swap3A_1181 = arith.constant 6 : i32
      %swap3A_1182 = arith.index_cast %swap3A_1181 : i32 to index
      %swap3A_1183 = arith.constant 16 : index
      %swap3A_1184 = tpu.vector_load %arg9[%swap3A_1182, %swap3A_1183] {strides = array<i32>} : memref<8x128xf32, #tpu.memory_space<vmem>>, vector<16xf32>,
      tpu.vector_store %arg9[%swap3A_1182, %swap3A_1183], %div3A_1180 {strides = array<i32>} : memref<8x128xf32, #tpu.memory_space<vmem>>, vector<16xf32>,
      %div3A_1185 = arith.divf %gather3A_1072, %max3A_1174 : vector<16xf32>
      %swap3A_1186 = arith.constant 6 : i32
      %swap3A_1187 = arith.index_cast %swap3A_1186 : i32 to index
      %swap3A_1188 = arith.constant 32 : index
      %swap3A_1189 = tpu.vector_load %arg9[%swap3A_1187, %swap3A_1188] {strides = array<i32>} : memref<8x128xf32, #tpu.memory_space<vmem>>, vector<16xf32>,
      tpu.vector_store %arg9[%swap3A_1187, %swap3A_1188], %div3A_1185 {strides = array<i32>} : memref<8x128xf32, #tpu.memory_space<vmem>>, vector<16xf32>,
      %div3A_1190 = arith.divf %gather3A_1076, %max3A_1174 : vector<16xf32>
      %swap3A_1191 = arith.constant 6 : i32
      %swap3A_1192 = arith.index_cast %swap3A_1191 : i32 to index
      %swap3A_1193 = arith.constant 48 : index
      %swap3A_1194 = tpu.vector_load %arg9[%swap3A_1192, %swap3A_1193] {strides = array<i32>} : memref<8x128xf32, #tpu.memory_space<vmem>>, vector<16xf32>,
      tpu.vector_store %arg9[%swap3A_1192, %swap3A_1193], %div3A_1190 {strides = array<i32>} : memref<8x128xf32, #tpu.memory_space<vmem>>, vector<16xf32>,
      %div3A_1195 = arith.divf %gather3A_1080, %max3A_1174 : vector<16xf32>
      %swap3A_1196 = arith.constant 6 : i32
      %swap3A_1197 = arith.index_cast %swap3A_1196 : i32 to index
      %swap3A_1198 = arith.constant 64 : index
      %swap3A_1199 = tpu.vector_load %arg9[%swap3A_1197, %swap3A_1198] {strides = array<i32>} : memref<8x128xf32, #tpu.memory_space<vmem>>, vector<16xf32>,
      tpu.vector_store %arg9[%swap3A_1197, %swap3A_1198], %div3A_1195 {strides = array<i32>} : memref<8x128xf32, #tpu.memory_space<vmem>>, vector<16xf32>,
      %div3A_1200 = arith.divf %gather3A_1084, %max3A_1174 : vector<16xf32>
      %swap3A_1201 = arith.constant 6 : i32
      %swap3A_1202 = arith.index_cast %swap3A_1201 : i32 to index
      %swap3A_1203 = arith.constant 80 : index
      %swap3A_1204 = tpu.vector_load %arg9[%swap3A_1202, %swap3A_1203] {strides = array<i32>} : memref<8x128xf32, #tpu.memory_space<vmem>>, vector<16xf32>,
      tpu.vector_store %arg9[%swap3A_1202, %swap3A_1203], %div3A_1200 {strides = array<i32>} : memref<8x128xf32, #tpu.memory_space<vmem>>, vector<16xf32>,
      %div3A_1205 = arith.divf %gather3A_1088, %max3A_1174 : vector<16xf32>
      %swap3A_1206 = arith.constant 6 : i32
      %swap3A_1207 = arith.index_cast %swap3A_1206 : i32 to index
      %swap3A_1208 = arith.constant 96 : index
      %swap3A_1209 = tpu.vector_load %arg9[%swap3A_1207, %swap3A_1208] {strides = array<i32>} : memref<8x128xf32, #tpu.memory_space<vmem>>, vector<16xf32>,
      tpu.vector_store %arg9[%swap3A_1207, %swap3A_1208], %div3A_1205 {strides = array<i32>} : memref<8x128xf32, #tpu.memory_space<vmem>>, vector<16xf32>,
      %div3A_1210 = arith.divf %gather3A_1092, %max3A_1174 : vector<16xf32>
      %swap3A_1211 = arith.constant 6 : i32
      %swap3A_1212 = arith.index_cast %swap3A_1211 : i32 to index
      %swap3A_1213 = arith.constant 112 : index
      %swap3A_1214 = tpu.vector_load %arg9[%swap3A_1212, %swap3A_1213] {strides = array<i32>} : memref<8x128xf32, #tpu.memory_space<vmem>>, vector<16xf32>,
      tpu.vector_store %arg9[%swap3A_1212, %swap3A_1213], %div3A_1210 {strides = array<i32>} : memref<8x128xf32, #tpu.memory_space<vmem>>, vector<16xf32>,
      %dma_start3A_1215 = arith.constant 7 : i32
      %dma_start3A_1216 = arith.constant 0 : i32
      %dma_start3A_1217 = tpu.memref_slice %arg6[%dma_start3A_1215, %dma_start3A_1216] : memref<8x128xi32, #tpu.memory_space<vmem>> -> memref<1x128xi32, #tpu.memory_space<vmem>>
      %dma_start3A_1218 = tpu.memref_squeeze %dma_start3A_1217 : memref<1x128xi32, #tpu.memory_space<vmem>> -> memref<128xi32, #tpu.memory_space<vmem>>
      %dma_start3A_1219 = tpu.memref_reshape %arg2 : memref<2x128x512x512xf32, #tpu.memory_space<hbm>> -> memref<131072x512xf32, #tpu.memory_space<hbm>>
      %dma_start3A_1220 = arith.constant 0 : i32
      %dma_start3A_1221 = arith.constant 0 : i32
      %dma_start3A_1222 = tpu.memref_slice %dma_start3A_1219[%dma_start3A_1220, %dma_start3A_1221] : memref<131072x512xf32, #tpu.memory_space<hbm>> -> memref<131072x512xf32, #tpu.memory_space<hbm>>
      tpu.enqueue_indirect_dma source(%dma_start3A_1222 : memref<131072x512xf32, #tpu.memory_space<hbm>>) target(%arg8 : memref<128x512xf32, #tpu.memory_space<vmem>>) offsets(%dma_start3A_1218 : memref<128xi32, #tpu.memory_space<vmem>>) semaphore(%arg11 : memref<!tpu.dma_semaphore, #tpu.memory_space<semaphore_mem>>)
      %dma_wait3A_1223 = arith.constant 7 : i32
      %dma_wait3A_1224 = arith.constant 0 : i32
      %dma_wait3A_1225 = tpu.memref_slice %arg6[%dma_wait3A_1223, %dma_wait3A_1224] : memref<8x128xi32, #tpu.memory_space<vmem>> -> memref<1x128xi32, #tpu.memory_space<vmem>>
      %dma_wait3A_1226 = tpu.memref_squeeze %dma_wait3A_1225 : memref<1x128xi32, #tpu.memory_space<vmem>> -> memref<128xi32, #tpu.memory_space<vmem>>
      %dma_wait3A_1227 = tpu.memref_reshape %arg2 : memref<2x128x512x512xf32, #tpu.memory_space<hbm>> -> memref<131072x512xf32, #tpu.memory_space<hbm>>
      %dma_wait3A_1228 = arith.constant 0 : i32
      %dma_wait3A_1229 = arith.constant 0 : i32
      %dma_wait3A_1230 = tpu.memref_slice %dma_wait3A_1227[%dma_wait3A_1228, %dma_wait3A_1229] : memref<131072x512xf32, #tpu.memory_space<hbm>> -> memref<131072x512xf32, #tpu.memory_space<hbm>>
      tpu.wait_indirect_dma semaphore(%arg11 : memref<!tpu.dma_semaphore, #tpu.memory_space<semaphore_mem>>) src(%dma_wait3A_1230 : memref<131072x512xf32, #tpu.memory_space<hbm>>) dst(%arg8 : memref<128x512xf32, #tpu.memory_space<vmem>>)
      %get3A_1231 = arith.constant 7 : i32
      %get3A_1232 = arith.index_cast %get3A_1231 : i32 to index
      %get3A_1233 = arith.constant 0 : index
      %get3A_1234 = tpu.vector_load %arg7[%get3A_1232, %get3A_1233] {strides = array<i32>} : memref<8x16xi32, #tpu.memory_space<vmem>>, vector<16xi32>,
      %add3A_1235 = arith.constant 0 : i32
      %add3A_1236 = vector.broadcast %add3A_1235 : i32 to vector<16xi32>
      %add3A_1237 = arith.addi %add3A_1236, %iota3A : vector<16xi32>
      %gather3A_1238 = tpu.vector_load_idx %arg8[%add3A_1237, %get3A_1234] : memref<128x512xf32, #tpu.memory_space<vmem>>[vector<16xi32>, vector<16xi32>], vector<16xf32>,
      %add3A_1239 = arith.constant 16 : i32
      %add3A_1240 = vector.broadcast %add3A_1239 : i32 to vector<16xi32>
      %add3A_1241 = arith.addi %add3A_1240, %iota3A : vector<16xi32>
      %gather3A_1242 = tpu.vector_load_idx %arg8[%add3A_1241, %get3A_1234] : memref<128x512xf32, #tpu.memory_space<vmem>>[vector<16xi32>, vector<16xi32>], vector<16xf32>,
      %add3A_1243 = arith.constant 32 : i32
      %add3A_1244 = vector.broadcast %add3A_1243 : i32 to vector<16xi32>
      %add3A_1245 = arith.addi %add3A_1244, %iota3A : vector<16xi32>
      %gather3A_1246 = tpu.vector_load_idx %arg8[%add3A_1245, %get3A_1234] : memref<128x512xf32, #tpu.memory_space<vmem>>[vector<16xi32>, vector<16xi32>], vector<16xf32>,
      %add3A_1247 = arith.constant 48 : i32
      %add3A_1248 = vector.broadcast %add3A_1247 : i32 to vector<16xi32>
      %add3A_1249 = arith.addi %add3A_1248, %iota3A : vector<16xi32>
      %gather3A_1250 = tpu.vector_load_idx %arg8[%add3A_1249, %get3A_1234] : memref<128x512xf32, #tpu.memory_space<vmem>>[vector<16xi32>, vector<16xi32>], vector<16xf32>,
      %add3A_1251 = arith.constant 64 : i32
      %add3A_1252 = vector.broadcast %add3A_1251 : i32 to vector<16xi32>
      %add3A_1253 = arith.addi %add3A_1252, %iota3A : vector<16xi32>
      %gather3A_1254 = tpu.vector_load_idx %arg8[%add3A_1253, %get3A_1234] : memref<128x512xf32, #tpu.memory_space<vmem>>[vector<16xi32>, vector<16xi32>], vector<16xf32>,
      %add3A_1255 = arith.constant 80 : i32
      %add3A_1256 = vector.broadcast %add3A_1255 : i32 to vector<16xi32>
      %add3A_1257 = arith.addi %add3A_1256, %iota3A : vector<16xi32>
      %gather3A_1258 = tpu.vector_load_idx %arg8[%add3A_1257, %get3A_1234] : memref<128x512xf32, #tpu.memory_space<vmem>>[vector<16xi32>, vector<16xi32>], vector<16xf32>,
      %add3A_1259 = arith.constant 96 : i32
      %add3A_1260 = vector.broadcast %add3A_1259 : i32 to vector<16xi32>
      %add3A_1261 = arith.addi %add3A_1260, %iota3A : vector<16xi32>
      %gather3A_1262 = tpu.vector_load_idx %arg8[%add3A_1261, %get3A_1234] : memref<128x512xf32, #tpu.memory_space<vmem>>[vector<16xi32>, vector<16xi32>], vector<16xf32>,
      %add3A_1263 = arith.constant 112 : i32
      %add3A_1264 = vector.broadcast %add3A_1263 : i32 to vector<16xi32>
      %add3A_1265 = arith.addi %add3A_1264, %iota3A : vector<16xi32>
      %gather3A_1266 = tpu.vector_load_idx %arg8[%add3A_1265, %get3A_1234] : memref<128x512xf32, #tpu.memory_space<vmem>>[vector<16xi32>, vector<16xi32>], vector<16xf32>,
      %mul3A_1267 = arith.mulf %gather3A_1238, %gather3A_1238 : vector<16xf32>
      %mul3A_1268 = arith.mulf %gather3A_1242, %gather3A_1242 : vector<16xf32>
      %add3A_1269 = arith.addf %mul3A_1267, %mul3A_1268 : vector<16xf32>
      %mul3A_1270 = arith.mulf %gather3A_1246, %gather3A_1246 : vector<16xf32>
      %add3A_1271 = arith.addf %add3A_1269, %mul3A_1270 : vector<16xf32>
      %mul3A_1272 = arith.mulf %gather3A_1250, %gather3A_1250 : vector<16xf32>
      %add3A_1273 = arith.addf %add3A_1271, %mul3A_1272 : vector<16xf32>
      %mul3A_1274 = arith.mulf %gather3A_1254, %gather3A_1254 : vector<16xf32>
      %add3A_1275 = arith.addf %add3A_1273, %mul3A_1274 : vector<16xf32>
      %mul3A_1276 = arith.mulf %gather3A_1258, %gather3A_1258 : vector<16xf32>
      %add3A_1277 = arith.addf %add3A_1275, %mul3A_1276 : vector<16xf32>
      %mul3A_1278 = arith.mulf %gather3A_1262, %gather3A_1262 : vector<16xf32>
      %add3A_1279 = arith.addf %add3A_1277, %mul3A_1278 : vector<16xf32>
      %mul3A_1280 = arith.mulf %gather3A_1266, %gather3A_1266 : vector<16xf32>
      %add3A_1281 = arith.addf %add3A_1279, %mul3A_1280 : vector<16xf32>
      %swap3A_1282 = arith.constant 0 : index
      %swap3A_1283 = tpu.vector_load %arg10[%swap3A_1282] {strides = array<i32>} : memref<32xf32, #tpu.memory_space<vmem>>, vector<16xf32>,
      tpu.vector_store %arg10[%swap3A_1282], %add3A_1281 {strides = array<i32>} : memref<32xf32, #tpu.memory_space<vmem>>, vector<16xf32>,
      %swap3A_1284 = arith.constant 16 : index
      %swap3A_1285 = tpu.vector_load %arg10[%swap3A_1284] {strides = array<i32>} : memref<32xf32, #tpu.memory_space<vmem>>, vector<16xf32>,
      tpu.vector_store %arg10[%swap3A_1284], %add3A_1281 {strides = array<i32>} : memref<32xf32, #tpu.memory_space<vmem>>, vector<16xf32>,
      %get3A_1286 = arith.constant 8 : index
      %get3A_1287 = tpu.vector_load %arg10[%get3A_1286] {strides = array<i32>} : memref<32xf32, #tpu.memory_space<vmem>>, vector<16xf32>,
      %add3A_1288 = arith.addf %add3A_1281, %get3A_1287 : vector<16xf32>
      %swap3A_1289 = arith.constant 0 : index
      %swap3A_1290 = tpu.vector_load %arg10[%swap3A_1289] {strides = array<i32>} : memref<32xf32, #tpu.memory_space<vmem>>, vector<16xf32>,
      tpu.vector_store %arg10[%swap3A_1289], %add3A_1288 {strides = array<i32>} : memref<32xf32, #tpu.memory_space<vmem>>, vector<16xf32>,
      %swap3A_1291 = arith.constant 16 : index
      %swap3A_1292 = tpu.vector_load %arg10[%swap3A_1291] {strides = array<i32>} : memref<32xf32, #tpu.memory_space<vmem>>, vector<16xf32>,
      tpu.vector_store %arg10[%swap3A_1291], %add3A_1288 {strides = array<i32>} : memref<32xf32, #tpu.memory_space<vmem>>, vector<16xf32>,
      %get3A_1293 = arith.constant 4 : index
      %get3A_1294 = tpu.vector_load %arg10[%get3A_1293] {strides = array<i32>} : memref<32xf32, #tpu.memory_space<vmem>>, vector<16xf32>,
      %add3A_1295 = arith.addf %add3A_1288, %get3A_1294 : vector<16xf32>
      %swap3A_1296 = arith.constant 0 : index
      %swap3A_1297 = tpu.vector_load %arg10[%swap3A_1296] {strides = array<i32>} : memref<32xf32, #tpu.memory_space<vmem>>, vector<16xf32>,
      tpu.vector_store %arg10[%swap3A_1296], %add3A_1295 {strides = array<i32>} : memref<32xf32, #tpu.memory_space<vmem>>, vector<16xf32>,
      %swap3A_1298 = arith.constant 16 : index
      %swap3A_1299 = tpu.vector_load %arg10[%swap3A_1298] {strides = array<i32>} : memref<32xf32, #tpu.memory_space<vmem>>, vector<16xf32>,
      tpu.vector_store %arg10[%swap3A_1298], %add3A_1295 {strides = array<i32>} : memref<32xf32, #tpu.memory_space<vmem>>, vector<16xf32>,
      %get3A_1300 = arith.constant 2 : index
      %get3A_1301 = tpu.vector_load %arg10[%get3A_1300] {strides = array<i32>} : memref<32xf32, #tpu.memory_space<vmem>>, vector<16xf32>,
      %add3A_1302 = arith.addf %add3A_1295, %get3A_1301 : vector<16xf32>
      %swap3A_1303 = arith.constant 0 : index
      %swap3A_1304 = tpu.vector_load %arg10[%swap3A_1303] {strides = array<i32>} : memref<32xf32, #tpu.memory_space<vmem>>, vector<16xf32>,
      tpu.vector_store %arg10[%swap3A_1303], %add3A_1302 {strides = array<i32>} : memref<32xf32, #tpu.memory_space<vmem>>, vector<16xf32>,
      %swap3A_1305 = arith.constant 16 : index
      %swap3A_1306 = tpu.vector_load %arg10[%swap3A_1305] {strides = array<i32>} : memref<32xf32, #tpu.memory_space<vmem>>, vector<16xf32>,
      tpu.vector_store %arg10[%swap3A_1305], %add3A_1302 {strides = array<i32>} : memref<32xf32, #tpu.memory_space<vmem>>, vector<16xf32>,
      %get3A_1307 = arith.constant 1 : index
      %get3A_1308 = tpu.vector_load %arg10[%get3A_1307] {strides = array<i32>} : memref<32xf32, #tpu.memory_space<vmem>>, vector<16xf32>,
      %add3A_1309 = arith.addf %add3A_1302, %get3A_1308 : vector<16xf32>
      %bitcast3A_1310 = vector.bitcast %add3A_1309 : vector<16xf32> to vector<16xi32>
      %shift_right_arithmetic3A_1311 = arith.constant 1 : i32
      %shift_right_arithmetic3A_1312 = vector.broadcast %shift_right_arithmetic3A_1311 : i32 to vector<16xi32>
      %shift_right_arithmetic3A_1313 = arith.shrsi %bitcast3A_1310, %shift_right_arithmetic3A_1312 : vector<16xi32>
      %sub3A_1314 = arith.constant 1597463007 : i32
      %sub3A_1315 = vector.broadcast %sub3A_1314 : i32 to vector<16xi32>
      %sub3A_1316 = arith.subi %sub3A_1315, %shift_right_arithmetic3A_1313 : vector<16xi32>
      %bitcast3A_1317 = vector.bitcast %sub3A_1316 : vector<16xi32> to vector<16xf32>
      %mul3A_1318 = arith.constant 5.000000e-01 : f32
      %mul3A_1319 = vector.broadcast %mul3A_1318 : f32 to vector<16xf32>
      %mul3A_1320 = arith.mulf %mul3A_1319, %add3A_1309 : vector<16xf32>
      %mul3A_1321 = arith.mulf %mul3A_1320, %bitcast3A_1317 : vector<16xf32>
      %mul3A_1322 = arith.mulf %mul3A_1321, %bitcast3A_1317 : vector<16xf32>
      %sub3A_1323 = arith.constant 1.500000e+00 : f32
      %sub3A_1324 = vector.broadcast %sub3A_1323 : f32 to vector<16xf32>
      %sub3A_1325 = arith.subf %sub3A_1324, %mul3A_1322 : vector<16xf32>
      %mul3A_1326 = arith.mulf %bitcast3A_1317, %sub3A_1325 : vector<16xf32>
      %mul3A_1327 = arith.constant 5.000000e-01 : f32
      %mul3A_1328 = vector.broadcast %mul3A_1327 : f32 to vector<16xf32>
      %mul3A_1329 = arith.mulf %mul3A_1328, %add3A_1309 : vector<16xf32>
      %mul3A_1330 = arith.mulf %mul3A_1329, %mul3A_1326 : vector<16xf32>
      %mul3A_1331 = arith.mulf %mul3A_1330, %mul3A_1326 : vector<16xf32>
      %sub3A_1332 = arith.constant 1.500000e+00 : f32
      %sub3A_1333 = vector.broadcast %sub3A_1332 : f32 to vector<16xf32>
      %sub3A_1334 = arith.subf %sub3A_1333, %mul3A_1331 : vector<16xf32>
      %mul3A_1335 = arith.mulf %mul3A_1326, %sub3A_1334 : vector<16xf32>
      %mul3A_1336 = arith.constant 5.000000e-01 : f32
      %mul3A_1337 = vector.broadcast %mul3A_1336 : f32 to vector<16xf32>
      %mul3A_1338 = arith.mulf %mul3A_1337, %add3A_1309 : vector<16xf32>
      %mul3A_1339 = arith.mulf %mul3A_1338, %mul3A_1335 : vector<16xf32>
      %mul3A_1340 = arith.mulf %mul3A_1339, %mul3A_1335 : vector<16xf32>
      %sub3A_1341 = arith.constant 1.500000e+00 : f32
      %sub3A_1342 = vector.broadcast %sub3A_1341 : f32 to vector<16xf32>
      %sub3A_1343 = arith.subf %sub3A_1342, %mul3A_1340 : vector<16xf32>
      %mul3A_1344 = arith.mulf %mul3A_1335, %sub3A_1343 : vector<16xf32>
      %mul3A_1345 = arith.mulf %add3A_1309, %mul3A_1344 : vector<16xf32>
      %max3A_1346 = arith.constant 9.99999996E-13 : f32
      %max3A_1347 = vector.broadcast %max3A_1346 : f32 to vector<16xf32>
      %max3A_1348 = arith.maximumf %mul3A_1345, %max3A_1347 : vector<16xf32>
      %div3A_1349 = arith.divf %gather3A_1238, %max3A_1348 : vector<16xf32>
      %swap3A_1350 = arith.constant 7 : i32
      %swap3A_1351 = arith.index_cast %swap3A_1350 : i32 to index
      %swap3A_1352 = arith.constant 0 : index
      %swap3A_1353 = tpu.vector_load %arg9[%swap3A_1351, %swap3A_1352] {strides = array<i32>} : memref<8x128xf32, #tpu.memory_space<vmem>>, vector<16xf32>,
      tpu.vector_store %arg9[%swap3A_1351, %swap3A_1352], %div3A_1349 {strides = array<i32>} : memref<8x128xf32, #tpu.memory_space<vmem>>, vector<16xf32>,
      %div3A_1354 = arith.divf %gather3A_1242, %max3A_1348 : vector<16xf32>
      %swap3A_1355 = arith.constant 7 : i32
      %swap3A_1356 = arith.index_cast %swap3A_1355 : i32 to index
      %swap3A_1357 = arith.constant 16 : index
      %swap3A_1358 = tpu.vector_load %arg9[%swap3A_1356, %swap3A_1357] {strides = array<i32>} : memref<8x128xf32, #tpu.memory_space<vmem>>, vector<16xf32>,
      tpu.vector_store %arg9[%swap3A_1356, %swap3A_1357], %div3A_1354 {strides = array<i32>} : memref<8x128xf32, #tpu.memory_space<vmem>>, vector<16xf32>,
      %div3A_1359 = arith.divf %gather3A_1246, %max3A_1348 : vector<16xf32>
      %swap3A_1360 = arith.constant 7 : i32
      %swap3A_1361 = arith.index_cast %swap3A_1360 : i32 to index
      %swap3A_1362 = arith.constant 32 : index
      %swap3A_1363 = tpu.vector_load %arg9[%swap3A_1361, %swap3A_1362] {strides = array<i32>} : memref<8x128xf32, #tpu.memory_space<vmem>>, vector<16xf32>,
      tpu.vector_store %arg9[%swap3A_1361, %swap3A_1362], %div3A_1359 {strides = array<i32>} : memref<8x128xf32, #tpu.memory_space<vmem>>, vector<16xf32>,
      %div3A_1364 = arith.divf %gather3A_1250, %max3A_1348 : vector<16xf32>
      %swap3A_1365 = arith.constant 7 : i32
      %swap3A_1366 = arith.index_cast %swap3A_1365 : i32 to index
      %swap3A_1367 = arith.constant 48 : index
      %swap3A_1368 = tpu.vector_load %arg9[%swap3A_1366, %swap3A_1367] {strides = array<i32>} : memref<8x128xf32, #tpu.memory_space<vmem>>, vector<16xf32>,
      tpu.vector_store %arg9[%swap3A_1366, %swap3A_1367], %div3A_1364 {strides = array<i32>} : memref<8x128xf32, #tpu.memory_space<vmem>>, vector<16xf32>,
      %div3A_1369 = arith.divf %gather3A_1254, %max3A_1348 : vector<16xf32>
      %swap3A_1370 = arith.constant 7 : i32
      %swap3A_1371 = arith.index_cast %swap3A_1370 : i32 to index
      %swap3A_1372 = arith.constant 64 : index
      %swap3A_1373 = tpu.vector_load %arg9[%swap3A_1371, %swap3A_1372] {strides = array<i32>} : memref<8x128xf32, #tpu.memory_space<vmem>>, vector<16xf32>,
      tpu.vector_store %arg9[%swap3A_1371, %swap3A_1372], %div3A_1369 {strides = array<i32>} : memref<8x128xf32, #tpu.memory_space<vmem>>, vector<16xf32>,
      %div3A_1374 = arith.divf %gather3A_1258, %max3A_1348 : vector<16xf32>
      %swap3A_1375 = arith.constant 7 : i32
      %swap3A_1376 = arith.index_cast %swap3A_1375 : i32 to index
      %swap3A_1377 = arith.constant 80 : index
      %swap3A_1378 = tpu.vector_load %arg9[%swap3A_1376, %swap3A_1377] {strides = array<i32>} : memref<8x128xf32, #tpu.memory_space<vmem>>, vector<16xf32>,
      tpu.vector_store %arg9[%swap3A_1376, %swap3A_1377], %div3A_1374 {strides = array<i32>} : memref<8x128xf32, #tpu.memory_space<vmem>>, vector<16xf32>,
      %div3A_1379 = arith.divf %gather3A_1262, %max3A_1348 : vector<16xf32>
      %swap3A_1380 = arith.constant 7 : i32
      %swap3A_1381 = arith.index_cast %swap3A_1380 : i32 to index
      %swap3A_1382 = arith.constant 96 : index
      %swap3A_1383 = tpu.vector_load %arg9[%swap3A_1381, %swap3A_1382] {strides = array<i32>} : memref<8x128xf32, #tpu.memory_space<vmem>>, vector<16xf32>,
      tpu.vector_store %arg9[%swap3A_1381, %swap3A_1382], %div3A_1379 {strides = array<i32>} : memref<8x128xf32, #tpu.memory_space<vmem>>, vector<16xf32>,
      %div3A_1384 = arith.divf %gather3A_1266, %max3A_1348 : vector<16xf32>
      %swap3A_1385 = arith.constant 7 : i32
      %swap3A_1386 = arith.index_cast %swap3A_1385 : i32 to index
      %swap3A_1387 = arith.constant 112 : index
      %swap3A_1388 = tpu.vector_load %arg9[%swap3A_1386, %swap3A_1387] {strides = array<i32>} : memref<8x128xf32, #tpu.memory_space<vmem>>, vector<16xf32>,
      tpu.vector_store %arg9[%swap3A_1386, %swap3A_1387], %div3A_1384 {strides = array<i32>} : memref<8x128xf32, #tpu.memory_space<vmem>>, vector<16xf32>,
      %mul3A_1389 = arith.constant 8 : i32
      %mul3A_1390 = arith.muli %add3A, %mul3A_1389 : i32
      "tpu.region"() ({
        %run_scoped3A = tpu.sem_alloc : memref<!tpu.dma_semaphore, #tpu.memory_space<semaphore_mem>>
        %dma_start3A_1391 = arith.constant 0 : i32
        %dma_start3A_1392 = tpu.memref_slice %arg5[%mul3A_1390, %dma_start3A_1391] : memref<256x128xf32, #tpu.memory_space<hbm>> -> memref<8x128xf32, #tpu.memory_space<hbm>>
        %dma_start3A_1393 = arith.constant 0 : i32
        %dma_start3A_1394 = tpu.memref_slice %arg5[%mul3A_1390, %dma_start3A_1393] : memref<256x128xf32, #tpu.memory_space<hbm>> -> memref<8x128xf32, #tpu.memory_space<hbm>>
        tpu.enqueue_dma source(%arg9 : memref<8x128xf32, #tpu.memory_space<vmem>>) target(%dma_start3A_1394 : memref<8x128xf32, #tpu.memory_space<hbm>>) target_semaphore(%run_scoped3A : memref<!tpu.dma_semaphore, #tpu.memory_space<semaphore_mem>>)
        %dma_wait3A_1395 = arith.constant 0 : i32
        %dma_wait3A_1396 = tpu.memref_slice %arg5[%mul3A_1390, %dma_wait3A_1395] : memref<256x128xf32, #tpu.memory_space<hbm>> -> memref<8x128xf32, #tpu.memory_space<hbm>>
        %dma_wait3A_1397 = arith.constant 0 : i32
        %dma_wait3A_1398 = tpu.memref_slice %arg5[%mul3A_1390, %dma_wait3A_1397] : memref<256x128xf32, #tpu.memory_space<hbm>> -> memref<8x128xf32, #tpu.memory_space<hbm>>
        tpu.wait_dma2 semaphore(%run_scoped3A : memref<!tpu.dma_semaphore, #tpu.memory_space<semaphore_mem>>) src(%arg9 : memref<8x128xf32, #tpu.memory_space<vmem>>) dst(%dma_wait3A_1398 : memref<8x128xf32, #tpu.memory_space<hbm>>)
        tpu.yield
      }) : () -> ()
    } else {
    }
    return
  }
}

module attributes {stable_mosaic.version = 14 : i64} {
  func.func @_nms_topk_body(%arg0: memref<2x512x512xf32, #tpu.memory_space<vmem>>, %arg1: memref<2x1x100xf32, #tpu.memory_space<smem>>, %arg2: memref<2x1x100xi32, #tpu.memory_space<smem>>, %arg3: memref<512x8x64xf32, #tpu.memory_space<vmem>>, %arg4: memref<512x8x64xf32, #tpu.memory_space<vmem>>) attributes {dimension_semantics = [], scalar_prefetch = 0 : i64, scratch_operands = 2 : i64, tpu.core_type = #tpu.core_type<tc>} {
    %iota3A = tpu.iota {dimensions = array<i32: 0>} : vector<512x512xi32>
    %iota3A_0 = tpu.iota {dimensions = array<i32: 1>} : vector<512x512xi32>
    %ge3A = arith.constant 4 : i32
    %ge3A_1 = vector.broadcast %ge3A : i32 to vector<512x512xi32>
    %ge3A_2 = arith.cmpi sge, %iota3A, %ge3A_1 : vector<512x512xi32>
    %lt3A = arith.constant 508 : i32
    %lt3A_3 = vector.broadcast %lt3A : i32 to vector<512x512xi32>
    %lt3A_4 = arith.cmpi slt, %iota3A, %lt3A_3 : vector<512x512xi32>
    %and3A = arith.andi %ge3A_2, %lt3A_4 : vector<512x512xi1>
    %ge3A_5 = arith.constant 4 : i32
    %ge3A_6 = vector.broadcast %ge3A_5 : i32 to vector<512x512xi32>
    %ge3A_7 = arith.cmpi sge, %iota3A_0, %ge3A_6 : vector<512x512xi32>
    %and3A_8 = arith.andi %and3A, %ge3A_7 : vector<512x512xi1>
    %lt3A_9 = arith.constant 508 : i32
    %lt3A_10 = vector.broadcast %lt3A_9 : i32 to vector<512x512xi32>
    %lt3A_11 = arith.cmpi slt, %iota3A_0, %lt3A_10 : vector<512x512xi32>
    %and3A_12 = arith.andi %and3A_8, %lt3A_11 : vector<512x512xi1>
    %iota3A_13 = tpu.iota {dimensions = array<i32: 0>} : vector<8x64xi32>
    %mul3A = arith.constant 64 : i32
    %mul3A_14 = vector.broadcast %mul3A : i32 to vector<8x64xi32>
    %mul3A_15 = arith.muli %iota3A_13, %mul3A_14 : vector<8x64xi32>
    %iota3A_16 = tpu.iota {dimensions = array<i32: 1>} : vector<8x64xi32>
    %add3A = arith.addi %mul3A_15, %iota3A_16 : vector<8x64xi32>
    %iota3A_17 = tpu.iota {dimensions = array<i32: 0>} : vector<8x64xi32>
    %mul3A_18 = arith.constant 64 : i32
    %mul3A_19 = vector.broadcast %mul3A_18 : i32 to vector<8x64xi32>
    %mul3A_20 = arith.muli %iota3A_17, %mul3A_19 : vector<8x64xi32>
    %iota3A_21 = tpu.iota {dimensions = array<i32: 1>} : vector<8x64xi32>
    %add3A_22 = arith.addi %mul3A_20, %iota3A_21 : vector<8x64xi32>
    %get3A = arith.constant 0 : index
    %get3A_23 = arith.constant 0 : index
    %get3A_24 = arith.constant 0 : index
    %get3A_25 = vector.load %arg0[%get3A, %get3A_23, %get3A_24] : memref<2x512x512xf32, #tpu.memory_space<vmem>>, vector<1x512x512xf32>
    %get3A_26 = vector.shape_cast %get3A_25 : vector<1x512x512xf32> to vector<512x512xf32>
    %broadcast_in_dim3A = arith.constant 0.000000e+00 : f32
    %broadcast_in_dim3A_27 = vector.broadcast %broadcast_in_dim3A : f32 to vector<512x1xf32>
    %slice3A = vector.extract_strided_slice %get3A_26 {offsets = [0, 1], sizes = [512, 511], strides = [1, 1]} : vector<512x512xf32> to vector<512x511xf32>
    %concatenate3A = tpu.concatenate %slice3A, %broadcast_in_dim3A_27 in 1 : vector<512x511xf32>, vector<512x1xf32> -> vector<512x512xf32>
    %slice3A_28 = vector.extract_strided_slice %get3A_26 {offsets = [0, 0], sizes = [512, 511], strides = [1, 1]} : vector<512x512xf32> to vector<512x511xf32>
    %concatenate3A_29 = tpu.concatenate %broadcast_in_dim3A_27, %slice3A_28 in 1 : vector<512x1xf32>, vector<512x511xf32> -> vector<512x512xf32>
    %max3A = arith.maximumf %concatenate3A, %concatenate3A_29 : vector<512x512xf32>
    %max3A_30 = arith.maximumf %max3A, %get3A_26 : vector<512x512xf32>
    %broadcast_in_dim3A_31 = arith.constant 0.000000e+00 : f32
    %broadcast_in_dim3A_32 = vector.broadcast %broadcast_in_dim3A_31 : f32 to vector<512x3xf32>
    %slice3A_33 = vector.extract_strided_slice %max3A_30 {offsets = [0, 3], sizes = [512, 509], strides = [1, 1]} : vector<512x512xf32> to vector<512x509xf32>
    %concatenate3A_34 = tpu.concatenate %slice3A_33, %broadcast_in_dim3A_32 in 1 : vector<512x509xf32>, vector<512x3xf32> -> vector<512x512xf32>
    %slice3A_35 = vector.extract_strided_slice %max3A_30 {offsets = [0, 0], sizes = [512, 509], strides = [1, 1]} : vector<512x512xf32> to vector<512x509xf32>
    %concatenate3A_36 = tpu.concatenate %broadcast_in_dim3A_32, %slice3A_35 in 1 : vector<512x3xf32>, vector<512x509xf32> -> vector<512x512xf32>
    %max3A_37 = arith.maximumf %concatenate3A_34, %concatenate3A_36 : vector<512x512xf32>
    %max3A_38 = arith.maximumf %max3A_37, %max3A_30 : vector<512x512xf32>
    %broadcast_in_dim3A_39 = arith.constant 0.000000e+00 : f32
    %broadcast_in_dim3A_40 = vector.broadcast %broadcast_in_dim3A_39 : f32 to vector<1x512xf32>
    %slice3A_41 = vector.extract_strided_slice %max3A_38 {offsets = [1, 0], sizes = [511, 512], strides = [1, 1]} : vector<512x512xf32> to vector<511x512xf32>
    %concatenate3A_42 = tpu.concatenate %slice3A_41, %broadcast_in_dim3A_40 in 0 : vector<511x512xf32>, vector<1x512xf32> -> vector<512x512xf32>
    %slice3A_43 = vector.extract_strided_slice %max3A_38 {offsets = [0, 0], sizes = [511, 512], strides = [1, 1]} : vector<512x512xf32> to vector<511x512xf32>
    %concatenate3A_44 = tpu.concatenate %broadcast_in_dim3A_40, %slice3A_43 in 0 : vector<1x512xf32>, vector<511x512xf32> -> vector<512x512xf32>
    %max3A_45 = arith.maximumf %concatenate3A_42, %concatenate3A_44 : vector<512x512xf32>
    %max3A_46 = arith.maximumf %max3A_45, %max3A_38 : vector<512x512xf32>
    %broadcast_in_dim3A_47 = arith.constant 0.000000e+00 : f32
    %broadcast_in_dim3A_48 = vector.broadcast %broadcast_in_dim3A_47 : f32 to vector<3x512xf32>
    %slice3A_49 = vector.extract_strided_slice %max3A_46 {offsets = [3, 0], sizes = [509, 512], strides = [1, 1]} : vector<512x512xf32> to vector<509x512xf32>
    %concatenate3A_50 = tpu.concatenate %slice3A_49, %broadcast_in_dim3A_48 in 0 : vector<509x512xf32>, vector<3x512xf32> -> vector<512x512xf32>
    %slice3A_51 = vector.extract_strided_slice %max3A_46 {offsets = [0, 0], sizes = [509, 512], strides = [1, 1]} : vector<512x512xf32> to vector<509x512xf32>
    %concatenate3A_52 = tpu.concatenate %broadcast_in_dim3A_48, %slice3A_51 in 0 : vector<3x512xf32>, vector<509x512xf32> -> vector<512x512xf32>
    %max3A_53 = arith.maximumf %concatenate3A_50, %concatenate3A_52 : vector<512x512xf32>
    %max3A_54 = arith.maximumf %max3A_53, %max3A_46 : vector<512x512xf32>
    %ge3A_55 = arith.cmpf oge, %get3A_26, %max3A_54 : vector<512x512xf32>
    %gt3A = arith.constant 8.000000e-01 : f32
    %gt3A_56 = vector.broadcast %gt3A : f32 to vector<512x512xf32>
    %gt3A_57 = arith.cmpf ogt, %get3A_26, %gt3A_56 : vector<512x512xf32>
    %and3A_58 = arith.andi %ge3A_55, %gt3A_57 : vector<512x512xi1>
    %and3A_59 = arith.andi %and3A_58, %and3A_12 : vector<512x512xi1>
    %jit3A = arith.constant 0.000000e+00 : f32
    %broadcast_in_dim3A_60 = vector.broadcast %jit3A : f32 to vector<512x512xf32>
    %select_n3A = arith.select %and3A_59, %get3A_26, %broadcast_in_dim3A_60 : vector<512x512xi1>, vector<512x512xf32>
    %reshape3A = vector.shape_cast %select_n3A : vector<512x512xf32> to vector<512x8x64xf32>
    %swap3A = arith.constant 0 : index
    %swap3A_61 = arith.constant 0 : index
    %swap3A_62 = arith.constant 0 : index
    %swap3A_63 = vector.load %arg3[%swap3A, %swap3A_61, %swap3A_62] : memref<512x8x64xf32, #tpu.memory_space<vmem>>, vector<512x8x64xf32>
    tpu.vector_store %arg3[%swap3A, %swap3A_61, %swap3A_62], %reshape3A {strides = array<i32>} : memref<512x8x64xf32, #tpu.memory_space<vmem>>, vector<512x8x64xf32>,
    %reshape3A_64 = vector.shape_cast %select_n3A : vector<512x512xf32> to vector<8x64x512xf32>
    %reduce_max3A = arith.constant dense<0xFF800000> : vector<8x64xf32>
    %reduce_max3A_65 = vector.multi_reduction <maximumf>, %reshape3A_64, %reduce_max3A [2] : vector<8x64x512xf32> to vector<8x64xf32>
    %get3A_66 = arith.constant 1 : index
    %get3A_67 = arith.constant 0 : index
    %get3A_68 = arith.constant 0 : index
    %get3A_69 = vector.load %arg0[%get3A_66, %get3A_67, %get3A_68] : memref<2x512x512xf32, #tpu.memory_space<vmem>>, vector<1x512x512xf32>
    %get3A_70 = vector.shape_cast %get3A_69 : vector<1x512x512xf32> to vector<512x512xf32>
    %broadcast_in_dim3A_71 = arith.constant 0.000000e+00 : f32
    %broadcast_in_dim3A_72 = vector.broadcast %broadcast_in_dim3A_71 : f32 to vector<512x1xf32>
    %slice3A_73 = vector.extract_strided_slice %get3A_70 {offsets = [0, 1], sizes = [512, 511], strides = [1, 1]} : vector<512x512xf32> to vector<512x511xf32>
    %concatenate3A_74 = tpu.concatenate %slice3A_73, %broadcast_in_dim3A_72 in 1 : vector<512x511xf32>, vector<512x1xf32> -> vector<512x512xf32>
    %slice3A_75 = vector.extract_strided_slice %get3A_70 {offsets = [0, 0], sizes = [512, 511], strides = [1, 1]} : vector<512x512xf32> to vector<512x511xf32>
    %concatenate3A_76 = tpu.concatenate %broadcast_in_dim3A_72, %slice3A_75 in 1 : vector<512x1xf32>, vector<512x511xf32> -> vector<512x512xf32>
    %max3A_77 = arith.maximumf %concatenate3A_74, %concatenate3A_76 : vector<512x512xf32>
    %max3A_78 = arith.maximumf %max3A_77, %get3A_70 : vector<512x512xf32>
    %broadcast_in_dim3A_79 = arith.constant 0.000000e+00 : f32
    %broadcast_in_dim3A_80 = vector.broadcast %broadcast_in_dim3A_79 : f32 to vector<512x3xf32>
    %slice3A_81 = vector.extract_strided_slice %max3A_78 {offsets = [0, 3], sizes = [512, 509], strides = [1, 1]} : vector<512x512xf32> to vector<512x509xf32>
    %concatenate3A_82 = tpu.concatenate %slice3A_81, %broadcast_in_dim3A_80 in 1 : vector<512x509xf32>, vector<512x3xf32> -> vector<512x512xf32>
    %slice3A_83 = vector.extract_strided_slice %max3A_78 {offsets = [0, 0], sizes = [512, 509], strides = [1, 1]} : vector<512x512xf32> to vector<512x509xf32>
    %concatenate3A_84 = tpu.concatenate %broadcast_in_dim3A_80, %slice3A_83 in 1 : vector<512x3xf32>, vector<512x509xf32> -> vector<512x512xf32>
    %max3A_85 = arith.maximumf %concatenate3A_82, %concatenate3A_84 : vector<512x512xf32>
    %max3A_86 = arith.maximumf %max3A_85, %max3A_78 : vector<512x512xf32>
    %broadcast_in_dim3A_87 = arith.constant 0.000000e+00 : f32
    %broadcast_in_dim3A_88 = vector.broadcast %broadcast_in_dim3A_87 : f32 to vector<1x512xf32>
    %slice3A_89 = vector.extract_strided_slice %max3A_86 {offsets = [1, 0], sizes = [511, 512], strides = [1, 1]} : vector<512x512xf32> to vector<511x512xf32>
    %concatenate3A_90 = tpu.concatenate %slice3A_89, %broadcast_in_dim3A_88 in 0 : vector<511x512xf32>, vector<1x512xf32> -> vector<512x512xf32>
    %slice3A_91 = vector.extract_strided_slice %max3A_86 {offsets = [0, 0], sizes = [511, 512], strides = [1, 1]} : vector<512x512xf32> to vector<511x512xf32>
    %concatenate3A_92 = tpu.concatenate %broadcast_in_dim3A_88, %slice3A_91 in 0 : vector<1x512xf32>, vector<511x512xf32> -> vector<512x512xf32>
    %max3A_93 = arith.maximumf %concatenate3A_90, %concatenate3A_92 : vector<512x512xf32>
    %max3A_94 = arith.maximumf %max3A_93, %max3A_86 : vector<512x512xf32>
    %broadcast_in_dim3A_95 = arith.constant 0.000000e+00 : f32
    %broadcast_in_dim3A_96 = vector.broadcast %broadcast_in_dim3A_95 : f32 to vector<3x512xf32>
    %slice3A_97 = vector.extract_strided_slice %max3A_94 {offsets = [3, 0], sizes = [509, 512], strides = [1, 1]} : vector<512x512xf32> to vector<509x512xf32>
    %concatenate3A_98 = tpu.concatenate %slice3A_97, %broadcast_in_dim3A_96 in 0 : vector<509x512xf32>, vector<3x512xf32> -> vector<512x512xf32>
    %slice3A_99 = vector.extract_strided_slice %max3A_94 {offsets = [0, 0], sizes = [509, 512], strides = [1, 1]} : vector<512x512xf32> to vector<509x512xf32>
    %concatenate3A_100 = tpu.concatenate %broadcast_in_dim3A_96, %slice3A_99 in 0 : vector<3x512xf32>, vector<509x512xf32> -> vector<512x512xf32>
    %max3A_101 = arith.maximumf %concatenate3A_98, %concatenate3A_100 : vector<512x512xf32>
    %max3A_102 = arith.maximumf %max3A_101, %max3A_94 : vector<512x512xf32>
    %ge3A_103 = arith.cmpf oge, %get3A_70, %max3A_102 : vector<512x512xf32>
    %gt3A_104 = arith.constant 8.000000e-01 : f32
    %gt3A_105 = vector.broadcast %gt3A_104 : f32 to vector<512x512xf32>
    %gt3A_106 = arith.cmpf ogt, %get3A_70, %gt3A_105 : vector<512x512xf32>
    %and3A_107 = arith.andi %ge3A_103, %gt3A_106 : vector<512x512xi1>
    %and3A_108 = arith.andi %and3A_107, %and3A_12 : vector<512x512xi1>
    %jit3A_109 = arith.constant 0.000000e+00 : f32
    %broadcast_in_dim3A_110 = vector.broadcast %jit3A_109 : f32 to vector<512x512xf32>
    %select_n3A_111 = arith.select %and3A_108, %get3A_70, %broadcast_in_dim3A_110 : vector<512x512xi1>, vector<512x512xf32>
    %reshape3A_112 = vector.shape_cast %select_n3A_111 : vector<512x512xf32> to vector<512x8x64xf32>
    %swap3A_113 = arith.constant 0 : index
    %swap3A_114 = arith.constant 0 : index
    %swap3A_115 = arith.constant 0 : index
    %swap3A_116 = vector.load %arg4[%swap3A_113, %swap3A_114, %swap3A_115] : memref<512x8x64xf32, #tpu.memory_space<vmem>>, vector<512x8x64xf32>
    tpu.vector_store %arg4[%swap3A_113, %swap3A_114, %swap3A_115], %reshape3A_112 {strides = array<i32>} : memref<512x8x64xf32, #tpu.memory_space<vmem>>, vector<512x8x64xf32>,
    %reshape3A_117 = vector.shape_cast %select_n3A_111 : vector<512x512xf32> to vector<8x64x512xf32>
    %reduce_max3A_118 = arith.constant dense<0xFF800000> : vector<8x64xf32>
    %reduce_max3A_119 = vector.multi_reduction <maximumf>, %reshape3A_117, %reduce_max3A_118 [2] : vector<8x64x512xf32> to vector<8x64xf32>
    %scan3A = arith.constant 1048576 : i32
    %scan3A_120 = arith.constant 0 : i32
    %scan3A_121 = arith.constant 100 : i32
    %scan3A_122 = arith.addi %scan3A_120, %scan3A_121 : i32
    %scan3A_123 = arith.constant 1 : i32
    %scan3A_124:2 = scf.for %scan3A_126 = %scan3A_120 to %scan3A_122 step %scan3A_123 iter_args(%scan3A_127 = %reduce_max3A_65, %scan3A_128 = %reduce_max3A_119) -> (vector<8x64xf32>, vector<8x64xf32>)  : i32 {
      %reduce_max3A_129 = vector.shape_cast %scan3A_127 : vector<8x64xf32> to vector<1x8x64xf32>
      %reduce_max3A_130 = arith.constant dense<0xFF800000> : vector<1xf32>
      %reduce_max3A_131 = vector.multi_reduction <maximumf>, %reduce_max3A_129, %reduce_max3A_130 [1, 2] : vector<1x8x64xf32> to vector<1xf32>
      %reduce_max3A_132 = vector.shape_cast %reduce_max3A_131 : vector<1xf32> to vector<1x1x1xf32>
      %reduce_max3A_133 = vector.extract %reduce_max3A_132[0, 0, 0] : f32 from vector<1x1x1xf32>
      %eq3A = vector.broadcast %reduce_max3A_133 : f32 to vector<8x64xf32>
      %eq3A_134 = arith.cmpf oeq, %scan3A_127, %eq3A : vector<8x64xf32>
      %broadcast_in_dim3A_135 = vector.broadcast %scan3A : i32 to vector<8x64xi32>
      %select_n3A_136 = arith.select %eq3A_134, %add3A, %broadcast_in_dim3A_135 : vector<8x64xi1>, vector<8x64xi32>
      %reduce_min3A = vector.shape_cast %select_n3A_136 : vector<8x64xi32> to vector<1x8x64xi32>
      %reduce_min3A_137 = arith.constant dense<2147483647> : vector<1xi32>
      %reduce_min3A_138 = vector.multi_reduction <minsi>, %reduce_min3A, %reduce_min3A_137 [1, 2] : vector<1x8x64xi32> to vector<1xi32>
      %reduce_min3A_139 = vector.shape_cast %reduce_min3A_138 : vector<1xi32> to vector<1x1x1xi32>
      %reduce_min3A_140 = vector.extract %reduce_min3A_139[0, 0, 0] : i32 from vector<1x1x1xi32>
      %get3A_141 = arith.index_cast %reduce_min3A_140 : i32 to index
      %get3A_142 = arith.constant 0 : index
      %get3A_143 = arith.constant 0 : index
      %get3A_144 = vector.load %arg3[%get3A_141, %get3A_142, %get3A_143] : memref<512x8x64xf32, #tpu.memory_space<vmem>>, vector<1x8x64xf32>
      %get3A_145 = vector.shape_cast %get3A_144 : vector<1x8x64xf32> to vector<8x64xf32>
      %eq3A_146 = vector.broadcast %reduce_max3A_133 : f32 to vector<8x64xf32>
      %eq3A_147 = arith.cmpf oeq, %get3A_145, %eq3A_146 : vector<8x64xf32>
      %broadcast_in_dim3A_148 = vector.broadcast %scan3A : i32 to vector<8x64xi32>
      %select_n3A_149 = arith.select %eq3A_147, %add3A_22, %broadcast_in_dim3A_148 : vector<8x64xi1>, vector<8x64xi32>
      %reduce_min3A_150 = vector.shape_cast %select_n3A_149 : vector<8x64xi32> to vector<1x8x64xi32>
      %reduce_min3A_151 = arith.constant dense<2147483647> : vector<1xi32>
      %reduce_min3A_152 = vector.multi_reduction <minsi>, %reduce_min3A_150, %reduce_min3A_151 [1, 2] : vector<1x8x64xi32> to vector<1xi32>
      %reduce_min3A_153 = vector.shape_cast %reduce_min3A_152 : vector<1xi32> to vector<1x1x1xi32>
      %reduce_min3A_154 = vector.extract %reduce_min3A_153[0, 0, 0] : i32 from vector<1x1x1xi32>
      %swap3A_155 = arith.constant 0 : index
      %swap3A_156 = arith.constant 0 : index
      %swap3A_157 = arith.index_cast %scan3A_126 : i32 to index
      %swap3A_158 = memref.load %arg1[%swap3A_155, %swap3A_156, %swap3A_157] : memref<2x1x100xf32, #tpu.memory_space<smem>>
      memref.store %reduce_max3A_133, %arg1[%swap3A_155, %swap3A_156, %swap3A_157] : memref<2x1x100xf32, #tpu.memory_space<smem>>
      %mul3A_159 = arith.constant 512 : i32
      %mul3A_160 = arith.muli %reduce_min3A_140, %mul3A_159 : i32
      %add3A_161 = arith.addi %mul3A_160, %reduce_min3A_154 : i32
      %swap3A_162 = arith.constant 0 : index
      %swap3A_163 = arith.constant 0 : index
      %swap3A_164 = arith.index_cast %scan3A_126 : i32 to index
      %swap3A_165 = memref.load %arg2[%swap3A_162, %swap3A_163, %swap3A_164] : memref<2x1x100xi32, #tpu.memory_space<smem>>
      memref.store %add3A_161, %arg2[%swap3A_162, %swap3A_163, %swap3A_164] : memref<2x1x100xi32, #tpu.memory_space<smem>>
      %eq3A_166 = vector.broadcast %reduce_min3A_154 : i32 to vector<8x64xi32>
      %eq3A_167 = arith.cmpi eq, %add3A_22, %eq3A_166 : vector<8x64xi32>
      %jit3A_168 = arith.constant -1.000000e+00 : f32
      %broadcast_in_dim3A_169 = vector.broadcast %jit3A_168 : f32 to vector<8x64xf32>
      %select_n3A_170 = arith.select %eq3A_167, %broadcast_in_dim3A_169, %get3A_145 : vector<8x64xi1>, vector<8x64xf32>
      %swap3A_171 = arith.index_cast %reduce_min3A_140 : i32 to index
      %swap3A_172 = arith.constant 0 : index
      %swap3A_173 = arith.constant 0 : index
      %swap3A_174 = vector.load %arg3[%swap3A_171, %swap3A_172, %swap3A_173] : memref<512x8x64xf32, #tpu.memory_space<vmem>>, vector<1x8x64xf32>
      %swap3A_175 = vector.shape_cast %swap3A_174 : vector<1x8x64xf32> to vector<8x64xf32>
      %swap3A_176 = vector.shape_cast %select_n3A_170 : vector<8x64xf32> to vector<1x8x64xf32>
      tpu.vector_store %arg3[%swap3A_171, %swap3A_172, %swap3A_173], %swap3A_176 {strides = array<i32>} : memref<512x8x64xf32, #tpu.memory_space<vmem>>, vector<1x8x64xf32>,
      %eq3A_177 = vector.broadcast %reduce_min3A_140 : i32 to vector<8x64xi32>
      %eq3A_178 = arith.cmpi eq, %add3A, %eq3A_177 : vector<8x64xi32>
      %reduce_max3A_179 = vector.shape_cast %select_n3A_170 : vector<8x64xf32> to vector<1x8x64xf32>
      %reduce_max3A_180 = arith.constant dense<0xFF800000> : vector<1xf32>
      %reduce_max3A_181 = vector.multi_reduction <maximumf>, %reduce_max3A_179, %reduce_max3A_180 [1, 2] : vector<1x8x64xf32> to vector<1xf32>
      %reduce_max3A_182 = vector.shape_cast %reduce_max3A_181 : vector<1xf32> to vector<1x1x1xf32>
      %reduce_max3A_183 = vector.extract %reduce_max3A_182[0, 0, 0] : f32 from vector<1x1x1xf32>
      %broadcast_in_dim3A_184 = vector.broadcast %reduce_max3A_183 : f32 to vector<8x64xf32>
      %select_n3A_185 = arith.select %eq3A_178, %broadcast_in_dim3A_184, %scan3A_127 : vector<8x64xi1>, vector<8x64xf32>
      %reduce_max3A_186 = vector.shape_cast %scan3A_128 : vector<8x64xf32> to vector<1x8x64xf32>
      %reduce_max3A_187 = arith.constant dense<0xFF800000> : vector<1xf32>
      %reduce_max3A_188 = vector.multi_reduction <maximumf>, %reduce_max3A_186, %reduce_max3A_187 [1, 2] : vector<1x8x64xf32> to vector<1xf32>
      %reduce_max3A_189 = vector.shape_cast %reduce_max3A_188 : vector<1xf32> to vector<1x1x1xf32>
      %reduce_max3A_190 = vector.extract %reduce_max3A_189[0, 0, 0] : f32 from vector<1x1x1xf32>
      %eq3A_191 = vector.broadcast %reduce_max3A_190 : f32 to vector<8x64xf32>
      %eq3A_192 = arith.cmpf oeq, %scan3A_128, %eq3A_191 : vector<8x64xf32>
      %broadcast_in_dim3A_193 = vector.broadcast %scan3A : i32 to vector<8x64xi32>
      %select_n3A_194 = arith.select %eq3A_192, %add3A, %broadcast_in_dim3A_193 : vector<8x64xi1>, vector<8x64xi32>
      %reduce_min3A_195 = vector.shape_cast %select_n3A_194 : vector<8x64xi32> to vector<1x8x64xi32>
      %reduce_min3A_196 = arith.constant dense<2147483647> : vector<1xi32>
      %reduce_min3A_197 = vector.multi_reduction <minsi>, %reduce_min3A_195, %reduce_min3A_196 [1, 2] : vector<1x8x64xi32> to vector<1xi32>
      %reduce_min3A_198 = vector.shape_cast %reduce_min3A_197 : vector<1xi32> to vector<1x1x1xi32>
      %reduce_min3A_199 = vector.extract %reduce_min3A_198[0, 0, 0] : i32 from vector<1x1x1xi32>
      %get3A_200 = arith.index_cast %reduce_min3A_199 : i32 to index
      %get3A_201 = arith.constant 0 : index
      %get3A_202 = arith.constant 0 : index
      %get3A_203 = vector.load %arg4[%get3A_200, %get3A_201, %get3A_202] : memref<512x8x64xf32, #tpu.memory_space<vmem>>, vector<1x8x64xf32>
      %get3A_204 = vector.shape_cast %get3A_203 : vector<1x8x64xf32> to vector<8x64xf32>
      %eq3A_205 = vector.broadcast %reduce_max3A_190 : f32 to vector<8x64xf32>
      %eq3A_206 = arith.cmpf oeq, %get3A_204, %eq3A_205 : vector<8x64xf32>
      %broadcast_in_dim3A_207 = vector.broadcast %scan3A : i32 to vector<8x64xi32>
      %select_n3A_208 = arith.select %eq3A_206, %add3A_22, %broadcast_in_dim3A_207 : vector<8x64xi1>, vector<8x64xi32>
      %reduce_min3A_209 = vector.shape_cast %select_n3A_208 : vector<8x64xi32> to vector<1x8x64xi32>
      %reduce_min3A_210 = arith.constant dense<2147483647> : vector<1xi32>
      %reduce_min3A_211 = vector.multi_reduction <minsi>, %reduce_min3A_209, %reduce_min3A_210 [1, 2] : vector<1x8x64xi32> to vector<1xi32>
      %reduce_min3A_212 = vector.shape_cast %reduce_min3A_211 : vector<1xi32> to vector<1x1x1xi32>
      %reduce_min3A_213 = vector.extract %reduce_min3A_212[0, 0, 0] : i32 from vector<1x1x1xi32>
      %swap3A_214 = arith.constant 1 : index
      %swap3A_215 = arith.constant 0 : index
      %swap3A_216 = arith.index_cast %scan3A_126 : i32 to index
      %swap3A_217 = memref.load %arg1[%swap3A_214, %swap3A_215, %swap3A_216] : memref<2x1x100xf32, #tpu.memory_space<smem>>
      memref.store %reduce_max3A_190, %arg1[%swap3A_214, %swap3A_215, %swap3A_216] : memref<2x1x100xf32, #tpu.memory_space<smem>>
      %mul3A_218 = arith.constant 512 : i32
      %mul3A_219 = arith.muli %reduce_min3A_199, %mul3A_218 : i32
      %add3A_220 = arith.addi %mul3A_219, %reduce_min3A_213 : i32
      %swap3A_221 = arith.constant 1 : index
      %swap3A_222 = arith.constant 0 : index
      %swap3A_223 = arith.index_cast %scan3A_126 : i32 to index
      %swap3A_224 = memref.load %arg2[%swap3A_221, %swap3A_222, %swap3A_223] : memref<2x1x100xi32, #tpu.memory_space<smem>>
      memref.store %add3A_220, %arg2[%swap3A_221, %swap3A_222, %swap3A_223] : memref<2x1x100xi32, #tpu.memory_space<smem>>
      %eq3A_225 = vector.broadcast %reduce_min3A_213 : i32 to vector<8x64xi32>
      %eq3A_226 = arith.cmpi eq, %add3A_22, %eq3A_225 : vector<8x64xi32>
      %jit3A_227 = arith.constant -1.000000e+00 : f32
      %broadcast_in_dim3A_228 = vector.broadcast %jit3A_227 : f32 to vector<8x64xf32>
      %select_n3A_229 = arith.select %eq3A_226, %broadcast_in_dim3A_228, %get3A_204 : vector<8x64xi1>, vector<8x64xf32>
      %swap3A_230 = arith.index_cast %reduce_min3A_199 : i32 to index
      %swap3A_231 = arith.constant 0 : index
      %swap3A_232 = arith.constant 0 : index
      %swap3A_233 = vector.load %arg4[%swap3A_230, %swap3A_231, %swap3A_232] : memref<512x8x64xf32, #tpu.memory_space<vmem>>, vector<1x8x64xf32>
      %swap3A_234 = vector.shape_cast %swap3A_233 : vector<1x8x64xf32> to vector<8x64xf32>
      %swap3A_235 = vector.shape_cast %select_n3A_229 : vector<8x64xf32> to vector<1x8x64xf32>
      tpu.vector_store %arg4[%swap3A_230, %swap3A_231, %swap3A_232], %swap3A_235 {strides = array<i32>} : memref<512x8x64xf32, #tpu.memory_space<vmem>>, vector<1x8x64xf32>,
      %eq3A_236 = vector.broadcast %reduce_min3A_199 : i32 to vector<8x64xi32>
      %eq3A_237 = arith.cmpi eq, %add3A, %eq3A_236 : vector<8x64xi32>
      %reduce_max3A_238 = vector.shape_cast %select_n3A_229 : vector<8x64xf32> to vector<1x8x64xf32>
      %reduce_max3A_239 = arith.constant dense<0xFF800000> : vector<1xf32>
      %reduce_max3A_240 = vector.multi_reduction <maximumf>, %reduce_max3A_238, %reduce_max3A_239 [1, 2] : vector<1x8x64xf32> to vector<1xf32>
      %reduce_max3A_241 = vector.shape_cast %reduce_max3A_240 : vector<1xf32> to vector<1x1x1xf32>
      %reduce_max3A_242 = vector.extract %reduce_max3A_241[0, 0, 0] : f32 from vector<1x1x1xf32>
      %broadcast_in_dim3A_243 = vector.broadcast %reduce_max3A_242 : f32 to vector<8x64xf32>
      %select_n3A_244 = arith.select %eq3A_237, %broadcast_in_dim3A_243, %scan3A_128 : vector<8x64xi1>, vector<8x64xf32>
      scf.yield %select_n3A_185, %select_n3A_244 : vector<8x64xf32>, vector<8x64xf32>
    }
    %scan3A_125 = arith.constant 100 : i32
    return
  }
}

</mosaic_0001>

<sc_bundles>
// kernel: kernel.4.cloned.1.call-start
scs
__scs_entry_jumppad:
0x0: {  	(pc) =	sbr.rel $0x88, $3  }
0x1: {  	(tag) =	ssettag $0x0;
	lr =	simm.s32 $0x1  }
0x2: {  	[smem:$0x3F9F] =	sst lr;
	_ =	strace $0xD0000000  }
0x3: {  	_ = 	snop  }
0x4: {  	_ = 	snop  }
0x5: {  	_ = 	snop  }
0x6: {  	_ = 	snop  }
0x7: {  	_ = 	snop  }
__scs_overlays_trampoline_lowered:
0x8: {  	[smem:$0x3FAE] =	sst s0  }
0x9: {  	[smem:$0x3FAF] =	sst s1  }
0xa: {  	[smem:$0x3FB0] =	sst s2  }
0xb: {  	[smem:$0x3FB1] =	sst s3  }
0xc: {  	[smem:$0x3FB2] =	sst s4  }
0xd: {  	[smem:$0x3FB3] =	sst s5  }
0xe: {  	[smem:$0x3FB4] =	sst s6  }
0xf: {  	[smem:$0x3FB5] =	sst s7  }
0x10: {  	[smem:$0x3FB6] =	sst s8  }
0x11: {  	[smem:$0x3FB7] =	sst s9;
	s0 =	simm.s32 @!p0 $0x0  }
0x12: {  	s1 =	sld [smem:$0x3F9D];
	s0 =	simm.s32 @p0 $0x1  }
0x13: {  	[smem:$0x3FB8] =	sst s0;
	s0 =	simm.s32 @!p1 $0x0  }
0x14: {  	s2 =	sld [smem:$0x3F9C];
	s0 =	simm.s32 @p1 $0x1  }
0x15: {  	[smem:$0x3FB9] =	sst s0;
	s0 =	simm.s32 @!p2 $0x0  }
0x16: {  	s3 =	sld [smem:$0x3FDB];
	s0 =	simm.s32 @p2 $0x1  }
0x17: {  	s4 =	simm.s32 $0x1BF5;
	[smem:$0x3FBB] =	sst s0  }
0x18: {  	s0 =	sld [smem:$0x3F9E];
	_ =	swait.ge [sflag:s4], $0x0  }
0x19: {  	s7 =	sld [smem:$0x3F9F]  }
0x1a: {  	s8 =	sadd.s32 $0xFFFFE003, lr  }
0x1b: {  	s9 =	sadd.s32 $0xFFFFFEF7, lr;
	s5 =	simm.s32 $0xFFFFFFFF;
	p2 =	slt.u32 s8, $0xFFFFF086  }
0x1c: {  	p1 =	slt.u32 s9, $0xF7A;
	s5 =	simm.s32 @!p2 $0x0  }
0x1d: {  	s5 =	simm.s32 @p1 $0x1;
	p0 =	seq.s32 s7, s2  }
0x1e: {  	s7 =	smul.u32 @!p0 $0xF7A, s2;
	p2 =	seq.s32 @!p0 s5, $0x0  }
0x1f: {  	s9 =	smul.u32 $0xF7A, s1;
	s8 =	simm.s32 @!p0 $0x1BF5;
	p2 =	por !p2, p0  }
0x20: {  	[sflag:s8] =	ssyncset.s32 @!p0 $0xFFFFF086;
	s6 =	sadd.s32 @!p0 s3, s7;
	s7 =	simm.s32 @!p0 $0x108  }
0x21: {  	s3 =	sadd.s32 s3, s9;
	s6 =	sadd.s32 @!p0 $0x88, s6;
	s7 =	simm.s32 @p2 $0x1082  }
0x22: {  	[simem:s7], [sflag:s8] =	dma.local @!p0 [hbm:s6], $0xF7A  }
0x23: {  	s9 =	sor.u32 $0xD0000000, s2;
	s6 =	simm.s32 $0x108;
	_ =	swait.ge @!p0 [sflag:s8], $0x0  }
0x24: {  	s3 =	sadd.s32 $0x88, s3;
	s6 =	simm.s32 @!p1 $0x1082;
	[sflag:s4] =	ssyncset.s32 $0xFFFFF086  }
0x25: {  	[simem:s6], [sflag:s4] =	dma.local [hbm:s3], $0xF7A  }
0x26: {  	[smem:$0x3F9F] =	sst s1;
	(tag) =	ssettag s2;
	_ =	strace s9  }
0x27: {  	s1 =	sld [smem:$0x3FAF]  }
0x28: {  	s2 =	sld [smem:$0x3FB0]  }
0x29: {  	s4 =	sld [smem:$0x3FB2]  }
0x2a: {  	p0 =	seq.s32 s5, $0x0;
	s5 =	sld [smem:$0x3FB3]  }
0x2b: {  	s6 =	sld [smem:$0x3FB4]  }
0x2c: {  	s7 =	sld [smem:$0x3FB5]  }
0x2d: {  	s3 =	simm.s32 $0x108;
	s8 =	sld [smem:$0x3FB6]  }
0x2e: {  	s3 =	simm.s32 @!p0 $0x1082;
	s9 =	sld [smem:$0x3FB7]  }
0x2f: {  	lr =	sadd.s32 s0, s3;
	s0 =	sld [smem:$0x3FAE]  }
0x30: {  	s3 =	sld [smem:$0x3FB1]  }
0x31: {  	[smem:$0x3FBA] =	sst s10  }
0x32: {  	s10 =	sld [smem:$0x3FB8];
	_ =	sdelay $0x3  }
0x33: {  	p0 =	seq.s32 s10, $0x1;
	s10 =	sld [smem:$0x3FBA];
	_ =	sdelay $0x3  }
0x34: {  	[smem:$0x3FBA] =	sst s10  }
0x35: {  	s10 =	sld [smem:$0x3FB9];
	_ =	sdelay $0x3  }
0x36: {  	p1 =	seq.s32 s10, $0x1;
	s10 =	sld [smem:$0x3FBA];
	_ =	sdelay $0x3  }
0x37: {  	[smem:$0x3FBA] =	sst s10  }
0x38: {  	s10 =	sld [smem:$0x3FBB]  }
0x39: {  	_ = 	snop;
	(pc) =	sbr.ind lr, $3  }
0x3a: {  	_ = 	snop  }
0x3b: {  	_ = 	snop  }
0x3c: {  	p2 =	seq.s32 s10, $0x1;
	s10 =	sld [smem:$0x3FBA]  }
0x3d: {  	_ =	shalt  }
0x3e: {  	_ =	shalt  }
0x3f: {  	_ =	shalt  }
0x40: {  	_ =	shalt  }
0x41: {  	_ =	shalt  }
0x42: {  	_ =	shalt  }
0x43: {  	_ =	shalt  }
0x44: {  	_ =	shalt  }
0x45: {  	_ =	shalt  }
0x46: {  	_ =	shalt  }
0x47: {  	_ =	shalt  }
0x48: {  	_ =	shalt  }
0x49: {  	_ =	shalt  }
0x4a: {  	_ =	shalt  }
0x4b: {  	_ =	shalt  }
0x4c: {  	_ =	shalt  }
0x4d: {  	_ =	shalt  }
0x4e: {  	_ =	shalt  }
0x4f: {  	_ =	shalt  }
0x50: {  	_ =	shalt  }
0x51: {  	_ =	shalt  }
0x52: {  	_ =	shalt  }
0x53: {  	_ =	shalt  }
0x54: {  	_ =	shalt  }
0x55: {  	_ =	shalt  }
0x56: {  	_ =	shalt  }
0x57: {  	_ =	shalt  }
0x58: {  	_ =	shalt  }
0x59: {  	_ =	shalt  }
0x5a: {  	_ =	shalt  }
0x5b: {  	_ =	shalt  }
0x5c: {  	_ =	shalt  }
0x5d: {  	_ =	shalt  }
0x5e: {  	_ =	shalt  }
0x5f: {  	_ =	shalt  }
0x60: {  	_ =	shalt  }
0x61: {  	_ =	shalt  }
0x62: {  	_ =	shalt  }
0x63: {  	_ =	shalt  }
0x64: {  	_ =	shalt  }
0x65: {  	_ =	shalt  }
0x66: {  	_ =	shalt  }
0x67: {  	_ =	shalt  }
0x68: {  	_ =	shalt  }
0x69: {  	_ =	shalt  }
0x6a: {  	_ =	shalt  }
0x6b: {  	_ =	shalt  }
0x6c: {  	_ =	shalt  }
0x6d: {  	_ =	shalt  }
0x6e: {  	_ =	shalt  }
0x6f: {  	_ =	shalt  }
0x70: {  	_ =	shalt  }
0x71: {  	_ =	shalt  }
0x72: {  	_ =	shalt  }
0x73: {  	_ =	shalt  }
0x74: {  	_ =	shalt  }
0x75: {  	_ =	shalt  }
0x76: {  	_ =	shalt  }
0x77: {  	_ =	shalt  }
0x78: {  	_ =	shalt  }
0x79: {  	_ =	shalt  }
0x7a: {  	_ =	shalt  }
0x7b: {  	_ =	shalt  }
0x7c: {  	_ =	shalt  }
0x7d: {  	_ =	shalt  }
0x7e: {  	_ =	shalt  }
0x7f: {  	_ =	shalt  }
0x80: {  	_ =	shalt  }
0x81: {  	_ =	shalt  }
0x82: {  	_ =	shalt  }
0x83: {  	_ =	shalt  }
0x84: {  	_ =	shalt  }
0x85: {  	_ =	shalt  }
0x86: {  	_ =	shalt  }
0x87: {  	_ =	shalt  }
.Lfunc_end0:
.L_simem_size_0:
called_computation_lowered:
.L_overlay_start_0:
0x88: {  	s2 =	sld [smem:$0x3FD9]  }
0x89: {  	s3 =	sld [smem:$0x3FFE];
	_ =	sdelay $0x1  }
0x8a: {  	s1 =	srdreg.scid  }
0x8b: {  	s0 =	sand.u32 $0x1, s1  }
0x8c: {  	s17 =	sshll.u32 s0, $0xA;
	s2 =	sadd.s32 s3, s2  }
0x8d: {  	s2 =	sadd.s32 s2, s17  }
0x8e: {  	[smem:$0x3FC6] =	sst s2  }
0x8f: {  	_ = 	snop  }
0x90: {  	s2 =	sld [smem:$0x3FC8];
	(tm) =	ssettm $0x1  }
0x91: {  	s18 =	sld [smem:$0x3FFB];
	_ =	sdelay $0x3  }
0x92: {  	_ =	strace s18  }
0x93: {  	s3 =	sld [smem:$0x3FFC];
	_ =	sdelay $0x3  }
0x94: {  	_ =	strace s3  }
0x95: {  	s3 =	sld [smem:$0x3FFD];
	_ =	sdelay $0x3  }
0x96: {  	_ =	strace s3  }
0x97: {  	_ =	strace $0x8FFFFFFF  }
0x98: {  	s19 =	sld [smem:$0x3FDB];
	_ =	sdelay $0x1  }
0x99: {  	s4 =	simm.s32 $_scs_section_size  }
0x9a: {  	s5 =	simm.s32 $_size__tile_overlayer_lowered;
	s6 =	simm.s32 $_tile_overlayer_lowered  }
0x9b: {  	s22 =	simm.s32 $0x1BFF;
	s21 =	sshll.u32 s6, $0x1;
	s3 =	sadd.s32 s4, s19  }
0x9c: {  	s7 =	simm.s32 $0x0;
	s20 =	sshll.u32 s5, $0x1;
	s5 =	sadd.s32 s21, s3  }
0x9d: {  	[timem:s7], [sflag:s22] =	dma.local [hbm:s5], s20  }
0x9e: {  	_ =	swait.ge [sflag:s22], s20  }
0x9f: {  	s4 =	ssub.s32 $0x0, s20;
	[sflag:s22] =	ssyncset.done $0x0  }
0xa0: {  	[sflag:s22] =	ssyncadd.s32 s4;
	_ =	sdelay $0x1  }
0xa1: {  	s23 =	simm.s32 $0x1B8B  }
0xa2: {  	_ =	swait.ge [sflag:s23], $0x1  }
0xa3: {  	[sflag:s23] =	ssyncset.done $0x0  }
0xa4: {  	s25 =	simm.s32 $0x1B8E;
	s24 =	sld [smem:$0x3FFE];
	[sflag:s23] =	ssyncadd.s32 $0xFFFFFFFF  }
0xa5: {  	s26 =	simm.s32 $execute0_lowered;
	[smem:$0x3FD2] =	sst s25  }
0xa6: {  	s5 =	sshll.u32 s26, $0x1;
	_ =	strace $0x80000046;
	[dreg:$0x1] =	wrdreg $0xFFFFFFFF  }
0xa7: {  	s28 =	simm.s32 $_size_execute0_lowered;
	s3 =	sadd.s32 s3, s5;
	[dreg:$0x0] =	wrdreg $0x0  }
0xa8: {  	s5 =	sshll.u32 s28, $0x1;
	[dreg:$0x2] =	wrdreg s3  }
0xa9: {  	[dreg:$0x3] =	wrdreg s5  }
0xaa: {  	[dreg:$0x4] =	wrdreg $0xC0  }
0xab: {  	_ =	task [dreg:s7], $0x5FFFF  }
0xac: {  	[dreg:$0x1] =	wrdreg $0xFFFFFFFF  }
0xad: {  	[dreg:$0x0] =	wrdreg $0x60  }
0xae: {  	[dreg:$0x2] =	wrdreg s2  }
0xaf: {  	[dreg:$0x3] =	wrdreg s24  }
0xb0: {  	[dreg:$0x4] =	wrdreg $0x9  }
0xb1: {  	_ =	task.clear_ibuf [dreg:s7], $0x5FFFF;
	_ =	strace $0x90000046  }
0xb2: {  	s29 =	simm.s32 $0x9;
	_ =	strace $0x80000048  }
0xb3: {  	_ =	swait.ge [sflag:s29], $0x1  }
0xb4: {  	[sflag:s29] =	ssyncadd.s32 $0xFFFFFFFF  }
0xb5: {  	_ =	strace $0x90000048  }
0xb6: {  	_ =	sfence  }
0xb7: {  	s30 =	sld [smem:$0x0];
	_ =	sdelay $0x2  }
0xb8: {  	s31 =	sshll.u32 s1, $0xD;
	s1 =	sshrl.u32 s1, $0x2  }
0xb9: {  	s3 =	sand.u32 $0x4000, s31;
	s1 =	sadd.s32 s1, s30  }
0xba: {  	s0 =	sor.u32 s3, s0;
	s1 =	sshll.u32 s1, $0x11  }
0xbb: {  	s0 =	sor.u32 s1, s0  }
0xbc: {  	s0 =	sadd.s32 $0x8F2B, s0  }
0xbd: {  	[sflag:s0] =	ssyncadd.remote.s32 $0x1  }
0xbe: {  	_ =	sfence.sel $0xFFFF  }
0xbf: {  	[dreg:$0x0] =	wrdreg $0xFFFFFFFF;
	(pc) =	sbr.abs _section_cstart, $3  }
0xc0: {  	[dreg:$0x1] =	wrdreg $0xFFFFFFFF  }
0xc1: {  	_ =	task.clear_ibuf [dreg:s7], $0x2FFFF;
	_ =	strace $0x9FFFFFFF  }
0xc2: {  	(tm) =	ssettm $0x7FFFFFFF  }
0xc3: {  	_ =	shalt  }
tec
execute0_lowered:
.L_overlay_start_1:
0x0: {  	(tag) =	ssettag $0x1  }
0x1: {  	s0 =	srdreg.scid;
	s3 =	stileid.u32  }
0x2: {  	s0 =	sand.u32 $0x1, s0;
	s4 =	sshll.u32 s3, $0x1  }
0x3: {  	s4 =	sor.u32 s0, s4  }
0x4: {  	p0 =	sgt.u32 s4, $0x18  }
.Ltmp0:
0x5: {  	_ = 	snop;
	(pc) =	sbr.rel @p0 .LBB2_3-.Ltmp0, $4  }
0x6: {  	_ = 	snop  }
0x7: {  	s2 =	rddreg [dreg:$0x0];
	s3 =	simm.s32 $0x0  }
0x8: {  	[smem:$0x7FF] =	sst s3  }
0x9: {  	s1 =	rddreg [dreg:$0x1];
	_ =	strace $0x80000047  }
0xa: {  	v2 =	vlaneseq.u32;
	vm0 =	vmmov $0xffff  }
0xb: {  	v3 =	vimm.s32 $0x1380;
	vm15 =	vcmask $0x300;
	v4 =	vimm.s32 $0x3380  }
0xc: {  	vm14 =	vcmask $0x704;
	vm13 =	vcmask $0xB08;
	vm12 =	vcmask $0xF0C  }
0xd: {  	vm11 =	vcmask $0x1310;
	vm10 =	vcmask $0x1714;
	vm9 =	vcmask $0x1B18  }
0xe: {  	vm8 =	vcmask $0x1F1C;
	vm7 =	vcmask $0x2320;
	vm6 =	vcmask $0x2724  }
0xf: {  	vm5 =	vcmask $0x2B28;
	vm4 =	vcmask $0x2F2C;
	vm3 =	vcmask $0x3330  }
0x10: {  	vm2 =	vcmask $0x3734;
	vm1 =	vcmask $0x3B38;
	v5 =	vimm.s32 $0x5380  }
0x11: {  	v6 =	vimm.s32 $0x7380;
	v7 =	vimm.s32 $0x9380;
	v8 =	vimm.s32 $0xB380  }
0x12: {  	v9 =	vimm.s32 $0xD380;
	v10 =	vimm.s32 $0xF380;
	v1 =	vshrl.u32 v2, $0x3  }
0x13: {  	v0 =	vand.u32 $0x7, v2;
	v3 =	vsel vm15, $0x0, v3;
	v4 =	vsel vm15, $0x2000, v4  }
0x14: {  	v2 =	vor.u32 $0x8, v2;
	v5 =	vsel vm15, $0x4000, v5;
	v6 =	vsel vm15, $0x6000, v6  }
0x15: {  	v7 =	vsel vm15, $0x8000, v7;
	v8 =	vsel vm15, $0xA000, v8;
	v9 =	vsel vm15, $0xC000, v9  }
0x16: {  	v10 =	vsel vm15, $0xE000, v10;
	v1 =	vmul.u32 $0x8, v1;
	v3 =	vsel vm14, $0x80, v3  }
0x17: {  	v4 =	vsel vm14, $0x2080, v4;
	v5 =	vsel vm14, $0x4080, v5;
	v6 =	vsel vm14, $0x6080, v6  }
0x18: {  	v7 =	vsel vm14, $0x8080, v7;
	v8 =	vsel vm14, $0xA080, v8;
	v9 =	vsel vm14, $0xC080, v9  }
0x19: {  	v10 =	vsel vm14, $0xE080, v10;
	v3 =	vsel vm13, $0x100, v3;
	v4 =	vsel vm13, $0x2100, v4  }
0x1a: {  	v5 =	vsel vm13, $0x4100, v5;
	v6 =	vsel vm13, $0x6100, v6;
	v7 =	vsel vm13, $0x8100, v7  }
0x1b: {  	v8 =	vsel vm13, $0xA100, v8;
	v9 =	vsel vm13, $0xC100, v9;
	v10 =	vsel vm13, $0xE100, v10  }
0x1c: {  	v3 =	vsel vm12, $0x180, v3;
	v4 =	vsel vm12, $0x2180, v4;
	v5 =	vsel vm12, $0x4180, v5  }
0x1d: {  	v6 =	vsel vm12, $0x6180, v6;
	v7 =	vsel vm12, $0x8180, v7;
	v8 =	vsel vm12, $0xA180, v8  }
0x1e: {  	v9 =	vsel vm12, $0xC180, v9;
	v10 =	vsel vm12, $0xE180, v10;
	v3 =	vsel vm11, $0x200, v3  }
0x1f: {  	v4 =	vsel vm11, $0x2200, v4;
	v5 =	vsel vm11, $0x4200, v5;
	v6 =	vsel vm11, $0x6200, v6  }
0x20: {  	v7 =	vsel vm11, $0x8200, v7;
	v8 =	vsel vm11, $0xA200, v8;
	v9 =	vsel vm11, $0xC200, v9  }
0x21: {  	v10 =	vsel vm11, $0xE200, v10;
	v3 =	vsel vm10, $0x280, v3;
	v4 =	vsel vm10, $0x2280, v4  }
0x22: {  	v5 =	vsel vm10, $0x4280, v5;
	v6 =	vsel vm10, $0x6280, v6;
	v7 =	vsel vm10, $0x8280, v7  }
0x23: {  	v8 =	vsel vm10, $0xA280, v8;
	v9 =	vsel vm10, $0xC280, v9;
	v10 =	vsel vm10, $0xE280, v10  }
0x24: {  	v3 =	vsel vm9, $0x300, v3;
	v4 =	vsel vm9, $0x2300, v4;
	v5 =	vsel vm9, $0x4300, v5  }
0x25: {  	v6 =	vsel vm9, $0x6300, v6;
	v7 =	vsel vm9, $0x8300, v7;
	v8 =	vsel vm9, $0xA300, v8  }
0x26: {  	v9 =	vsel vm9, $0xC300, v9;
	v10 =	vsel vm9, $0xE300, v10;
	v3 =	vsel vm8, $0x380, v3  }
0x27: {  	v4 =	vsel vm8, $0x2380, v4;
	v5 =	vsel vm8, $0x4380, v5;
	v6 =	vsel vm8, $0x6380, v6  }
0x28: {  	v7 =	vsel vm8, $0x8380, v7;
	v8 =	vsel vm8, $0xA380, v8;
	v9 =	vsel vm8, $0xC380, v9  }
0x29: {  	v10 =	vsel vm8, $0xE380, v10;
	v3 =	vsel vm7, $0x1000, v3;
	v4 =	vsel vm7, $0x3000, v4  }
0x2a: {  	v5 =	vsel vm7, $0x5000, v5;
	v6 =	vsel vm7, $0x7000, v6;
	v7 =	vsel vm7, $0x9000, v7  }
0x2b: {  	v8 =	vsel vm7, $0xB000, v8;
	v9 =	vsel vm7, $0xD000, v9;
	v10 =	vsel vm7, $0xF000, v10  }
0x2c: {  	v3 =	vsel vm6, $0x1080, v3;
	v4 =	vsel vm6, $0x3080, v4;
	v5 =	vsel vm6, $0x5080, v5  }
0x2d: {  	v6 =	vsel vm6, $0x7080, v6;
	v7 =	vsel vm6, $0x9080, v7;
	v8 =	vsel vm6, $0xB080, v8  }
0x2e: {  	v9 =	vsel vm6, $0xD080, v9;
	v10 =	vsel vm6, $0xF080, v10;
	v3 =	vsel vm5, $0x1100, v3  }
0x2f: {  	v4 =	vsel vm5, $0x3100, v4;
	v5 =	vsel vm5, $0x5100, v5;
	v6 =	vsel vm5, $0x7100, v6  }
0x30: {  	v7 =	vsel vm5, $0x9100, v7;
	v8 =	vsel vm5, $0xB100, v8;
	v9 =	vsel vm5, $0xD100, v9  }
0x31: {  	v10 =	vsel vm5, $0xF100, v10;
	v3 =	vsel vm4, $0x1180, v3;
	v4 =	vsel vm4, $0x3180, v4  }
0x32: {  	v5 =	vsel vm4, $0x5180, v5;
	v6 =	vsel vm4, $0x7180, v6;
	v7 =	vsel vm4, $0x9180, v7  }
0x33: {  	v8 =	vsel vm4, $0xB180, v8;
	v9 =	vsel vm4, $0xD180, v9;
	v10 =	vsel vm4, $0xF180, v10  }
0x34: {  	v3 =	vsel vm3, $0x1200, v3;
	v4 =	vsel vm3, $0x3200, v4;
	v5 =	vsel vm3, $0x5200, v5  }
0x35: {  	s4 =	sshll.u32 s4, $0x7;
	s28 =	sadd.s32 $0xA00, s1;
	v6 =	vsel vm3, $0x7200, v6;
	v7 =	vsel vm3, $0x9200, v7;
	v8 =	vsel vm3, $0xB200, v8  }
0x36: {  	s0 =	ssub.s32 $0x2, s0;
	s30 =	simm.s32 $0x400;
	s7 =	simm.s32 $0x800;
	v9 =	vsel vm3, $0xD200, v9;
	v10 =	vsel vm3, $0xF200, v10;
	v3 =	vsel vm2, $0x1280, v3  }
0x37: {  	s31 =	simm.s32 $0x10800;
	s14 =	simm.s32 $0x1;
	[dreg:$0x6] =	wrdreg s30;
	v4 =	vsel vm2, $0x3280, v4;
	v5 =	vsel vm2, $0x5280, v5;
	v6 =	vsel vm2, $0x7280, v6  }
0x38: {  	s5 =	sadd.s32 s4, s1;
	s1 =	sadd.s32 s28, s4;
	[dreg:$0x7] =	wrdreg s31;
	v7 =	vsel vm2, $0x9280, v7;
	v8 =	vsel vm2, $0xB280, v8;
	v9 =	vsel vm2, $0xD280, v9  }
0x39: {  	s29 =	sshrl.u32 s0, $0x1;
	s6 =	sadd.s32 $0x1A00, s5;
	[dreg:$0x5] =	wrdreg s1;
	v10 =	vsel vm2, $0xF280, v10;
	v3 =	vsel vm1, $0x1300, v3;
	v4 =	vsel vm1, $0x3300, v4  }
0x3a: {  	s5 =	sadd.s32 $0x2A00, s5;
	s0 =	ssub.s32 s0, s29;
	[dreg:$0x3] =	wrdreg s6;
	v5 =	vsel vm1, $0x5300, v5;
	v6 =	vsel vm1, $0x7300, v6;
	v7 =	vsel vm1, $0x9300, v7  }
0x3b: {  	s4 =	sadd.s32 $0x100, s2;
	[dreg:$0x4] =	wrdreg s5;
	s1 =	smax.u32 s0, $0x1;
	v8 =	vsel vm1, $0xB300, v8;
	v9 =	vsel vm1, $0xD300, v9;
	v10 =	vsel vm1, $0xF300, v10  }
.LBB2_2:
0x3c: {  	[dreg:$0x8] =	wrdreg s1  }
0x3d: {  	s15 =	rddreg [dreg:$0x5];
	s0 =	simm.s32 $0x2  }
0x3e: {  	[tilespmem:s3], [sflag:$0x2] =	stream.linear.gather [hbm4b:s15+s3], $0x400, $0x38;
	[tilespmem:$0x10C80] =	vst v63  }
0x3f: {  	_ =	swait.ge [sflag:s0], $0x400  }
0x40: {  	s17 =	rddreg [dreg:$0x3];
	[sflag:s0] =	ssyncset.done $0x0  }
0x41: {  	s16 =	rddreg [dreg:$0x6];
	[sflag:s0] =	ssyncadd.s32 $0xFFFFFC00  }
0x42: {  	[tilespmem:s16], [sflag:$0x2] =	stream.linear.gather [hbm4b:s17+s3], $0x400, $0x38;
	[tilespmem:$0x10C80] =	vst v63  }
0x43: {  	_ =	swait.ge [sflag:s0], $0x400  }
0x44: {  	[sflag:s0] =	ssyncset.done $0x0  }
0x45: {  	[sflag:s0] =	ssyncadd.s32 $0xFFFFFC00  }
0x46: {  	v11 =	vld [tilespmem:$0x0];
	_ =	sdelay $0x4  }
0x47: {  	v12 =	vshll.u32 v11, $0x2  }
0x48: {  	v11 =	vand.u32 $0x7, v11;
	v12 =	vand.u32 $0xFFFFFFE0, v12  }
0x49: {  	v11 =	vor.u32 v11, v12  }
0x4a: {  	v12 =	vperm.xlane v11, v0;
	_ =	sdelay $0x1  }
0x4b: {  	v12 =	vadd.s32 v1, v12;
	_ =	sdelay $0x1  }
0x4c: {  	v11 =	vperm.xlane v11, v2;
	_ =	sdelay $0x1  }
0x4d: {  	v11 =	vadd.s32 v1, v11  }
0x4e: {  	[tilespmem:s7], [sflag:$0x1] =	stream.indirect_vreg.gather [hbm4b:s2+s3], $0x80, v12, vm0, $0xb8;
	[tilespmem:$0x10C80] =	vst v63  }
0x4f: {  	s18 =	simm.s32 $0x1000  }
0x50: {  	[tilespmem:s18], [sflag:$0x1] =	stream.indirect_vreg.gather [hbm4b:s4+s3], $0x80, v12, vm0, $0xb8;
	[tilespmem:$0x10C80] =	vst v63  }
0x51: {  	s19 =	simm.s32 $0x1800  }
0x52: {  	[tilespmem:s19], [sflag:$0x1] =	stream.indirect_vreg.gather [hbm4b:s2+s3], $0x80, v11, vm0, $0xb8;
	[tilespmem:$0x10C80] =	vst v63  }
0x53: {  	s20 =	simm.s32 $0x2000  }
0x54: {  	[tilespmem:s20], [sflag:$0x1] =	stream.indirect_vreg.gather [hbm4b:s4+s3], $0x80, v11, vm0, $0xb8;
	[tilespmem:$0x10C80] =	vst v63  }
0x55: {  	v11 =	vld [tilespmem:$0x10];
	_ =	sdelay $0x4  }
0x56: {  	v49 =	vshll.u32 v11, $0x2  }
0x57: {  	v11 =	vand.u32 $0x7, v11;
	v12 =	vand.u32 $0xFFFFFFE0, v49  }
0x58: {  	v11 =	vor.u32 v11, v12  }
0x59: {  	v12 =	vperm.xlane v11, v0;
	_ =	sdelay $0x1  }
0x5a: {  	v12 =	vadd.s32 v1, v12;
	_ =	sdelay $0x1  }
0x5b: {  	v11 =	vperm.xlane v11, v2;
	_ =	sdelay $0x1  }
0x5c: {  	s21 =	simm.s32 $0x2800;
	v11 =	vadd.s32 v1, v11  }
0x5d: {  	[tilespmem:s21], [sflag:$0x1] =	stream.indirect_vreg.gather [hbm4b:s2+s3], $0x80, v12, vm0, $0xb8;
	[tilespmem:$0x10C80] =	vst v63  }
0x5e: {  	s22 =	simm.s32 $0x3000  }
0x5f: {  	[tilespmem:s22], [sflag:$0x1] =	stream.indirect_vreg.gather [hbm4b:s4+s3], $0x80, v12, vm0, $0xb8;
	[tilespmem:$0x10C80] =	vst v63  }
0x60: {  	s23 =	simm.s32 $0x3800  }
0x61: {  	[tilespmem:s23], [sflag:$0x1] =	stream.indirect_vreg.gather [hbm4b:s2+s3], $0x80, v11, vm0, $0xb8;
	[tilespmem:$0x10C80] =	vst v63  }
0x62: {  	s24 =	simm.s32 $0x4000  }
0x63: {  	[tilespmem:s24], [sflag:$0x1] =	stream.indirect_vreg.gather [hbm4b:s4+s3], $0x80, v11, vm0, $0xb8;
	[tilespmem:$0x10C80] =	vst v63  }
0x64: {  	v11 =	vld [tilespmem:$0x20];
	_ =	sdelay $0x4  }
0x65: {  	v50 =	vshll.u32 v11, $0x2  }
0x66: {  	v11 =	vand.u32 $0x7, v11;
	v12 =	vand.u32 $0xFFFFFFE0, v50  }
0x67: {  	v11 =	vor.u32 v11, v12  }
0x68: {  	v12 =	vperm.xlane v11, v0;
	_ =	sdelay $0x1  }
0x69: {  	v12 =	vadd.s32 v1, v12;
	_ =	sdelay $0x1  }
0x6a: {  	v11 =	vperm.xlane v11, v2;
	_ =	sdelay $0x1  }
0x6b: {  	s25 =	simm.s32 $0x4800;
	v11 =	vadd.s32 v1, v11  }
0x6c: {  	[tilespmem:s25], [sflag:$0x1] =	stream.indirect_vreg.gather [hbm4b:s2+s3], $0x80, v12, vm0, $0xb8;
	[tilespmem:$0x10C80] =	vst v63  }
0x6d: {  	s26 =	simm.s32 $0x5000  }
0x6e: {  	[tilespmem:s26], [sflag:$0x1] =	stream.indirect_vreg.gather [hbm4b:s4+s3], $0x80, v12, vm0, $0xb8;
	[tilespmem:$0x10C80] =	vst v63  }
0x6f: {  	s28 =	simm.s32 $0x5800  }
0x70: {  	[tilespmem:s28], [sflag:$0x1] =	stream.indirect_vreg.gather [hbm4b:s2+s3], $0x80, v11, vm0, $0xb8;
	[tilespmem:$0x10C80] =	vst v63  }
0x71: {  	s29 =	simm.s32 $0x6000  }
0x72: {  	[tilespmem:s29], [sflag:$0x1] =	stream.indirect_vreg.gather [hbm4b:s4+s3], $0x80, v11, vm0, $0xb8;
	[tilespmem:$0x10C80] =	vst v63  }
0x73: {  	v11 =	vld [tilespmem:$0x30];
	_ =	sdelay $0x4  }
0x74: {  	v51 =	vshll.u32 v11, $0x2  }
0x75: {  	v11 =	vand.u32 $0x7, v11;
	v12 =	vand.u32 $0xFFFFFFE0, v51  }
0x76: {  	v11 =	vor.u32 v11, v12  }
0x77: {  	v12 =	vperm.xlane v11, v0;
	_ =	sdelay $0x1  }
0x78: {  	v12 =	vadd.s32 v1, v12;
	_ =	sdelay $0x1  }
0x79: {  	v11 =	vperm.xlane v11, v2;
	_ =	sdelay $0x1  }
0x7a: {  	s30 =	simm.s32 $0x6800;
	v11 =	vadd.s32 v1, v11  }
0x7b: {  	[tilespmem:s30], [sflag:$0x1] =	stream.indirect_vreg.gather [hbm4b:s2+s3], $0x80, v12, vm0, $0xb8;
	[tilespmem:$0x10C80] =	vst v63  }
0x7c: {  	s31 =	simm.s32 $0x7000  }
0x7d: {  	[tilespmem:s31], [sflag:$0x1] =	stream.indirect_vreg.gather [hbm4b:s4+s3], $0x80, v12, vm0, $0xb8;
	[tilespmem:$0x10C80] =	vst v63  }
0x7e: {  	s1 =	simm.s32 $0x7800  }
0x7f: {  	[tilespmem:s1], [sflag:$0x1] =	stream.indirect_vreg.gather [hbm4b:s2+s3], $0x80, v11, vm0, $0xb8;
	[tilespmem:$0x10C80] =	vst v63  }
0x80: {  	s5 =	simm.s32 $0x8000  }
0x81: {  	[tilespmem:s5], [sflag:$0x1] =	stream.indirect_vreg.gather [hbm4b:s4+s3], $0x80, v11, vm0, $0xb8;
	[tilespmem:$0x10C80] =	vst v63  }
0x82: {  	v11 =	vld [tilespmem:$0x40];
	_ =	sdelay $0x4  }
0x83: {  	v52 =	vshll.u32 v11, $0x2  }
0x84: {  	v11 =	vand.u32 $0x7, v11;
	v12 =	vand.u32 $0xFFFFFFE0, v52  }
0x85: {  	v11 =	vor.u32 v11, v12  }
0x86: {  	v12 =	vperm.xlane v11, v0;
	_ =	sdelay $0x1  }
0x87: {  	v12 =	vadd.s32 v1, v12;
	_ =	sdelay $0x1  }
0x88: {  	v11 =	vperm.xlane v11, v2;
	_ =	sdelay $0x1  }
0x89: {  	s6 =	simm.s32 $0x8800;
	v11 =	vadd.s32 v1, v11  }
0x8a: {  	[tilespmem:s6], [sflag:$0x1] =	stream.indirect_vreg.gather [hbm4b:s2+s3], $0x80, v12, vm0, $0xb8;
	[tilespmem:$0x10C80] =	vst v63  }
0x8b: {  	s8 =	simm.s32 $0x9000  }
0x8c: {  	[tilespmem:s8], [sflag:$0x1] =	stream.indirect_vreg.gather [hbm4b:s4+s3], $0x80, v12, vm0, $0xb8;
	[tilespmem:$0x10C80] =	vst v63  }
0x8d: {  	s9 =	simm.s32 $0x9800  }
0x8e: {  	[tilespmem:s9], [sflag:$0x1] =	stream.indirect_vreg.gather [hbm4b:s2+s3], $0x80, v11, vm0, $0xb8;
	[tilespmem:$0x10C80] =	vst v63  }
0x8f: {  	s10 =	simm.s32 $0xA000  }
0x90: {  	[tilespmem:s10], [sflag:$0x1] =	stream.indirect_vreg.gather [hbm4b:s4+s3], $0x80, v11, vm0, $0xb8;
	[tilespmem:$0x10C80] =	vst v63  }
0x91: {  	v11 =	vld [tilespmem:$0x50];
	_ =	sdelay $0x4  }
0x92: {  	v53 =	vshll.u32 v11, $0x2  }
0x93: {  	v11 =	vand.u32 $0x7, v11;
	v12 =	vand.u32 $0xFFFFFFE0, v53  }
0x94: {  	v11 =	vor.u32 v11, v12  }
0x95: {  	v12 =	vperm.xlane v11, v0;
	_ =	sdelay $0x1  }
0x96: {  	v12 =	vadd.s32 v1, v12;
	_ =	sdelay $0x1  }
0x97: {  	v11 =	vperm.xlane v11, v2;
	_ =	sdelay $0x1  }
0x98: {  	s20 =	simm.s32 $0xA800;
	v11 =	vadd.s32 v1, v11  }
0x99: {  	[tilespmem:s20], [sflag:$0x1] =	stream.indirect_vreg.gather [hbm4b:s2+s3], $0x80, v12, vm0, $0xb8;
	[tilespmem:$0x10C80] =	vst v63  }
0x9a: {  	s21 =	simm.s32 $0xB000  }
0x9b: {  	[tilespmem:s21], [sflag:$0x1] =	stream.indirect_vreg.gather [hbm4b:s4+s3], $0x80, v12, vm0, $0xb8;
	[tilespmem:$0x10C80] =	vst v63  }
0x9c: {  	s22 =	simm.s32 $0xB800  }
0x9d: {  	[tilespmem:s22], [sflag:$0x1] =	stream.indirect_vreg.gather [hbm4b:s2+s3], $0x80, v11, vm0, $0xb8;
	[tilespmem:$0x10C80] =	vst v63  }
0x9e: {  	s23 =	simm.s32 $0xC000  }
0x9f: {  	[tilespmem:s23], [sflag:$0x1] =	stream.indirect_vreg.gather [hbm4b:s4+s3], $0x80, v11, vm0, $0xb8;
	[tilespmem:$0x10C80] =	vst v63  }
0xa0: {  	v11 =	vld [tilespmem:$0x60];
	_ =	sdelay $0x4  }
0xa1: {  	v54 =	vshll.u32 v11, $0x2  }
0xa2: {  	v11 =	vand.u32 $0x7, v11;
	v12 =	vand.u32 $0xFFFFFFE0, v54  }
0xa3: {  	v11 =	vor.u32 v11, v12  }
0xa4: {  	v12 =	vperm.xlane v11, v0;
	_ =	sdelay $0x1  }
0xa5: {  	v12 =	vadd.s32 v1, v12;
	_ =	sdelay $0x1  }
0xa6: {  	v11 =	vperm.xlane v11, v2;
	_ =	sdelay $0x1  }
0xa7: {  	s24 =	simm.s32 $0xC800;
	v11 =	vadd.s32 v1, v11  }
0xa8: {  	[tilespmem:s24], [sflag:$0x1] =	stream.indirect_vreg.gather [hbm4b:s2+s3], $0x80, v12, vm0, $0xb8;
	[tilespmem:$0x10C80] =	vst v63  }
0xa9: {  	s25 =	simm.s32 $0xD000  }
0xaa: {  	[tilespmem:s25], [sflag:$0x1] =	stream.indirect_vreg.gather [hbm4b:s4+s3], $0x80, v12, vm0, $0xb8;
	[tilespmem:$0x10C80] =	vst v63  }
0xab: {  	s26 =	simm.s32 $0xD800  }
0xac: {  	[tilespmem:s26], [sflag:$0x1] =	stream.indirect_vreg.gather [hbm4b:s2+s3], $0x80, v11, vm0, $0xb8;
	[tilespmem:$0x10C80] =	vst v63  }
0xad: {  	s28 =	simm.s32 $0xE000  }
0xae: {  	[tilespmem:s28], [sflag:$0x1] =	stream.indirect_vreg.gather [hbm4b:s4+s3], $0x80, v11, vm0, $0xb8;
	[tilespmem:$0x10C80] =	vst v63  }
0xaf: {  	v11 =	vld [tilespmem:$0x70];
	_ =	sdelay $0x4  }
0xb0: {  	v55 =	vshll.u32 v11, $0x2  }
0xb1: {  	v11 =	vand.u32 $0x7, v11;
	v12 =	vand.u32 $0xFFFFFFE0, v55  }
0xb2: {  	v11 =	vor.u32 v11, v12  }
0xb3: {  	v12 =	vperm.xlane v11, v0;
	_ =	sdelay $0x1  }
0xb4: {  	v12 =	vadd.s32 v1, v12;
	_ =	sdelay $0x1  }
0xb5: {  	v11 =	vperm.xlane v11, v2;
	_ =	sdelay $0x1  }
0xb6: {  	s29 =	simm.s32 $0xE800;
	v11 =	vadd.s32 v1, v11  }
0xb7: {  	[tilespmem:s29], [sflag:$0x1] =	stream.indirect_vreg.gather [hbm4b:s2+s3], $0x80, v12, vm0, $0xb8;
	[tilespmem:$0x10C80] =	vst v63  }
0xb8: {  	s30 =	simm.s32 $0xF000  }
0xb9: {  	[tilespmem:s30], [sflag:$0x1] =	stream.indirect_vreg.gather [hbm4b:s4+s3], $0x80, v12, vm0, $0xb8;
	[tilespmem:$0x10C80] =	vst v63  }
0xba: {  	s31 =	simm.s32 $0xF800  }
0xbb: {  	[tilespmem:s31], [sflag:$0x1] =	stream.indirect_vreg.gather [hbm4b:s2+s3], $0x80, v11, vm0, $0xb8;
	[tilespmem:$0x10C80] =	vst v63  }
0xbc: {  	s9 =	simm.s32 $0x10000  }
0xbd: {  	[tilespmem:s9], [sflag:$0x1] =	stream.indirect_vreg.gather [hbm4b:s4+s3], $0x80, v11, vm0, $0xb8;
	[tilespmem:$0x10C80] =	vst v63  }
0xbe: {  	_ =	swait.ge [sflag:s14], $0x10000  }
0xbf: {  	[sflag:s14] =	ssyncset.done $0x0  }
0xc0: {  	[sflag:s14] =	ssyncadd.s32 $0xFFFF0000  }
0xc1: {  	v11 =	vld [tilespmem:$0x400];
	_ =	sdelay $0x4  }
0xc2: {  	v56 =	vshll.u32 v11, $0x3  }
0xc3: {  	v11 =	vand.u32 $0x7F, v11;
	v12 =	vand.u32 $0xFFFFFC00, v56  }
0xc4: {  	v11 =	vor.u32 v11, v12  }
0xc5: {  	v12 =	vadd.s32 v3, v11  }
0xc6: {  	v13 =	vadd.s32 v4, v11;
	_ =	sdelay $0x1  }
0xc7: {  	v14 =	vadd.s32 v5, v11;
	_ =	sdelay $0x1  }
0xc8: {  	v15 =	vadd.s32 v6, v11;
	v12 =	vld.idx.msk [tilespmem:v12+s7+$0x0], $0xffff  }
0xc9: {  	v13 =	vld.idx.msk [tilespmem:v13+s7+$0x0], $0xffff  }
0xca: {  	v16 =	vadd.s32 v7, v11  }
0xcb: {  	v14 =	vld.idx.msk [tilespmem:v14+s7+$0x0], $0xffff  }
0xcc: {  	v17 =	vadd.s32 v8, v11  }
0xcd: {  	v15 =	vld.idx.msk [tilespmem:v15+s7+$0x0], $0xffff  }
0xce: {  	v18 =	vadd.s32 v9, v11;
	v19 =	vmul.f32 v12, v12;
	v20 =	vmul.f32 v13, v13  }
0xcf: {  	v16 =	vld.idx.msk [tilespmem:v16+s7+$0x0], $0xffff  }
0xd0: {  	v11 =	vadd.s32 v10, v11;
	v57 =	vmul.f32 v14, v14;
	v19 =	vadd.f32 v20, v19  }
0xd1: {  	v17 =	vld.idx.msk [tilespmem:v17+s7+$0x0], $0xffff  }
0xd2: {  	v58 =	vmul.f32 v15, v15;
	v19 =	vadd.f32 v57, v19  }
0xd3: {  	v18 =	vld.idx.msk [tilespmem:v18+s7+$0x0], $0xffff  }
0xd4: {  	v59 =	vmul.f32 v16, v16;
	v19 =	vadd.f32 v58, v19  }
0xd5: {  	v11 =	vld.idx.msk [tilespmem:v11+s7+$0x0], $0xffff  }
0xd6: {  	v60 =	vmul.f32 v17, v17;
	v19 =	vadd.f32 v59, v19;
	_ =	sdelay $0x1  }
0xd7: {  	v61 =	vmul.f32 v18, v18;
	v19 =	vadd.f32 v60, v19;
	_ =	sdelay $0x1  }
0xd8: {  	v62 =	vmul.f32 v11, v11;
	v19 =	vadd.f32 v61, v19;
	_ =	sdelay $0x1  }
0xd9: {  	v19 =	vadd.f32 v62, v19;
	_ =	sdelay $0x1  }
0xda: {  	[tilespmem:$0x10C00] =	vst v19  }
0xdb: {  	[tilespmem:$0x10C10] =	vst v19  }
0xdc: {  	v63 =	vld [tilespmem:$0x10C08];
	_ =	sdelay $0x4  }
0xdd: {  	v19 =	vadd.f32 v63, v19;
	_ =	sdelay $0x1  }
0xde: {  	[tilespmem:$0x10C00] =	vst v19  }
0xdf: {  	[tilespmem:$0x10C10] =	vst v19  }
0xe0: {  	v24 =	vld [tilespmem:$0x10C04];
	_ =	sdelay $0x4  }
0xe1: {  	v19 =	vadd.f32 v24, v19;
	_ =	sdelay $0x1  }
0xe2: {  	[tilespmem:$0x10C00] =	vst v19  }
0xe3: {  	[tilespmem:$0x10C10] =	vst v19  }
0xe4: {  	v25 =	vld [tilespmem:$0x10C02];
	_ =	sdelay $0x4  }
0xe5: {  	v19 =	vadd.f32 v25, v19;
	_ =	sdelay $0x1  }
0xe6: {  	[tilespmem:$0x10C00] =	vst v19  }
0xe7: {  	[tilespmem:$0x10C10] =	vst v19  }
0xe8: {  	v26 =	vld [tilespmem:$0x10C01];
	_ =	sdelay $0x4  }
0xe9: {  	v19 =	vadd.f32 v26, v19;
	_ =	sdelay $0x1  }
0xea: {  	v20 =	vshra.s32 v19, $0x1;
	v21 =	vmul.f32 $5.000000000e-01, v19  }
0xeb: {  	v20 =	vsub.s32 $0x5F3759DF, v20  }
0xec: {  	v22 =	vmul.f32 v20, v21;
	_ =	sdelay $0x1  }
0xed: {  	v22 =	vmul.f32 v20, v22;
	_ =	sdelay $0x1  }
0xee: {  	v22 =	vsub.f32 $1.500000000e+00, v22;
	_ =	sdelay $0x1  }
0xef: {  	v20 =	vmul.f32 v20, v22;
	_ =	sdelay $0x1  }
0xf0: {  	v22 =	vmul.f32 v20, v21;
	_ =	sdelay $0x1  }
0xf1: {  	v22 =	vmul.f32 v22, v20;
	_ =	sdelay $0x1  }
0xf2: {  	v22 =	vsub.f32 $1.500000000e+00, v22;
	_ =	sdelay $0x1  }
0xf3: {  	v20 =	vmul.f32 v22, v20;
	_ =	sdelay $0x1  }
0xf4: {  	v21 =	vmul.f32 v20, v21;
	_ =	sdelay $0x1  }
0xf5: {  	v21 =	vmul.f32 v21, v20;
	_ =	sdelay $0x1  }
0xf6: {  	v21 =	vsub.f32 $1.500000000e+00, v21;
	_ =	sdelay $0x1  }
0xf7: {  	v20 =	vmul.f32 v21, v20;
	_ =	sdelay $0x1  }
0xf8: {  	v19 =	vmul.f32 v20, v19;
	_ =	sdelay $0x1  }
0xf9: {  	v19 =	vmax.f32 v19, $9.999999960e-13  }
0xfa: {  	(erf) = vrcp.f32 v19;
	_ =	sdelay $0x4  }
0xfb: {  	v27 =	vld [tilespmem:$0x80];
	_ =	sdelay $0x3  }
0xfc: {  	v28 =	vpop (erf)  }
0xfd: {  	v29 =	vshll.u32 v27, $0x2;
	v12 =	vmul.f32 v28, v12  }
0xfe: {  	v21 =	vand.u32 $0xFFFFFFE0, v29;
	v19 =	vand.u32 $0x7, v27;
	v13 =	vmul.f32 v28, v13  }
0xff: {  	v31 =	vor.u32 v19, v21;
	v30 =	vmul.f32 v28, v14;
	[tilespmem:$0x10800] =	vst v12  }
0x100: {  	v33 =	vperm.xlane v31, v0;
	v32 =	vmul.f32 v28, v15;
	[tilespmem:$0x10810] =	vst v13  }
0x101: {  	v34 =	vmul.f32 v28, v16;
	[tilespmem:$0x10820] =	vst v30  }
0x102: {  	v35 =	vmul.f32 v28, v17;
	v15 =	vadd.s32 v1, v33;
	[tilespmem:$0x10830] =	vst v32  }
0x103: {  	v36 =	vmul.f32 v28, v18;
	[tilespmem:$0x10840] =	vst v34  }
0x104: {  	v37 =	vperm.xlane v31, v2;
	v11 =	vmul.f32 v28, v11;
	[tilespmem:$0x10850] =	vst v35  }
0x105: {  	[tilespmem:$0x10860] =	vst v36  }
0x106: {  	[tilespmem:$0x10870] =	vst v11;
	v11 =	vadd.s32 v1, v37  }
0x107: {  	[tilespmem:s7], [sflag:$0x1] =	stream.indirect_vreg.gather [hbm4b:s2+s3], $0x80, v15, vm0, $0xb8;
	[tilespmem:$0x10C80] =	vst v63  }
0x108: {  	s12 =	simm.s32 $0x1000  }
0x109: {  	[tilespmem:s12], [sflag:$0x1] =	stream.indirect_vreg.gather [hbm4b:s4+s3], $0x80, v15, vm0, $0xb8;
	[tilespmem:$0x10C80] =	vst v63  }
0x10a: {  	s13 =	simm.s32 $0x1800  }
0x10b: {  	[tilespmem:s13], [sflag:$0x1] =	stream.indirect_vreg.gather [hbm4b:s2+s3], $0x80, v11, vm0, $0xb8;
	[tilespmem:$0x10C80] =	vst v63  }
0x10c: {  	s11 =	simm.s32 $0x2000  }
0x10d: {  	[tilespmem:s11], [sflag:$0x1] =	stream.indirect_vreg.gather [hbm4b:s4+s3], $0x80, v11, vm0, $0xb8;
	[tilespmem:$0x10C80] =	vst v63  }
0x10e: {  	v11 =	vld [tilespmem:$0x90];
	_ =	sdelay $0x4  }
0x10f: {  	v38 =	vshll.u32 v11, $0x2  }
0x110: {  	v11 =	vand.u32 $0x7, v11;
	v12 =	vand.u32 $0xFFFFFFE0, v38  }
0x111: {  	v11 =	vor.u32 v11, v12  }
0x112: {  	v12 =	vperm.xlane v11, v0;
	_ =	sdelay $0x1  }
0x113: {  	v12 =	vadd.s32 v1, v12;
	_ =	sdelay $0x1  }
0x114: {  	v11 =	vperm.xlane v11, v2;
	_ =	sdelay $0x1  }
0x115: {  	s15 =	simm.s32 $0x2800;
	v11 =	vadd.s32 v1, v11  }
0x116: {  	[tilespmem:s15], [sflag:$0x1] =	stream.indirect_vreg.gather [hbm4b:s2+s3], $0x80, v12, vm0, $0xb8;
	[tilespmem:$0x10C80] =	vst v63  }
0x117: {  	s16 =	simm.s32 $0x3000  }
0x118: {  	[tilespmem:s16], [sflag:$0x1] =	stream.indirect_vreg.gather [hbm4b:s4+s3], $0x80, v12, vm0, $0xb8;
	[tilespmem:$0x10C80] =	vst v63  }
0x119: {  	s17 =	simm.s32 $0x3800  }
0x11a: {  	[tilespmem:s17], [sflag:$0x1] =	stream.indirect_vreg.gather [hbm4b:s2+s3], $0x80, v11, vm0, $0xb8;
	[tilespmem:$0x10C80] =	vst v63  }
0x11b: {  	s18 =	simm.s32 $0x4000  }
0x11c: {  	[tilespmem:s18], [sflag:$0x1] =	stream.indirect_vreg.gather [hbm4b:s4+s3], $0x80, v11, vm0, $0xb8;
	[tilespmem:$0x10C80] =	vst v63  }
0x11d: {  	v11 =	vld [tilespmem:$0xA0];
	_ =	sdelay $0x4  }
0x11e: {  	v39 =	vshll.u32 v11, $0x2  }
0x11f: {  	v11 =	vand.u32 $0x7, v11;
	v12 =	vand.u32 $0xFFFFFFE0, v39  }
0x120: {  	v11 =	vor.u32 v11, v12  }
0x121: {  	v12 =	vperm.xlane v11, v0;
	_ =	sdelay $0x1  }
0x122: {  	v12 =	vadd.s32 v1, v12;
	_ =	sdelay $0x1  }
0x123: {  	v11 =	vperm.xlane v11, v2;
	_ =	sdelay $0x1  }
0x124: {  	s19 =	simm.s32 $0x4800;
	v11 =	vadd.s32 v1, v11  }
0x125: {  	[tilespmem:s19], [sflag:$0x1] =	stream.indirect_vreg.gather [hbm4b:s2+s3], $0x80, v12, vm0, $0xb8;
	[tilespmem:$0x10C80] =	vst v63  }
0x126: {  	s23 =	simm.s32 $0x5000  }
0x127: {  	[tilespmem:s23], [sflag:$0x1] =	stream.indirect_vreg.gather [hbm4b:s4+s3], $0x80, v12, vm0, $0xb8;
	[tilespmem:$0x10C80] =	vst v63  }
0x128: {  	s24 =	simm.s32 $0x5800  }
0x129: {  	[tilespmem:s24], [sflag:$0x1] =	stream.indirect_vreg.gather [hbm4b:s2+s3], $0x80, v11, vm0, $0xb8;
	[tilespmem:$0x10C80] =	vst v63  }
0x12a: {  	s25 =	simm.s32 $0x6000  }
0x12b: {  	[tilespmem:s25], [sflag:$0x1] =	stream.indirect_vreg.gather [hbm4b:s4+s3], $0x80, v11, vm0, $0xb8;
	[tilespmem:$0x10C80] =	vst v63  }
0x12c: {  	v11 =	vld [tilespmem:$0xB0];
	_ =	sdelay $0x4  }
0x12d: {  	v40 =	vshll.u32 v11, $0x2  }
0x12e: {  	v11 =	vand.u32 $0x7, v11;
	v12 =	vand.u32 $0xFFFFFFE0, v40  }
0x12f: {  	v11 =	vor.u32 v11, v12  }
0x130: {  	v12 =	vperm.xlane v11, v0;
	_ =	sdelay $0x1  }
0x131: {  	v12 =	vadd.s32 v1, v12;
	_ =	sdelay $0x1  }
0x132: {  	v11 =	vperm.xlane v11, v2;
	_ =	sdelay $0x1  }
0x133: {  	s26 =	simm.s32 $0x6800;
	v11 =	vadd.s32 v1, v11  }
0x134: {  	[tilespmem:s26], [sflag:$0x1] =	stream.indirect_vreg.gather [hbm4b:s2+s3], $0x80, v12, vm0, $0xb8;
	[tilespmem:$0x10C80] =	vst v63  }
0x135: {  	s28 =	simm.s32 $0x7000  }
0x136: {  	[tilespmem:s28], [sflag:$0x1] =	stream.indirect_vreg.gather [hbm4b:s4+s3], $0x80, v12, vm0, $0xb8;
	[tilespmem:$0x10C80] =	vst v63  }
0x137: {  	s29 =	simm.s32 $0x7800  }
0x138: {  	[tilespmem:s29], [sflag:$0x1] =	stream.indirect_vreg.gather [hbm4b:s2+s3], $0x80, v11, vm0, $0xb8;
	[tilespmem:$0x10C80] =	vst v63  }
0x139: {  	s30 =	simm.s32 $0x8000  }
0x13a: {  	[tilespmem:s30], [sflag:$0x1] =	stream.indirect_vreg.gather [hbm4b:s4+s3], $0x80, v11, vm0, $0xb8;
	[tilespmem:$0x10C80] =	vst v63  }
0x13b: {  	v11 =	vld [tilespmem:$0xC0];
	_ =	sdelay $0x4  }
0x13c: {  	v41 =	vshll.u32 v11, $0x2  }
0x13d: {  	v11 =	vand.u32 $0x7, v11;
	v12 =	vand.u32 $0xFFFFFFE0, v41  }
0x13e: {  	v11 =	vor.u32 v11, v12  }
0x13f: {  	v12 =	vperm.xlane v11, v0;
	_ =	sdelay $0x1  }
0x140: {  	v12 =	vadd.s32 v1, v12;
	_ =	sdelay $0x1  }
0x141: {  	v11 =	vperm.xlane v11, v2;
	_ =	sdelay $0x1  }
0x142: {  	s31 =	simm.s32 $0x8800;
	v11 =	vadd.s32 v1, v11  }
0x143: {  	[tilespmem:s31], [sflag:$0x1] =	stream.indirect_vreg.gather [hbm4b:s2+s3], $0x80, v12, vm0, $0xb8;
	[tilespmem:$0x10C80] =	vst v63  }
0x144: {  	s1 =	simm.s32 $0x9000  }
0x145: {  	[tilespmem:s1], [sflag:$0x1] =	stream.indirect_vreg.gather [hbm4b:s4+s3], $0x80, v12, vm0, $0xb8;
	[tilespmem:$0x10C80] =	vst v63  }
0x146: {  	s1 =	simm.s32 $0x9800  }
0x147: {  	[tilespmem:s1], [sflag:$0x1] =	stream.indirect_vreg.gather [hbm4b:s2+s3], $0x80, v11, vm0, $0xb8;
	[tilespmem:$0x10C80] =	vst v63  }
0x148: {  	s10 =	simm.s32 $0xA000  }
0x149: {  	[tilespmem:s10], [sflag:$0x1] =	stream.indirect_vreg.gather [hbm4b:s4+s3], $0x80, v11, vm0, $0xb8;
	[tilespmem:$0x10C80] =	vst v63  }
0x14a: {  	v11 =	vld [tilespmem:$0xD0];
	_ =	sdelay $0x4  }
0x14b: {  	v42 =	vshll.u32 v11, $0x2  }
0x14c: {  	v11 =	vand.u32 $0x7, v11;
	v12 =	vand.u32 $0xFFFFFFE0, v42  }
0x14d: {  	v11 =	vor.u32 v11, v12  }
0x14e: {  	v12 =	vperm.xlane v11, v0;
	_ =	sdelay $0x1  }
0x14f: {  	v12 =	vadd.s32 v1, v12;
	_ =	sdelay $0x1  }
0x150: {  	v11 =	vperm.xlane v11, v2;
	_ =	sdelay $0x1  }
0x151: {  	s8 =	simm.s32 $0xA800;
	v11 =	vadd.s32 v1, v11  }
0x152: {  	[tilespmem:s8], [sflag:$0x1] =	stream.indirect_vreg.gather [hbm4b:s2+s3], $0x80, v12, vm0, $0xb8;
	[tilespmem:$0x10C80] =	vst v63  }
0x153: {  	s10 =	simm.s32 $0xB000  }
0x154: {  	[tilespmem:s10], [sflag:$0x1] =	stream.indirect_vreg.gather [hbm4b:s4+s3], $0x80, v12, vm0, $0xb8;
	[tilespmem:$0x10C80] =	vst v63  }
0x155: {  	s11 =	simm.s32 $0xB800  }
0x156: {  	[tilespmem:s11], [sflag:$0x1] =	stream.indirect_vreg.gather [hbm4b:s2+s3], $0x80, v11, vm0, $0xb8;
	[tilespmem:$0x10C80] =	vst v63  }
0x157: {  	s12 =	simm.s32 $0xC000  }
0x158: {  	[tilespmem:s12], [sflag:$0x1] =	stream.indirect_vreg.gather [hbm4b:s4+s3], $0x80, v11, vm0, $0xb8;
	[tilespmem:$0x10C80] =	vst v63  }
0x159: {  	v11 =	vld [tilespmem:$0xE0];
	_ =	sdelay $0x4  }
0x15a: {  	v43 =	vshll.u32 v11, $0x2  }
0x15b: {  	v11 =	vand.u32 $0x7, v11;
	v12 =	vand.u32 $0xFFFFFFE0, v43  }
0x15c: {  	v11 =	vor.u32 v11, v12  }
0x15d: {  	v12 =	vperm.xlane v11, v0;
	_ =	sdelay $0x1  }
0x15e: {  	v12 =	vadd.s32 v1, v12;
	_ =	sdelay $0x1  }
0x15f: {  	v11 =	vperm.xlane v11, v2;
	_ =	sdelay $0x1  }
0x160: {  	s13 =	simm.s32 $0xC800;
	v11 =	vadd.s32 v1, v11  }
0x161: {  	[tilespmem:s13], [sflag:$0x1] =	stream.indirect_vreg.gather [hbm4b:s2+s3], $0x80, v12, vm0, $0xb8;
	[tilespmem:$0x10C80] =	vst v63  }
0x162: {  	s5 =	simm.s32 $0xD000  }
0x163: {  	[tilespmem:s5], [sflag:$0x1] =	stream.indirect_vreg.gather [hbm4b:s4+s3], $0x80, v12, vm0, $0xb8;
	[tilespmem:$0x10C80] =	vst v63  }
0x164: {  	s0 =	simm.s32 $0xD800  }
0x165: {  	[tilespmem:s0], [sflag:$0x1] =	stream.indirect_vreg.gather [hbm4b:s2+s3], $0x80, v11, vm0, $0xb8;
	[tilespmem:$0x10C80] =	vst v63  }
0x166: {  	s8 =	simm.s32 $0xE000  }
0x167: {  	[tilespmem:s8], [sflag:$0x1] =	stream.indirect_vreg.gather [hbm4b:s4+s3], $0x80, v11, vm0, $0xb8;
	[tilespmem:$0x10C80] =	vst v63  }
0x168: {  	v11 =	vld [tilespmem:$0xF0];
	_ =	sdelay $0x4  }
0x169: {  	v44 =	vshll.u32 v11, $0x2  }
0x16a: {  	v11 =	vand.u32 $0x7, v11;
	v12 =	vand.u32 $0xFFFFFFE0, v44  }
0x16b: {  	v11 =	vor.u32 v11, v12  }
0x16c: {  	v12 =	vperm.xlane v11, v0;
	_ =	sdelay $0x1  }
0x16d: {  	v12 =	vadd.s32 v1, v12;
	_ =	sdelay $0x1  }
0x16e: {  	v11 =	vperm.xlane v11, v2;
	_ =	sdelay $0x1  }
0x16f: {  	s5 =	simm.s32 $0xE800;
	v11 =	vadd.s32 v1, v11  }
0x170: {  	[tilespmem:s5], [sflag:$0x1] =	stream.indirect_vreg.gather [hbm4b:s2+s3], $0x80, v12, vm0, $0xb8;
	[tilespmem:$0x10C80] =	vst v63  }
0x171: {  	s6 =	simm.s32 $0xF000  }
0x172: {  	[tilespmem:s6], [sflag:$0x1] =	stream.indirect_vreg.gather [hbm4b:s4+s3], $0x80, v12, vm0, $0xb8;
	[tilespmem:$0x10C80] =	vst v63  }
0x173: {  	s6 =	simm.s32 $0xF800  }
0x174: {  	[tilespmem:s6], [sflag:$0x1] =	stream.indirect_vreg.gather [hbm4b:s2+s3], $0x80, v11, vm0, $0xb8;
	[tilespmem:$0x10C80] =	vst v63  }
0x175: {  	s9 =	simm.s32 $0x10000  }
0x176: {  	[tilespmem:s9], [sflag:$0x1] =	stream.indirect_vreg.gather [hbm4b:s4+s3], $0x80, v11, vm0, $0xb8;
	[tilespmem:$0x10C80] =	vst v63  }
0x177: {  	_ =	swait.ge [sflag:s14], $0x10000  }
0x178: {  	[sflag:s14] =	ssyncset.done $0x0  }
0x179: {  	[sflag:s14] =	ssyncadd.s32 $0xFFFF0000  }
0x17a: {  	v11 =	vld [tilespmem:$0x480];
	_ =	sdelay $0x4  }
0x17b: {  	v45 =	vshll.u32 v11, $0x3  }
0x17c: {  	v11 =	vand.u32 $0x7F, v11;
	v12 =	vand.u32 $0xFFFFFC00, v45  }
0x17d: {  	v11 =	vor.u32 v11, v12  }
0x17e: {  	v12 =	vadd.s32 v3, v11  }
0x17f: {  	v46 =	vadd.s32 v4, v11;
	_ =	sdelay $0x1  }
0x180: {  	v47 =	vadd.s32 v5, v11;
	_ =	sdelay $0x1  }
0x181: {  	v48 =	vadd.s32 v6, v11;
	v12 =	vld.idx.msk [tilespmem:v12+s7+$0x0], $0xffff  }
0x182: {  	v13 =	vld.idx.msk [tilespmem:v46+s7+$0x0], $0xffff  }
0x183: {  	v49 =	vadd.s32 v7, v11  }
0x184: {  	v14 =	vld.idx.msk [tilespmem:v47+s7+$0x0], $0xffff  }
0x185: {  	v50 =	vadd.s32 v8, v11  }
0x186: {  	v15 =	vld.idx.msk [tilespmem:v48+s7+$0x0], $0xffff  }
0x187: {  	v51 =	vadd.s32 v9, v11;
	v52 =	vmul.f32 v12, v12;
	v53 =	vmul.f32 v13, v13  }
0x188: {  	v16 =	vld.idx.msk [tilespmem:v49+s7+$0x0], $0xffff  }
0x189: {  	v11 =	vadd.s32 v10, v11;
	v54 =	vmul.f32 v14, v14;
	v19 =	vadd.f32 v53, v52  }
0x18a: {  	v17 =	vld.idx.msk [tilespmem:v50+s7+$0x0], $0xffff  }
0x18b: {  	v55 =	vmul.f32 v15, v15;
	v19 =	vadd.f32 v54, v19  }
0x18c: {  	v18 =	vld.idx.msk [tilespmem:v51+s7+$0x0], $0xffff  }
0x18d: {  	v56 =	vmul.f32 v16, v16;
	v19 =	vadd.f32 v55, v19  }
0x18e: {  	v11 =	vld.idx.msk [tilespmem:v11+s7+$0x0], $0xffff  }
0x18f: {  	v57 =	vmul.f32 v17, v17;
	v19 =	vadd.f32 v56, v19;
	_ =	sdelay $0x1  }
0x190: {  	v58 =	vmul.f32 v18, v18;
	v19 =	vadd.f32 v57, v19;
	_ =	sdelay $0x1  }
0x191: {  	v59 =	vmul.f32 v11, v11;
	v19 =	vadd.f32 v58, v19;
	_ =	sdelay $0x1  }
0x192: {  	v19 =	vadd.f32 v59, v19;
	_ =	sdelay $0x1  }
0x193: {  	[tilespmem:$0x10C00] =	vst v19  }
0x194: {  	[tilespmem:$0x10C10] =	vst v19  }
0x195: {  	v60 =	vld [tilespmem:$0x10C08];
	_ =	sdelay $0x4  }
0x196: {  	v19 =	vadd.f32 v60, v19;
	_ =	sdelay $0x1  }
0x197: {  	[tilespmem:$0x10C00] =	vst v19  }
0x198: {  	[tilespmem:$0x10C10] =	vst v19  }
0x199: {  	v61 =	vld [tilespmem:$0x10C04];
	_ =	sdelay $0x4  }
0x19a: {  	v19 =	vadd.f32 v61, v19;
	_ =	sdelay $0x1  }
0x19b: {  	[tilespmem:$0x10C00] =	vst v19  }
0x19c: {  	[tilespmem:$0x10C10] =	vst v19  }
0x19d: {  	v62 =	vld [tilespmem:$0x10C02];
	_ =	sdelay $0x4  }
0x19e: {  	v19 =	vadd.f32 v62, v19;
	_ =	sdelay $0x1  }
0x19f: {  	[tilespmem:$0x10C00] =	vst v19  }
0x1a0: {  	[tilespmem:$0x10C10] =	vst v19  }
0x1a1: {  	v63 =	vld [tilespmem:$0x10C01];
	_ =	sdelay $0x4  }
0x1a2: {  	v19 =	vadd.f32 v63, v19;
	_ =	sdelay $0x1  }
0x1a3: {  	v20 =	vshra.s32 v19, $0x1;
	v24 =	vmul.f32 $5.000000000e-01, v19  }
0x1a4: {  	v20 =	vsub.s32 $0x5F3759DF, v20  }
0x1a5: {  	v25 =	vmul.f32 v20, v24;
	_ =	sdelay $0x1  }
0x1a6: {  	v22 =	vmul.f32 v20, v25;
	_ =	sdelay $0x1  }
0x1a7: {  	v22 =	vsub.f32 $1.500000000e+00, v22;
	_ =	sdelay $0x1  }
0x1a8: {  	v20 =	vmul.f32 v20, v22;
	_ =	sdelay $0x1  }
0x1a9: {  	v22 =	vmul.f32 v20, v24;
	_ =	sdelay $0x1  }
0x1aa: {  	v22 =	vmul.f32 v22, v20;
	_ =	sdelay $0x1  }
0x1ab: {  	v22 =	vsub.f32 $1.500000000e+00, v22;
	_ =	sdelay $0x1  }
0x1ac: {  	v20 =	vmul.f32 v22, v20;
	_ =	sdelay $0x1  }
0x1ad: {  	v21 =	vmul.f32 v20, v24;
	_ =	sdelay $0x1  }
0x1ae: {  	v21 =	vmul.f32 v21, v20;
	_ =	sdelay $0x1  }
0x1af: {  	v21 =	vsub.f32 $1.500000000e+00, v21;
	_ =	sdelay $0x1  }
0x1b0: {  	v20 =	vmul.f32 v21, v20;
	_ =	sdelay $0x1  }
0x1b1: {  	v19 =	vmul.f32 v20, v19;
	_ =	sdelay $0x1  }
0x1b2: {  	v19 =	vmax.f32 v19, $9.999999960e-13  }
0x1b3: {  	(erf) = vrcp.f32 v19;
	_ =	sdelay $0x4  }
0x1b4: {  	v26 =	vld [tilespmem:$0x100];
	_ =	sdelay $0x3  }
0x1b5: {  	v27 =	vpop (erf)  }
0x1b6: {  	v28 =	vshll.u32 v26, $0x2;
	v12 =	vmul.f32 v27, v12  }
0x1b7: {  	v21 =	vand.u32 $0xFFFFFFE0, v28;
	v19 =	vand.u32 $0x7, v26;
	v13 =	vmul.f32 v27, v13  }
0x1b8: {  	v30 =	vor.u32 v19, v21;
	v29 =	vmul.f32 v27, v14;
	[tilespmem:$0x10880] =	vst v12  }
0x1b9: {  	v32 =	vperm.xlane v30, v0;
	v31 =	vmul.f32 v27, v15;
	[tilespmem:$0x10890] =	vst v13  }
0x1ba: {  	v33 =	vmul.f32 v27, v16;
	[tilespmem:$0x108A0] =	vst v29  }
0x1bb: {  	v34 =	vmul.f32 v27, v17;
	v15 =	vadd.s32 v1, v32;
	[tilespmem:$0x108B0] =	vst v31  }
0x1bc: {  	v35 =	vmul.f32 v27, v18;
	[tilespmem:$0x108C0] =	vst v33  }
0x1bd: {  	v36 =	vperm.xlane v30, v2;
	v11 =	vmul.f32 v27, v11;
	[tilespmem:$0x108D0] =	vst v34  }
0x1be: {  	[tilespmem:$0x108E0] =	vst v35  }
0x1bf: {  	[tilespmem:$0x108F0] =	vst v11;
	v11 =	vadd.s32 v1, v36  }
0x1c0: {  	[tilespmem:s7], [sflag:$0x1] =	stream.indirect_vreg.gather [hbm4b:s2+s3], $0x80, v15, vm0, $0xb8;
	[tilespmem:$0x10C80] =	vst v63  }
0x1c1: {  	s21 =	simm.s32 $0x1000  }
0x1c2: {  	[tilespmem:s21], [sflag:$0x1] =	stream.indirect_vreg.gather [hbm4b:s4+s3], $0x80, v15, vm0, $0xb8;
	[tilespmem:$0x10C80] =	vst v63  }
0x1c3: {  	s22 =	simm.s32 $0x1800  }
0x1c4: {  	[tilespmem:s22], [sflag:$0x1] =	stream.indirect_vreg.gather [hbm4b:s2+s3], $0x80, v11, vm0, $0xb8;
	[tilespmem:$0x10C80] =	vst v63  }
0x1c5: {  	s20 =	simm.s32 $0x2000  }
0x1c6: {  	[tilespmem:s20], [sflag:$0x1] =	stream.indirect_vreg.gather [hbm4b:s4+s3], $0x80, v11, vm0, $0xb8;
	[tilespmem:$0x10C80] =	vst v63  }
0x1c7: {  	v11 =	vld [tilespmem:$0x110];
	_ =	sdelay $0x4  }
0x1c8: {  	v37 =	vshll.u32 v11, $0x2  }
0x1c9: {  	v11 =	vand.u32 $0x7, v11;
	v12 =	vand.u32 $0xFFFFFFE0, v37  }
0x1ca: {  	v11 =	vor.u32 v11, v12  }
0x1cb: {  	v12 =	vperm.xlane v11, v0;
	_ =	sdelay $0x1  }
0x1cc: {  	v12 =	vadd.s32 v1, v12;
	_ =	sdelay $0x1  }
0x1cd: {  	v11 =	vperm.xlane v11, v2;
	_ =	sdelay $0x1  }
0x1ce: {  	s15 =	simm.s32 $0x2800;
	v11 =	vadd.s32 v1, v11  }
0x1cf: {  	[tilespmem:s15], [sflag:$0x1] =	stream.indirect_vreg.gather [hbm4b:s2+s3], $0x80, v12, vm0, $0xb8;
	[tilespmem:$0x10C80] =	vst v63  }
0x1d0: {  	s16 =	simm.s32 $0x3000  }
0x1d1: {  	[tilespmem:s16], [sflag:$0x1] =	stream.indirect_vreg.gather [hbm4b:s4+s3], $0x80, v12, vm0, $0xb8;
	[tilespmem:$0x10C80] =	vst v63  }
0x1d2: {  	s17 =	simm.s32 $0x3800  }
0x1d3: {  	[tilespmem:s17], [sflag:$0x1] =	stream.indirect_vreg.gather [hbm4b:s2+s3], $0x80, v11, vm0, $0xb8;
	[tilespmem:$0x10C80] =	vst v63  }
0x1d4: {  	s17 =	simm.s32 $0x4000  }
0x1d5: {  	[tilespmem:s17], [sflag:$0x1] =	stream.indirect_vreg.gather [hbm4b:s4+s3], $0x80, v11, vm0, $0xb8;
	[tilespmem:$0x10C80] =	vst v63  }
0x1d6: {  	v11 =	vld [tilespmem:$0x120];
	_ =	sdelay $0x4  }
0x1d7: {  	v38 =	vshll.u32 v11, $0x2  }
0x1d8: {  	v11 =	vand.u32 $0x7, v11;
	v12 =	vand.u32 $0xFFFFFFE0, v38  }
0x1d9: {  	v11 =	vor.u32 v11, v12  }
0x1da: {  	v12 =	vperm.xlane v11, v0;
	_ =	sdelay $0x1  }
0x1db: {  	v12 =	vadd.s32 v1, v12;
	_ =	sdelay $0x1  }
0x1dc: {  	v11 =	vperm.xlane v11, v2;
	_ =	sdelay $0x1  }
0x1dd: {  	s16 =	simm.s32 $0x4800;
	v11 =	vadd.s32 v1, v11  }
0x1de: {  	[tilespmem:s16], [sflag:$0x1] =	stream.indirect_vreg.gather [hbm4b:s2+s3], $0x80, v12, vm0, $0xb8;
	[tilespmem:$0x10C80] =	vst v63  }
0x1df: {  	_ = 	snop  }
0x1e0: {  	[tilespmem:s23], [sflag:$0x1] =	stream.indirect_vreg.gather [hbm4b:s4+s3], $0x80, v12, vm0, $0xb8;
	[tilespmem:$0x10C80] =	vst v63  }
0x1e1: {  	_ = 	snop  }
0x1e2: {  	[tilespmem:s24], [sflag:$0x1] =	stream.indirect_vreg.gather [hbm4b:s2+s3], $0x80, v11, vm0, $0xb8;
	[tilespmem:$0x10C80] =	vst v63  }
0x1e3: {  	_ = 	snop  }
0x1e4: {  	[tilespmem:s25], [sflag:$0x1] =	stream.indirect_vreg.gather [hbm4b:s4+s3], $0x80, v11, vm0, $0xb8;
	[tilespmem:$0x10C80] =	vst v63  }
0x1e5: {  	v11 =	vld [tilespmem:$0x130];
	_ =	sdelay $0x4  }
0x1e6: {  	v39 =	vshll.u32 v11, $0x2  }
0x1e7: {  	v11 =	vand.u32 $0x7, v11;
	v12 =	vand.u32 $0xFFFFFFE0, v39  }
0x1e8: {  	v11 =	vor.u32 v11, v12  }
0x1e9: {  	v12 =	vperm.xlane v11, v0;
	_ =	sdelay $0x1  }
0x1ea: {  	v12 =	vadd.s32 v1, v12;
	_ =	sdelay $0x1  }
0x1eb: {  	v11 =	vperm.xlane v11, v2;
	_ =	sdelay $0x1  }
0x1ec: {  	v11 =	vadd.s32 v1, v11  }
0x1ed: {  	[tilespmem:s26], [sflag:$0x1] =	stream.indirect_vreg.gather [hbm4b:s2+s3], $0x80, v12, vm0, $0xb8;
	[tilespmem:$0x10C80] =	vst v63  }
0x1ee: {  	_ = 	snop  }
0x1ef: {  	[tilespmem:s28], [sflag:$0x1] =	stream.indirect_vreg.gather [hbm4b:s4+s3], $0x80, v12, vm0, $0xb8;
	[tilespmem:$0x10C80] =	vst v63  }
0x1f0: {  	_ = 	snop  }
0x1f1: {  	[tilespmem:s29], [sflag:$0x1] =	stream.indirect_vreg.gather [hbm4b:s2+s3], $0x80, v11, vm0, $0xb8;
	[tilespmem:$0x10C80] =	vst v63  }
0x1f2: {  	_ = 	snop  }
0x1f3: {  	[tilespmem:s30], [sflag:$0x1] =	stream.indirect_vreg.gather [hbm4b:s4+s3], $0x80, v11, vm0, $0xb8;
	[tilespmem:$0x10C80] =	vst v63  }
0x1f4: {  	v11 =	vld [tilespmem:$0x140];
	_ =	sdelay $0x4  }
0x1f5: {  	v40 =	vshll.u32 v11, $0x2  }
0x1f6: {  	v11 =	vand.u32 $0x7, v11;
	v12 =	vand.u32 $0xFFFFFFE0, v40  }
0x1f7: {  	v11 =	vor.u32 v11, v12  }
0x1f8: {  	v12 =	vperm.xlane v11, v0;
	_ =	sdelay $0x1  }
0x1f9: {  	v12 =	vadd.s32 v1, v12;
	_ =	sdelay $0x1  }
0x1fa: {  	v11 =	vperm.xlane v11, v2;
	_ =	sdelay $0x1  }
0x1fb: {  	v11 =	vadd.s32 v1, v11  }
0x1fc: {  	[tilespmem:s31], [sflag:$0x1] =	stream.indirect_vreg.gather [hbm4b:s2+s3], $0x80, v12, vm0, $0xb8;
	[tilespmem:$0x10C80] =	vst v63  }
0x1fd: {  	s17 =	simm.s32 $0x9000  }
0x1fe: {  	[tilespmem:s17], [sflag:$0x1] =	stream.indirect_vreg.gather [hbm4b:s4+s3], $0x80, v12, vm0, $0xb8;
	[tilespmem:$0x10C80] =	vst v63  }
0x1ff: {  	_ = 	snop  }
0x200: {  	[tilespmem:s1], [sflag:$0x1] =	stream.indirect_vreg.gather [hbm4b:s2+s3], $0x80, v11, vm0, $0xb8;
	[tilespmem:$0x10C80] =	vst v63  }
0x201: {  	s19 =	simm.s32 $0xA000  }
0x202: {  	[tilespmem:s19], [sflag:$0x1] =	stream.indirect_vreg.gather [hbm4b:s4+s3], $0x80, v11, vm0, $0xb8;
	[tilespmem:$0x10C80] =	vst v63  }
0x203: {  	v11 =	vld [tilespmem:$0x150];
	_ =	sdelay $0x4  }
0x204: {  	v41 =	vshll.u32 v11, $0x2  }
0x205: {  	v11 =	vand.u32 $0x7, v11;
	v12 =	vand.u32 $0xFFFFFFE0, v41  }
0x206: {  	v11 =	vor.u32 v11, v12  }
0x207: {  	v12 =	vperm.xlane v11, v0;
	_ =	sdelay $0x1  }
0x208: {  	v12 =	vadd.s32 v1, v12;
	_ =	sdelay $0x1  }
0x209: {  	v11 =	vperm.xlane v11, v2;
	_ =	sdelay $0x1  }
0x20a: {  	s18 =	simm.s32 $0xA800;
	v11 =	vadd.s32 v1, v11  }
0x20b: {  	[tilespmem:s18], [sflag:$0x1] =	stream.indirect_vreg.gather [hbm4b:s2+s3], $0x80, v12, vm0, $0xb8;
	[tilespmem:$0x10C80] =	vst v63  }
0x20c: {  	_ = 	snop  }
0x20d: {  	[tilespmem:s10], [sflag:$0x1] =	stream.indirect_vreg.gather [hbm4b:s4+s3], $0x80, v12, vm0, $0xb8;
	[tilespmem:$0x10C80] =	vst v63  }
0x20e: {  	_ = 	snop  }
0x20f: {  	[tilespmem:s11], [sflag:$0x1] =	stream.indirect_vreg.gather [hbm4b:s2+s3], $0x80, v11, vm0, $0xb8;
	[tilespmem:$0x10C80] =	vst v63  }
0x210: {  	_ = 	snop  }
0x211: {  	[tilespmem:s12], [sflag:$0x1] =	stream.indirect_vreg.gather [hbm4b:s4+s3], $0x80, v11, vm0, $0xb8;
	[tilespmem:$0x10C80] =	vst v63  }
0x212: {  	v11 =	vld [tilespmem:$0x160];
	_ =	sdelay $0x4  }
0x213: {  	v42 =	vshll.u32 v11, $0x2  }
0x214: {  	v11 =	vand.u32 $0x7, v11;
	v12 =	vand.u32 $0xFFFFFFE0, v42  }
0x215: {  	v11 =	vor.u32 v11, v12  }
0x216: {  	v12 =	vperm.xlane v11, v0;
	_ =	sdelay $0x1  }
0x217: {  	v12 =	vadd.s32 v1, v12;
	_ =	sdelay $0x1  }
0x218: {  	v11 =	vperm.xlane v11, v2;
	_ =	sdelay $0x1  }
0x219: {  	v11 =	vadd.s32 v1, v11  }
0x21a: {  	[tilespmem:s13], [sflag:$0x1] =	stream.indirect_vreg.gather [hbm4b:s2+s3], $0x80, v12, vm0, $0xb8;
	[tilespmem:$0x10C80] =	vst v63  }
0x21b: {  	s18 =	simm.s32 $0xD000  }
0x21c: {  	[tilespmem:s18], [sflag:$0x1] =	stream.indirect_vreg.gather [hbm4b:s4+s3], $0x80, v12, vm0, $0xb8;
	[tilespmem:$0x10C80] =	vst v63  }
0x21d: {  	_ = 	snop  }
0x21e: {  	[tilespmem:s0], [sflag:$0x1] =	stream.indirect_vreg.gather [hbm4b:s2+s3], $0x80, v11, vm0, $0xb8;
	[tilespmem:$0x10C80] =	vst v63  }
0x21f: {  	_ = 	snop  }
0x220: {  	[tilespmem:s8], [sflag:$0x1] =	stream.indirect_vreg.gather [hbm4b:s4+s3], $0x80, v11, vm0, $0xb8;
	[tilespmem:$0x10C80] =	vst v63  }
0x221: {  	v11 =	vld [tilespmem:$0x170];
	_ =	sdelay $0x4  }
0x222: {  	v43 =	vshll.u32 v11, $0x2  }
0x223: {  	v11 =	vand.u32 $0x7, v11;
	v12 =	vand.u32 $0xFFFFFFE0, v43  }
0x224: {  	v11 =	vor.u32 v11, v12  }
0x225: {  	v12 =	vperm.xlane v11, v0;
	_ =	sdelay $0x1  }
0x226: {  	v12 =	vadd.s32 v1, v12;
	_ =	sdelay $0x1  }
0x227: {  	v11 =	vperm.xlane v11, v2;
	_ =	sdelay $0x1  }
0x228: {  	v11 =	vadd.s32 v1, v11  }
0x229: {  	[tilespmem:s5], [sflag:$0x1] =	stream.indirect_vreg.gather [hbm4b:s2+s3], $0x80, v12, vm0, $0xb8;
	[tilespmem:$0x10C80] =	vst v63  }
0x22a: {  	s19 =	simm.s32 $0xF000  }
0x22b: {  	[tilespmem:s19], [sflag:$0x1] =	stream.indirect_vreg.gather [hbm4b:s4+s3], $0x80, v12, vm0, $0xb8;
	[tilespmem:$0x10C80] =	vst v63  }
0x22c: {  	_ = 	snop  }
0x22d: {  	[tilespmem:s6], [sflag:$0x1] =	stream.indirect_vreg.gather [hbm4b:s2+s3], $0x80, v11, vm0, $0xb8;
	[tilespmem:$0x10C80] =	vst v63  }
0x22e: {  	s9 =	simm.s32 $0x10000  }
0x22f: {  	[tilespmem:s9], [sflag:$0x1] =	stream.indirect_vreg.gather [hbm4b:s4+s3], $0x80, v11, vm0, $0xb8;
	[tilespmem:$0x10C80] =	vst v63  }
0x230: {  	_ =	swait.ge [sflag:s14], $0x10000  }
0x231: {  	[sflag:s14] =	ssyncset.done $0x0  }
0x232: {  	[sflag:s14] =	ssyncadd.s32 $0xFFFF0000  }
0x233: {  	v11 =	vld [tilespmem:$0x500];
	_ =	sdelay $0x4  }
0x234: {  	v44 =	vshll.u32 v11, $0x3  }
0x235: {  	v11 =	vand.u32 $0x7F, v11;
	v12 =	vand.u32 $0xFFFFFC00, v44  }
0x236: {  	v11 =	vor.u32 v11, v12  }
0x237: {  	v12 =	vadd.s32 v3, v11  }
0x238: {  	v45 =	vadd.s32 v4, v11;
	_ =	sdelay $0x1  }
0x239: {  	v46 =	vadd.s32 v5, v11;
	_ =	sdelay $0x1  }
0x23a: {  	v47 =	vadd.s32 v6, v11;
	v12 =	vld.idx.msk [tilespmem:v12+s7+$0x0], $0xffff  }
0x23b: {  	v13 =	vld.idx.msk [tilespmem:v45+s7+$0x0], $0xffff  }
0x23c: {  	v48 =	vadd.s32 v7, v11  }
0x23d: {  	v14 =	vld.idx.msk [tilespmem:v46+s7+$0x0], $0xffff  }
0x23e: {  	v49 =	vadd.s32 v8, v11  }
0x23f: {  	v15 =	vld.idx.msk [tilespmem:v47+s7+$0x0], $0xffff  }
0x240: {  	v50 =	vadd.s32 v9, v11;
	v51 =	vmul.f32 v12, v12;
	v52 =	vmul.f32 v13, v13  }
0x241: {  	v16 =	vld.idx.msk [tilespmem:v48+s7+$0x0], $0xffff  }
0x242: {  	v11 =	vadd.s32 v10, v11;
	v53 =	vmul.f32 v14, v14;
	v19 =	vadd.f32 v52, v51  }
0x243: {  	v17 =	vld.idx.msk [tilespmem:v49+s7+$0x0], $0xffff  }
0x244: {  	v54 =	vmul.f32 v15, v15;
	v19 =	vadd.f32 v53, v19  }
0x245: {  	v18 =	vld.idx.msk [tilespmem:v50+s7+$0x0], $0xffff  }
0x246: {  	v55 =	vmul.f32 v16, v16;
	v19 =	vadd.f32 v54, v19  }
0x247: {  	v11 =	vld.idx.msk [tilespmem:v11+s7+$0x0], $0xffff  }
0x248: {  	v56 =	vmul.f32 v17, v17;
	v19 =	vadd.f32 v55, v19;
	_ =	sdelay $0x1  }
0x249: {  	v57 =	vmul.f32 v18, v18;
	v19 =	vadd.f32 v56, v19;
	_ =	sdelay $0x1  }
0x24a: {  	v58 =	vmul.f32 v11, v11;
	v19 =	vadd.f32 v57, v19;
	_ =	sdelay $0x1  }
0x24b: {  	v19 =	vadd.f32 v58, v19;
	_ =	sdelay $0x1  }
0x24c: {  	[tilespmem:$0x10C00] =	vst v19  }
0x24d: {  	[tilespmem:$0x10C10] =	vst v19  }
0x24e: {  	v59 =	vld [tilespmem:$0x10C08];
	_ =	sdelay $0x4  }
0x24f: {  	v19 =	vadd.f32 v59, v19;
	_ =	sdelay $0x1  }
0x250: {  	[tilespmem:$0x10C00] =	vst v19  }
0x251: {  	[tilespmem:$0x10C10] =	vst v19  }
0x252: {  	v60 =	vld [tilespmem:$0x10C04];
	_ =	sdelay $0x4  }
0x253: {  	v19 =	vadd.f32 v60, v19;
	_ =	sdelay $0x1  }
0x254: {  	[tilespmem:$0x10C00] =	vst v19  }
0x255: {  	[tilespmem:$0x10C10] =	vst v19  }
0x256: {  	v61 =	vld [tilespmem:$0x10C02];
	_ =	sdelay $0x4  }
0x257: {  	v19 =	vadd.f32 v61, v19;
	_ =	sdelay $0x1  }
0x258: {  	[tilespmem:$0x10C00] =	vst v19  }
0x259: {  	[tilespmem:$0x10C10] =	vst v19  }
0x25a: {  	v62 =	vld [tilespmem:$0x10C01];
	_ =	sdelay $0x4  }
0x25b: {  	v19 =	vadd.f32 v62, v19;
	_ =	sdelay $0x1  }
0x25c: {  	v20 =	vshra.s32 v19, $0x1;
	v63 =	vmul.f32 $5.000000000e-01, v19  }
0x25d: {  	v20 =	vsub.s32 $0x5F3759DF, v20  }
0x25e: {  	v24 =	vmul.f32 v20, v63;
	_ =	sdelay $0x1  }
0x25f: {  	v22 =	vmul.f32 v20, v24;
	_ =	sdelay $0x1  }
0x260: {  	v22 =	vsub.f32 $1.500000000e+00, v22;
	_ =	sdelay $0x1  }
0x261: {  	v20 =	vmul.f32 v20, v22;
	_ =	sdelay $0x1  }
0x262: {  	v22 =	vmul.f32 v20, v63;
	_ =	sdelay $0x1  }
0x263: {  	v22 =	vmul.f32 v22, v20;
	_ =	sdelay $0x1  }
0x264: {  	v22 =	vsub.f32 $1.500000000e+00, v22;
	_ =	sdelay $0x1  }
0x265: {  	v20 =	vmul.f32 v22, v20;
	_ =	sdelay $0x1  }
0x266: {  	v21 =	vmul.f32 v20, v63;
	_ =	sdelay $0x1  }
0x267: {  	v21 =	vmul.f32 v21, v20;
	_ =	sdelay $0x1  }
0x268: {  	v21 =	vsub.f32 $1.500000000e+00, v21;
	_ =	sdelay $0x1  }
0x269: {  	v20 =	vmul.f32 v21, v20;
	_ =	sdelay $0x1  }
0x26a: {  	v19 =	vmul.f32 v20, v19;
	_ =	sdelay $0x1  }
0x26b: {  	v19 =	vmax.f32 v19, $9.999999960e-13  }
0x26c: {  	(erf) = vrcp.f32 v19;
	_ =	sdelay $0x4  }
0x26d: {  	v25 =	vld [tilespmem:$0x180];
	_ =	sdelay $0x3  }
0x26e: {  	v26 =	vpop (erf)  }
0x26f: {  	v27 =	vshll.u32 v25, $0x2;
	v12 =	vmul.f32 v26, v12  }
0x270: {  	v21 =	vand.u32 $0xFFFFFFE0, v27;
	v19 =	vand.u32 $0x7, v25;
	v13 =	vmul.f32 v26, v13  }
0x271: {  	v29 =	vor.u32 v19, v21;
	v28 =	vmul.f32 v26, v14;
	[tilespmem:$0x10900] =	vst v12  }
0x272: {  	v31 =	vperm.xlane v29, v0;
	v30 =	vmul.f32 v26, v15;
	[tilespmem:$0x10910] =	vst v13  }
0x273: {  	v32 =	vmul.f32 v26, v16;
	[tilespmem:$0x10920] =	vst v28  }
0x274: {  	v33 =	vmul.f32 v26, v17;
	v15 =	vadd.s32 v1, v31;
	[tilespmem:$0x10930] =	vst v30  }
0x275: {  	v34 =	vmul.f32 v26, v18;
	[tilespmem:$0x10940] =	vst v32  }
0x276: {  	v35 =	vperm.xlane v29, v2;
	v11 =	vmul.f32 v26, v11;
	[tilespmem:$0x10950] =	vst v33  }
0x277: {  	[tilespmem:$0x10960] =	vst v34  }
0x278: {  	[tilespmem:$0x10970] =	vst v11;
	v11 =	vadd.s32 v1, v35  }
0x279: {  	[tilespmem:s7], [sflag:$0x1] =	stream.indirect_vreg.gather [hbm4b:s2+s3], $0x80, v15, vm0, $0xb8;
	[tilespmem:$0x10C80] =	vst v63  }
0x27a: {  	s21 =	simm.s32 $0x1000  }
0x27b: {  	[tilespmem:s21], [sflag:$0x1] =	stream.indirect_vreg.gather [hbm4b:s4+s3], $0x80, v15, vm0, $0xb8;
	[tilespmem:$0x10C80] =	vst v63  }
0x27c: {  	s22 =	simm.s32 $0x1800  }
0x27d: {  	[tilespmem:s22], [sflag:$0x1] =	stream.indirect_vreg.gather [hbm4b:s2+s3], $0x80, v11, vm0, $0xb8;
	[tilespmem:$0x10C80] =	vst v63  }
0x27e: {  	s20 =	simm.s32 $0x2000  }
0x27f: {  	[tilespmem:s20], [sflag:$0x1] =	stream.indirect_vreg.gather [hbm4b:s4+s3], $0x80, v11, vm0, $0xb8;
	[tilespmem:$0x10C80] =	vst v63  }
0x280: {  	v11 =	vld [tilespmem:$0x190];
	_ =	sdelay $0x4  }
0x281: {  	v36 =	vshll.u32 v11, $0x2  }
0x282: {  	v11 =	vand.u32 $0x7, v11;
	v12 =	vand.u32 $0xFFFFFFE0, v36  }
0x283: {  	v11 =	vor.u32 v11, v12  }
0x284: {  	v12 =	vperm.xlane v11, v0;
	_ =	sdelay $0x1  }
0x285: {  	v12 =	vadd.s32 v1, v12;
	_ =	sdelay $0x1  }
0x286: {  	v11 =	vperm.xlane v11, v2;
	_ =	sdelay $0x1  }
0x287: {  	s22 =	simm.s32 $0x2800;
	v11 =	vadd.s32 v1, v11  }
0x288: {  	[tilespmem:s22], [sflag:$0x1] =	stream.indirect_vreg.gather [hbm4b:s2+s3], $0x80, v12, vm0, $0xb8;
	[tilespmem:$0x10C80] =	vst v63  }
0x289: {  	s22 =	simm.s32 $0x3000  }
0x28a: {  	[tilespmem:s22], [sflag:$0x1] =	stream.indirect_vreg.gather [hbm4b:s4+s3], $0x80, v12, vm0, $0xb8;
	[tilespmem:$0x10C80] =	vst v63  }
0x28b: {  	s22 =	simm.s32 $0x3800  }
0x28c: {  	[tilespmem:s22], [sflag:$0x1] =	stream.indirect_vreg.gather [hbm4b:s2+s3], $0x80, v11, vm0, $0xb8;
	[tilespmem:$0x10C80] =	vst v63  }
0x28d: {  	s22 =	simm.s32 $0x4000  }
0x28e: {  	[tilespmem:s22], [sflag:$0x1] =	stream.indirect_vreg.gather [hbm4b:s4+s3], $0x80, v11, vm0, $0xb8;
	[tilespmem:$0x10C80] =	vst v63  }
0x28f: {  	v11 =	vld [tilespmem:$0x1A0];
	_ =	sdelay $0x4  }
0x290: {  	v37 =	vshll.u32 v11, $0x2  }
0x291: {  	v11 =	vand.u32 $0x7, v11;
	v12 =	vand.u32 $0xFFFFFFE0, v37  }
0x292: {  	v11 =	vor.u32 v11, v12  }
0x293: {  	v12 =	vperm.xlane v11, v0;
	_ =	sdelay $0x1  }
0x294: {  	v12 =	vadd.s32 v1, v12;
	_ =	sdelay $0x1  }
0x295: {  	v11 =	vperm.xlane v11, v2;
	_ =	sdelay $0x1  }
0x296: {  	s22 =	simm.s32 $0x4800;
	v11 =	vadd.s32 v1, v11  }
0x297: {  	[tilespmem:s22], [sflag:$0x1] =	stream.indirect_vreg.gather [hbm4b:s2+s3], $0x80, v12, vm0, $0xb8;
	[tilespmem:$0x10C80] =	vst v63  }
0x298: {  	s23 =	simm.s32 $0x5000  }
0x299: {  	[tilespmem:s23], [sflag:$0x1] =	stream.indirect_vreg.gather [hbm4b:s4+s3], $0x80, v12, vm0, $0xb8;
	[tilespmem:$0x10C80] =	vst v63  }
0x29a: {  	s24 =	simm.s32 $0x5800  }
0x29b: {  	[tilespmem:s24], [sflag:$0x1] =	stream.indirect_vreg.gather [hbm4b:s2+s3], $0x80, v11, vm0, $0xb8;
	[tilespmem:$0x10C80] =	vst v63  }
0x29c: {  	s25 =	simm.s32 $0x6000  }
0x29d: {  	[tilespmem:s25], [sflag:$0x1] =	stream.indirect_vreg.gather [hbm4b:s4+s3], $0x80, v11, vm0, $0xb8;
	[tilespmem:$0x10C80] =	vst v63  }
0x29e: {  	v11 =	vld [tilespmem:$0x1B0];
	_ =	sdelay $0x4  }
0x29f: {  	v38 =	vshll.u32 v11, $0x2  }
0x2a0: {  	v11 =	vand.u32 $0x7, v11;
	v12 =	vand.u32 $0xFFFFFFE0, v38  }
0x2a1: {  	v11 =	vor.u32 v11, v12  }
0x2a2: {  	v12 =	vperm.xlane v11, v0;
	_ =	sdelay $0x1  }
0x2a3: {  	v12 =	vadd.s32 v1, v12;
	_ =	sdelay $0x1  }
0x2a4: {  	v11 =	vperm.xlane v11, v2;
	_ =	sdelay $0x1  }
0x2a5: {  	s26 =	simm.s32 $0x6800;
	v11 =	vadd.s32 v1, v11  }
0x2a6: {  	[tilespmem:s26], [sflag:$0x1] =	stream.indirect_vreg.gather [hbm4b:s2+s3], $0x80, v12, vm0, $0xb8;
	[tilespmem:$0x10C80] =	vst v63  }
0x2a7: {  	s28 =	simm.s32 $0x7000  }
0x2a8: {  	[tilespmem:s28], [sflag:$0x1] =	stream.indirect_vreg.gather [hbm4b:s4+s3], $0x80, v12, vm0, $0xb8;
	[tilespmem:$0x10C80] =	vst v63  }
0x2a9: {  	s29 =	simm.s32 $0x7800  }
0x2aa: {  	[tilespmem:s29], [sflag:$0x1] =	stream.indirect_vreg.gather [hbm4b:s2+s3], $0x80, v11, vm0, $0xb8;
	[tilespmem:$0x10C80] =	vst v63  }
0x2ab: {  	s28 =	simm.s32 $0x8000  }
0x2ac: {  	[tilespmem:s28], [sflag:$0x1] =	stream.indirect_vreg.gather [hbm4b:s4+s3], $0x80, v11, vm0, $0xb8;
	[tilespmem:$0x10C80] =	vst v63  }
0x2ad: {  	v11 =	vld [tilespmem:$0x1C0];
	_ =	sdelay $0x4  }
0x2ae: {  	v39 =	vshll.u32 v11, $0x2  }
0x2af: {  	v11 =	vand.u32 $0x7, v11;
	v12 =	vand.u32 $0xFFFFFFE0, v39  }
0x2b0: {  	v11 =	vor.u32 v11, v12  }
0x2b1: {  	v12 =	vperm.xlane v11, v0;
	_ =	sdelay $0x1  }
0x2b2: {  	v12 =	vadd.s32 v1, v12;
	_ =	sdelay $0x1  }
0x2b3: {  	v11 =	vperm.xlane v11, v2;
	_ =	sdelay $0x1  }
0x2b4: {  	s28 =	simm.s32 $0x8800;
	v11 =	vadd.s32 v1, v11  }
0x2b5: {  	[tilespmem:s28], [sflag:$0x1] =	stream.indirect_vreg.gather [hbm4b:s2+s3], $0x80, v12, vm0, $0xb8;
	[tilespmem:$0x10C80] =	vst v63  }
0x2b6: {  	s31 =	simm.s32 $0x9000  }
0x2b7: {  	[tilespmem:s31], [sflag:$0x1] =	stream.indirect_vreg.gather [hbm4b:s4+s3], $0x80, v12, vm0, $0xb8;
	[tilespmem:$0x10C80] =	vst v63  }
0x2b8: {  	s30 =	simm.s32 $0x9800  }
0x2b9: {  	[tilespmem:s30], [sflag:$0x1] =	stream.indirect_vreg.gather [hbm4b:s2+s3], $0x80, v11, vm0, $0xb8;
	[tilespmem:$0x10C80] =	vst v63  }
0x2ba: {  	s1 =	simm.s32 $0xA000  }
0x2bb: {  	[tilespmem:s1], [sflag:$0x1] =	stream.indirect_vreg.gather [hbm4b:s4+s3], $0x80, v11, vm0, $0xb8;
	[tilespmem:$0x10C80] =	vst v63  }
0x2bc: {  	v11 =	vld [tilespmem:$0x1D0];
	_ =	sdelay $0x4  }
0x2bd: {  	v40 =	vshll.u32 v11, $0x2  }
0x2be: {  	v11 =	vand.u32 $0x7, v11;
	v12 =	vand.u32 $0xFFFFFFE0, v40  }
0x2bf: {  	v11 =	vor.u32 v11, v12  }
0x2c0: {  	v12 =	vperm.xlane v11, v0;
	_ =	sdelay $0x1  }
0x2c1: {  	v12 =	vadd.s32 v1, v12;
	_ =	sdelay $0x1  }
0x2c2: {  	v11 =	vperm.xlane v11, v2;
	_ =	sdelay $0x1  }
0x2c3: {  	s16 =	simm.s32 $0xA800;
	v11 =	vadd.s32 v1, v11  }
0x2c4: {  	[tilespmem:s16], [sflag:$0x1] =	stream.indirect_vreg.gather [hbm4b:s2+s3], $0x80, v12, vm0, $0xb8;
	[tilespmem:$0x10C80] =	vst v63  }
0x2c5: {  	s17 =	simm.s32 $0xB000  }
0x2c6: {  	[tilespmem:s17], [sflag:$0x1] =	stream.indirect_vreg.gather [hbm4b:s4+s3], $0x80, v12, vm0, $0xb8;
	[tilespmem:$0x10C80] =	vst v63  }
0x2c7: {  	s11 =	simm.s32 $0xB800  }
0x2c8: {  	[tilespmem:s11], [sflag:$0x1] =	stream.indirect_vreg.gather [hbm4b:s2+s3], $0x80, v11, vm0, $0xb8;
	[tilespmem:$0x10C80] =	vst v63  }
0x2c9: {  	s12 =	simm.s32 $0xC000  }
0x2ca: {  	[tilespmem:s12], [sflag:$0x1] =	stream.indirect_vreg.gather [hbm4b:s4+s3], $0x80, v11, vm0, $0xb8;
	[tilespmem:$0x10C80] =	vst v63  }
0x2cb: {  	v11 =	vld [tilespmem:$0x1E0];
	_ =	sdelay $0x4  }
0x2cc: {  	v41 =	vshll.u32 v11, $0x2  }
0x2cd: {  	v11 =	vand.u32 $0x7, v11;
	v12 =	vand.u32 $0xFFFFFFE0, v41  }
0x2ce: {  	v11 =	vor.u32 v11, v12  }
0x2cf: {  	v12 =	vperm.xlane v11, v0;
	_ =	sdelay $0x1  }
0x2d0: {  	v12 =	vadd.s32 v1, v12;
	_ =	sdelay $0x1  }
0x2d1: {  	v11 =	vperm.xlane v11, v2;
	_ =	sdelay $0x1  }
0x2d2: {  	s13 =	simm.s32 $0xC800;
	v11 =	vadd.s32 v1, v11  }
0x2d3: {  	[tilespmem:s13], [sflag:$0x1] =	stream.indirect_vreg.gather [hbm4b:s2+s3], $0x80, v12, vm0, $0xb8;
	[tilespmem:$0x10C80] =	vst v63  }
0x2d4: {  	s15 =	simm.s32 $0xD000  }
0x2d5: {  	[tilespmem:s15], [sflag:$0x1] =	stream.indirect_vreg.gather [hbm4b:s4+s3], $0x80, v12, vm0, $0xb8;
	[tilespmem:$0x10C80] =	vst v63  }
0x2d6: {  	s18 =	simm.s32 $0xD800  }
0x2d7: {  	[tilespmem:s18], [sflag:$0x1] =	stream.indirect_vreg.gather [hbm4b:s2+s3], $0x80, v11, vm0, $0xb8;
	[tilespmem:$0x10C80] =	vst v63  }
0x2d8: {  	s10 =	simm.s32 $0xE000  }
0x2d9: {  	[tilespmem:s10], [sflag:$0x1] =	stream.indirect_vreg.gather [hbm4b:s4+s3], $0x80, v11, vm0, $0xb8;
	[tilespmem:$0x10C80] =	vst v63  }
0x2da: {  	v11 =	vld [tilespmem:$0x1F0];
	_ =	sdelay $0x4  }
0x2db: {  	v42 =	vshll.u32 v11, $0x2  }
0x2dc: {  	v11 =	vand.u32 $0x7, v11;
	v12 =	vand.u32 $0xFFFFFFE0, v42  }
0x2dd: {  	v11 =	vor.u32 v11, v12  }
0x2de: {  	v12 =	vperm.xlane v11, v0;
	_ =	sdelay $0x1  }
0x2df: {  	v12 =	vadd.s32 v1, v12;
	_ =	sdelay $0x1  }
0x2e0: {  	v11 =	vperm.xlane v11, v2;
	_ =	sdelay $0x1  }
0x2e1: {  	s5 =	simm.s32 $0xE800;
	v11 =	vadd.s32 v1, v11  }
0x2e2: {  	[tilespmem:s5], [sflag:$0x1] =	stream.indirect_vreg.gather [hbm4b:s2+s3], $0x80, v12, vm0, $0xb8;
	[tilespmem:$0x10C80] =	vst v63  }
0x2e3: {  	s8 =	simm.s32 $0xF000  }
0x2e4: {  	[tilespmem:s8], [sflag:$0x1] =	stream.indirect_vreg.gather [hbm4b:s4+s3], $0x80, v12, vm0, $0xb8;
	[tilespmem:$0x10C80] =	vst v63  }
0x2e5: {  	s0 =	simm.s32 $0xF800  }
0x2e6: {  	[tilespmem:s0], [sflag:$0x1] =	stream.indirect_vreg.gather [hbm4b:s2+s3], $0x80, v11, vm0, $0xb8;
	[tilespmem:$0x10C80] =	vst v63  }
0x2e7: {  	s6 =	simm.s32 $0x10000  }
0x2e8: {  	[tilespmem:s6], [sflag:$0x1] =	stream.indirect_vreg.gather [hbm4b:s4+s3], $0x80, v11, vm0, $0xb8;
	[tilespmem:$0x10C80] =	vst v63  }
0x2e9: {  	_ =	swait.ge [sflag:s14], $0x10000  }
0x2ea: {  	[sflag:s14] =	ssyncset.done $0x0  }
0x2eb: {  	[sflag:s14] =	ssyncadd.s32 $0xFFFF0000  }
0x2ec: {  	v11 =	vld [tilespmem:$0x580];
	_ =	sdelay $0x4  }
0x2ed: {  	v43 =	vshll.u32 v11, $0x3  }
0x2ee: {  	v11 =	vand.u32 $0x7F, v11;
	v12 =	vand.u32 $0xFFFFFC00, v43  }
0x2ef: {  	v11 =	vor.u32 v11, v12  }
0x2f0: {  	v12 =	vadd.s32 v3, v11  }
0x2f1: {  	v44 =	vadd.s32 v4, v11;
	_ =	sdelay $0x1  }
0x2f2: {  	v45 =	vadd.s32 v5, v11;
	_ =	sdelay $0x1  }
0x2f3: {  	v46 =	vadd.s32 v6, v11;
	v12 =	vld.idx.msk [tilespmem:v12+s7+$0x0], $0xffff  }
0x2f4: {  	v13 =	vld.idx.msk [tilespmem:v44+s7+$0x0], $0xffff  }
0x2f5: {  	v47 =	vadd.s32 v7, v11  }
0x2f6: {  	v14 =	vld.idx.msk [tilespmem:v45+s7+$0x0], $0xffff  }
0x2f7: {  	v48 =	vadd.s32 v8, v11  }
0x2f8: {  	v15 =	vld.idx.msk [tilespmem:v46+s7+$0x0], $0xffff  }
0x2f9: {  	v49 =	vadd.s32 v9, v11;
	v50 =	vmul.f32 v12, v12;
	v51 =	vmul.f32 v13, v13  }
0x2fa: {  	v16 =	vld.idx.msk [tilespmem:v47+s7+$0x0], $0xffff  }
0x2fb: {  	v11 =	vadd.s32 v10, v11;
	v52 =	vmul.f32 v14, v14;
	v19 =	vadd.f32 v51, v50  }
0x2fc: {  	v17 =	vld.idx.msk [tilespmem:v48+s7+$0x0], $0xffff  }
0x2fd: {  	v53 =	vmul.f32 v15, v15;
	v19 =	vadd.f32 v52, v19  }
0x2fe: {  	v18 =	vld.idx.msk [tilespmem:v49+s7+$0x0], $0xffff  }
0x2ff: {  	v54 =	vmul.f32 v16, v16;
	v19 =	vadd.f32 v53, v19  }
0x300: {  	v11 =	vld.idx.msk [tilespmem:v11+s7+$0x0], $0xffff  }
0x301: {  	v55 =	vmul.f32 v17, v17;
	v19 =	vadd.f32 v54, v19;
	_ =	sdelay $0x1  }
0x302: {  	v56 =	vmul.f32 v18, v18;
	v19 =	vadd.f32 v55, v19;
	_ =	sdelay $0x1  }
0x303: {  	v57 =	vmul.f32 v11, v11;
	v19 =	vadd.f32 v56, v19;
	_ =	sdelay $0x1  }
0x304: {  	v19 =	vadd.f32 v57, v19;
	_ =	sdelay $0x1  }
0x305: {  	[tilespmem:$0x10C00] =	vst v19  }
0x306: {  	[tilespmem:$0x10C10] =	vst v19  }
0x307: {  	v58 =	vld [tilespmem:$0x10C08];
	_ =	sdelay $0x4  }
0x308: {  	v19 =	vadd.f32 v58, v19;
	_ =	sdelay $0x1  }
0x309: {  	[tilespmem:$0x10C00] =	vst v19  }
0x30a: {  	[tilespmem:$0x10C10] =	vst v19  }
0x30b: {  	v59 =	vld [tilespmem:$0x10C04];
	_ =	sdelay $0x4  }
0x30c: {  	v19 =	vadd.f32 v59, v19;
	_ =	sdelay $0x1  }
0x30d: {  	[tilespmem:$0x10C00] =	vst v19  }
0x30e: {  	[tilespmem:$0x10C10] =	vst v19  }
0x30f: {  	v60 =	vld [tilespmem:$0x10C02];
	_ =	sdelay $0x4  }
0x310: {  	v19 =	vadd.f32 v60, v19;
	_ =	sdelay $0x1  }
0x311: {  	[tilespmem:$0x10C00] =	vst v19  }
0x312: {  	[tilespmem:$0x10C10] =	vst v19  }
0x313: {  	v61 =	vld [tilespmem:$0x10C01];
	_ =	sdelay $0x4  }
0x314: {  	v19 =	vadd.f32 v61, v19;
	_ =	sdelay $0x1  }
0x315: {  	v20 =	vshra.s32 v19, $0x1;
	v62 =	vmul.f32 $5.000000000e-01, v19  }
0x316: {  	v20 =	vsub.s32 $0x5F3759DF, v20  }
0x317: {  	v63 =	vmul.f32 v20, v62;
	_ =	sdelay $0x1  }
0x318: {  	v22 =	vmul.f32 v20, v63;
	_ =	sdelay $0x1  }
0x319: {  	v22 =	vsub.f32 $1.500000000e+00, v22;
	_ =	sdelay $0x1  }
0x31a: {  	v20 =	vmul.f32 v20, v22;
	_ =	sdelay $0x1  }
0x31b: {  	v22 =	vmul.f32 v20, v62;
	_ =	sdelay $0x1  }
0x31c: {  	v22 =	vmul.f32 v22, v20;
	_ =	sdelay $0x1  }
0x31d: {  	v22 =	vsub.f32 $1.500000000e+00, v22;
	_ =	sdelay $0x1  }
0x31e: {  	v20 =	vmul.f32 v22, v20;
	_ =	sdelay $0x1  }
0x31f: {  	v21 =	vmul.f32 v20, v62;
	_ =	sdelay $0x1  }
0x320: {  	v21 =	vmul.f32 v21, v20;
	_ =	sdelay $0x1  }
0x321: {  	v21 =	vsub.f32 $1.500000000e+00, v21;
	_ =	sdelay $0x1  }
0x322: {  	v20 =	vmul.f32 v21, v20;
	_ =	sdelay $0x1  }
0x323: {  	v19 =	vmul.f32 v20, v19;
	_ =	sdelay $0x1  }
0x324: {  	v19 =	vmax.f32 v19, $9.999999960e-13  }
0x325: {  	(erf) = vrcp.f32 v19;
	_ =	sdelay $0x4  }
0x326: {  	v24 =	vld [tilespmem:$0x200];
	_ =	sdelay $0x3  }
0x327: {  	v25 =	vpop (erf)  }
0x328: {  	v26 =	vshll.u32 v24, $0x2;
	v12 =	vmul.f32 v25, v12  }
0x329: {  	v21 =	vand.u32 $0xFFFFFFE0, v26;
	v19 =	vand.u32 $0x7, v24;
	v13 =	vmul.f32 v25, v13  }
0x32a: {  	v28 =	vor.u32 v19, v21;
	v27 =	vmul.f32 v25, v14;
	[tilespmem:$0x10980] =	vst v12  }
0x32b: {  	v30 =	vperm.xlane v28, v0;
	v29 =	vmul.f32 v25, v15;
	[tilespmem:$0x10990] =	vst v13  }
0x32c: {  	v31 =	vmul.f32 v25, v16;
	[tilespmem:$0x109A0] =	vst v27  }
0x32d: {  	v32 =	vmul.f32 v25, v17;
	v15 =	vadd.s32 v1, v30;
	[tilespmem:$0x109B0] =	vst v29  }
0x32e: {  	v33 =	vmul.f32 v25, v18;
	[tilespmem:$0x109C0] =	vst v31  }
0x32f: {  	v34 =	vperm.xlane v28, v2;
	v11 =	vmul.f32 v25, v11;
	[tilespmem:$0x109D0] =	vst v32  }
0x330: {  	[tilespmem:$0x109E0] =	vst v33  }
0x331: {  	[tilespmem:$0x109F0] =	vst v11;
	v11 =	vadd.s32 v1, v34  }
0x332: {  	[tilespmem:s7], [sflag:$0x1] =	stream.indirect_vreg.gather [hbm4b:s2+s3], $0x80, v15, vm0, $0xb8;
	[tilespmem:$0x10C80] =	vst v63  }
0x333: {  	s9 =	simm.s32 $0x1000  }
0x334: {  	[tilespmem:s9], [sflag:$0x1] =	stream.indirect_vreg.gather [hbm4b:s4+s3], $0x80, v15, vm0, $0xb8;
	[tilespmem:$0x10C80] =	vst v63  }
0x335: {  	s21 =	simm.s32 $0x1800  }
0x336: {  	[tilespmem:s21], [sflag:$0x1] =	stream.indirect_vreg.gather [hbm4b:s2+s3], $0x80, v11, vm0, $0xb8;
	[tilespmem:$0x10C80] =	vst v63  }
0x337: {  	s20 =	simm.s32 $0x2000  }
0x338: {  	[tilespmem:s20], [sflag:$0x1] =	stream.indirect_vreg.gather [hbm4b:s4+s3], $0x80, v11, vm0, $0xb8;
	[tilespmem:$0x10C80] =	vst v63  }
0x339: {  	v11 =	vld [tilespmem:$0x210];
	_ =	sdelay $0x4  }
0x33a: {  	v35 =	vshll.u32 v11, $0x2  }
0x33b: {  	v11 =	vand.u32 $0x7, v11;
	v12 =	vand.u32 $0xFFFFFFE0, v35  }
0x33c: {  	v11 =	vor.u32 v11, v12  }
0x33d: {  	v12 =	vperm.xlane v11, v0;
	_ =	sdelay $0x1  }
0x33e: {  	v12 =	vadd.s32 v1, v12;
	_ =	sdelay $0x1  }
0x33f: {  	v11 =	vperm.xlane v11, v2;
	_ =	sdelay $0x1  }
0x340: {  	s21 =	simm.s32 $0x2800;
	v11 =	vadd.s32 v1, v11  }
0x341: {  	[tilespmem:s21], [sflag:$0x1] =	stream.indirect_vreg.gather [hbm4b:s2+s3], $0x80, v12, vm0, $0xb8;
	[tilespmem:$0x10C80] =	vst v63  }
0x342: {  	s21 =	simm.s32 $0x3000  }
0x343: {  	[tilespmem:s21], [sflag:$0x1] =	stream.indirect_vreg.gather [hbm4b:s4+s3], $0x80, v12, vm0, $0xb8;
	[tilespmem:$0x10C80] =	vst v63  }
0x344: {  	s21 =	simm.s32 $0x3800  }
0x345: {  	[tilespmem:s21], [sflag:$0x1] =	stream.indirect_vreg.gather [hbm4b:s2+s3], $0x80, v11, vm0, $0xb8;
	[tilespmem:$0x10C80] =	vst v63  }
0x346: {  	s21 =	simm.s32 $0x4000  }
0x347: {  	[tilespmem:s21], [sflag:$0x1] =	stream.indirect_vreg.gather [hbm4b:s4+s3], $0x80, v11, vm0, $0xb8;
	[tilespmem:$0x10C80] =	vst v63  }
0x348: {  	v11 =	vld [tilespmem:$0x220];
	_ =	sdelay $0x4  }
0x349: {  	v36 =	vshll.u32 v11, $0x2  }
0x34a: {  	v11 =	vand.u32 $0x7, v11;
	v12 =	vand.u32 $0xFFFFFFE0, v36  }
0x34b: {  	v11 =	vor.u32 v11, v12  }
0x34c: {  	v12 =	vperm.xlane v11, v0;
	_ =	sdelay $0x1  }
0x34d: {  	v12 =	vadd.s32 v1, v12;
	_ =	sdelay $0x1  }
0x34e: {  	v11 =	vperm.xlane v11, v2;
	_ =	sdelay $0x1  }
0x34f: {  	s21 =	simm.s32 $0x4800;
	v11 =	vadd.s32 v1, v11  }
0x350: {  	[tilespmem:s21], [sflag:$0x1] =	stream.indirect_vreg.gather [hbm4b:s2+s3], $0x80, v12, vm0, $0xb8;
	[tilespmem:$0x10C80] =	vst v63  }
0x351: {  	s22 =	simm.s32 $0x5000  }
0x352: {  	[tilespmem:s22], [sflag:$0x1] =	stream.indirect_vreg.gather [hbm4b:s4+s3], $0x80, v12, vm0, $0xb8;
	[tilespmem:$0x10C80] =	vst v63  }
0x353: {  	s23 =	simm.s32 $0x5800  }
0x354: {  	[tilespmem:s23], [sflag:$0x1] =	stream.indirect_vreg.gather [hbm4b:s2+s3], $0x80, v11, vm0, $0xb8;
	[tilespmem:$0x10C80] =	vst v63  }
0x355: {  	s24 =	simm.s32 $0x6000  }
0x356: {  	[tilespmem:s24], [sflag:$0x1] =	stream.indirect_vreg.gather [hbm4b:s4+s3], $0x80, v11, vm0, $0xb8;
	[tilespmem:$0x10C80] =	vst v63  }
0x357: {  	v11 =	vld [tilespmem:$0x230];
	_ =	sdelay $0x4  }
0x358: {  	v37 =	vshll.u32 v11, $0x2  }
0x359: {  	v11 =	vand.u32 $0x7, v11;
	v12 =	vand.u32 $0xFFFFFFE0, v37  }
0x35a: {  	v11 =	vor.u32 v11, v12  }
0x35b: {  	v12 =	vperm.xlane v11, v0;
	_ =	sdelay $0x1  }
0x35c: {  	v12 =	vadd.s32 v1, v12;
	_ =	sdelay $0x1  }
0x35d: {  	v11 =	vperm.xlane v11, v2;
	_ =	sdelay $0x1  }
0x35e: {  	s25 =	simm.s32 $0x6800;
	v11 =	vadd.s32 v1, v11  }
0x35f: {  	[tilespmem:s25], [sflag:$0x1] =	stream.indirect_vreg.gather [hbm4b:s2+s3], $0x80, v12, vm0, $0xb8;
	[tilespmem:$0x10C80] =	vst v63  }
0x360: {  	s26 =	simm.s32 $0x7000  }
0x361: {  	[tilespmem:s26], [sflag:$0x1] =	stream.indirect_vreg.gather [hbm4b:s4+s3], $0x80, v12, vm0, $0xb8;
	[tilespmem:$0x10C80] =	vst v63  }
0x362: {  	s29 =	simm.s32 $0x7800  }
0x363: {  	[tilespmem:s29], [sflag:$0x1] =	stream.indirect_vreg.gather [hbm4b:s2+s3], $0x80, v11, vm0, $0xb8;
	[tilespmem:$0x10C80] =	vst v63  }
0x364: {  	s19 =	simm.s32 $0x8000  }
0x365: {  	[tilespmem:s19], [sflag:$0x1] =	stream.indirect_vreg.gather [hbm4b:s4+s3], $0x80, v11, vm0, $0xb8;
	[tilespmem:$0x10C80] =	vst v63  }
0x366: {  	v11 =	vld [tilespmem:$0x240];
	_ =	sdelay $0x4  }
0x367: {  	v38 =	vshll.u32 v11, $0x2  }
0x368: {  	v11 =	vand.u32 $0x7, v11;
	v12 =	vand.u32 $0xFFFFFFE0, v38  }
0x369: {  	v11 =	vor.u32 v11, v12  }
0x36a: {  	v12 =	vperm.xlane v11, v0;
	_ =	sdelay $0x1  }
0x36b: {  	v12 =	vadd.s32 v1, v12;
	_ =	sdelay $0x1  }
0x36c: {  	v11 =	vperm.xlane v11, v2;
	_ =	sdelay $0x1  }
0x36d: {  	s29 =	simm.s32 $0x8800;
	v11 =	vadd.s32 v1, v11  }
0x36e: {  	[tilespmem:s29], [sflag:$0x1] =	stream.indirect_vreg.gather [hbm4b:s2+s3], $0x80, v12, vm0, $0xb8;
	[tilespmem:$0x10C80] =	vst v63  }
0x36f: {  	s31 =	simm.s32 $0x9000  }
0x370: {  	[tilespmem:s31], [sflag:$0x1] =	stream.indirect_vreg.gather [hbm4b:s4+s3], $0x80, v12, vm0, $0xb8;
	[tilespmem:$0x10C80] =	vst v63  }
0x371: {  	s30 =	simm.s32 $0x9800  }
0x372: {  	[tilespmem:s30], [sflag:$0x1] =	stream.indirect_vreg.gather [hbm4b:s2+s3], $0x80, v11, vm0, $0xb8;
	[tilespmem:$0x10C80] =	vst v63  }
0x373: {  	s28 =	simm.s32 $0xA000  }
0x374: {  	[tilespmem:s28], [sflag:$0x1] =	stream.indirect_vreg.gather [hbm4b:s4+s3], $0x80, v11, vm0, $0xb8;
	[tilespmem:$0x10C80] =	vst v63  }
0x375: {  	v11 =	vld [tilespmem:$0x250];
	_ =	sdelay $0x4  }
0x376: {  	v39 =	vshll.u32 v11, $0x2  }
0x377: {  	v11 =	vand.u32 $0x7, v11;
	v12 =	vand.u32 $0xFFFFFFE0, v39  }
0x378: {  	v11 =	vor.u32 v11, v12  }
0x379: {  	v12 =	vperm.xlane v11, v0;
	_ =	sdelay $0x1  }
0x37a: {  	v12 =	vadd.s32 v1, v12;
	_ =	sdelay $0x1  }
0x37b: {  	v11 =	vperm.xlane v11, v2;
	_ =	sdelay $0x1  }
0x37c: {  	s1 =	simm.s32 $0xA800;
	v11 =	vadd.s32 v1, v11  }
0x37d: {  	[tilespmem:s1], [sflag:$0x1] =	stream.indirect_vreg.gather [hbm4b:s2+s3], $0x80, v12, vm0, $0xb8;
	[tilespmem:$0x10C80] =	vst v63  }
0x37e: {  	s17 =	simm.s32 $0xB000  }
0x37f: {  	[tilespmem:s17], [sflag:$0x1] =	stream.indirect_vreg.gather [hbm4b:s4+s3], $0x80, v12, vm0, $0xb8;
	[tilespmem:$0x10C80] =	vst v63  }
0x380: {  	s16 =	simm.s32 $0xB800  }
0x381: {  	[tilespmem:s16], [sflag:$0x1] =	stream.indirect_vreg.gather [hbm4b:s2+s3], $0x80, v11, vm0, $0xb8;
	[tilespmem:$0x10C80] =	vst v63  }
0x382: {  	s12 =	simm.s32 $0xC000  }
0x383: {  	[tilespmem:s12], [sflag:$0x1] =	stream.indirect_vreg.gather [hbm4b:s4+s3], $0x80, v11, vm0, $0xb8;
	[tilespmem:$0x10C80] =	vst v63  }
0x384: {  	v11 =	vld [tilespmem:$0x260];
	_ =	sdelay $0x4  }
0x385: {  	v40 =	vshll.u32 v11, $0x2  }
0x386: {  	v11 =	vand.u32 $0x7, v11;
	v12 =	vand.u32 $0xFFFFFFE0, v40  }
0x387: {  	v11 =	vor.u32 v11, v12  }
0x388: {  	v12 =	vperm.xlane v11, v0;
	_ =	sdelay $0x1  }
0x389: {  	v12 =	vadd.s32 v1, v12;
	_ =	sdelay $0x1  }
0x38a: {  	v11 =	vperm.xlane v11, v2;
	_ =	sdelay $0x1  }
0x38b: {  	s13 =	simm.s32 $0xC800;
	v11 =	vadd.s32 v1, v11  }
0x38c: {  	[tilespmem:s13], [sflag:$0x1] =	stream.indirect_vreg.gather [hbm4b:s2+s3], $0x80, v12, vm0, $0xb8;
	[tilespmem:$0x10C80] =	vst v63  }
0x38d: {  	s15 =	simm.s32 $0xD000  }
0x38e: {  	[tilespmem:s15], [sflag:$0x1] =	stream.indirect_vreg.gather [hbm4b:s4+s3], $0x80, v12, vm0, $0xb8;
	[tilespmem:$0x10C80] =	vst v63  }
0x38f: {  	s18 =	simm.s32 $0xD800  }
0x390: {  	[tilespmem:s18], [sflag:$0x1] =	stream.indirect_vreg.gather [hbm4b:s2+s3], $0x80, v11, vm0, $0xb8;
	[tilespmem:$0x10C80] =	vst v63  }
0x391: {  	s11 =	simm.s32 $0xE000  }
0x392: {  	[tilespmem:s11], [sflag:$0x1] =	stream.indirect_vreg.gather [hbm4b:s4+s3], $0x80, v11, vm0, $0xb8;
	[tilespmem:$0x10C80] =	vst v63  }
0x393: {  	v11 =	vld [tilespmem:$0x270];
	_ =	sdelay $0x4  }
0x394: {  	v41 =	vshll.u32 v11, $0x2  }
0x395: {  	v11 =	vand.u32 $0x7, v11;
	v12 =	vand.u32 $0xFFFFFFE0, v41  }
0x396: {  	v11 =	vor.u32 v11, v12  }
0x397: {  	v12 =	vperm.xlane v11, v0;
	_ =	sdelay $0x1  }
0x398: {  	v12 =	vadd.s32 v1, v12;
	_ =	sdelay $0x1  }
0x399: {  	v11 =	vperm.xlane v11, v2;
	_ =	sdelay $0x1  }
0x39a: {  	s10 =	simm.s32 $0xE800;
	v11 =	vadd.s32 v1, v11  }
0x39b: {  	[tilespmem:s10], [sflag:$0x1] =	stream.indirect_vreg.gather [hbm4b:s2+s3], $0x80, v12, vm0, $0xb8;
	[tilespmem:$0x10C80] =	vst v63  }
0x39c: {  	s8 =	simm.s32 $0xF000  }
0x39d: {  	[tilespmem:s8], [sflag:$0x1] =	stream.indirect_vreg.gather [hbm4b:s4+s3], $0x80, v12, vm0, $0xb8;
	[tilespmem:$0x10C80] =	vst v63  }
0x39e: {  	s0 =	simm.s32 $0xF800  }
0x39f: {  	[tilespmem:s0], [sflag:$0x1] =	stream.indirect_vreg.gather [hbm4b:s2+s3], $0x80, v11, vm0, $0xb8;
	[tilespmem:$0x10C80] =	vst v63  }
0x3a0: {  	s5 =	simm.s32 $0x10000  }
0x3a1: {  	[tilespmem:s5], [sflag:$0x1] =	stream.indirect_vreg.gather [hbm4b:s4+s3], $0x80, v11, vm0, $0xb8;
	[tilespmem:$0x10C80] =	vst v63  }
0x3a2: {  	_ =	swait.ge [sflag:s14], $0x10000  }
0x3a3: {  	[sflag:s14] =	ssyncset.done $0x0  }
0x3a4: {  	[sflag:s14] =	ssyncadd.s32 $0xFFFF0000  }
0x3a5: {  	v11 =	vld [tilespmem:$0x600];
	_ =	sdelay $0x4  }
0x3a6: {  	v42 =	vshll.u32 v11, $0x3  }
0x3a7: {  	v11 =	vand.u32 $0x7F, v11;
	v12 =	vand.u32 $0xFFFFFC00, v42  }
0x3a8: {  	v11 =	vor.u32 v11, v12  }
0x3a9: {  	v12 =	vadd.s32 v3, v11  }
0x3aa: {  	v43 =	vadd.s32 v4, v11;
	_ =	sdelay $0x1  }
0x3ab: {  	v44 =	vadd.s32 v5, v11;
	_ =	sdelay $0x1  }
0x3ac: {  	v45 =	vadd.s32 v6, v11;
	v12 =	vld.idx.msk [tilespmem:v12+s7+$0x0], $0xffff  }
0x3ad: {  	v13 =	vld.idx.msk [tilespmem:v43+s7+$0x0], $0xffff  }
0x3ae: {  	v46 =	vadd.s32 v7, v11  }
0x3af: {  	v14 =	vld.idx.msk [tilespmem:v44+s7+$0x0], $0xffff  }
0x3b0: {  	v47 =	vadd.s32 v8, v11  }
0x3b1: {  	v15 =	vld.idx.msk [tilespmem:v45+s7+$0x0], $0xffff  }
0x3b2: {  	v48 =	vadd.s32 v9, v11;
	v49 =	vmul.f32 v12, v12;
	v50 =	vmul.f32 v13, v13  }
0x3b3: {  	v16 =	vld.idx.msk [tilespmem:v46+s7+$0x0], $0xffff  }
0x3b4: {  	v11 =	vadd.s32 v10, v11;
	v51 =	vmul.f32 v14, v14;
	v19 =	vadd.f32 v50, v49  }
0x3b5: {  	v17 =	vld.idx.msk [tilespmem:v47+s7+$0x0], $0xffff  }
0x3b6: {  	v52 =	vmul.f32 v15, v15;
	v19 =	vadd.f32 v51, v19  }
0x3b7: {  	v18 =	vld.idx.msk [tilespmem:v48+s7+$0x0], $0xffff  }
0x3b8: {  	v53 =	vmul.f32 v16, v16;
	v19 =	vadd.f32 v52, v19  }
0x3b9: {  	v11 =	vld.idx.msk [tilespmem:v11+s7+$0x0], $0xffff  }
0x3ba: {  	v54 =	vmul.f32 v17, v17;
	v19 =	vadd.f32 v53, v19;
	_ =	sdelay $0x1  }
0x3bb: {  	v55 =	vmul.f32 v18, v18;
	v19 =	vadd.f32 v54, v19;
	_ =	sdelay $0x1  }
0x3bc: {  	v56 =	vmul.f32 v11, v11;
	v19 =	vadd.f32 v55, v19;
	_ =	sdelay $0x1  }
0x3bd: {  	v19 =	vadd.f32 v56, v19;
	_ =	sdelay $0x1  }
0x3be: {  	[tilespmem:$0x10C00] =	vst v19  }
0x3bf: {  	[tilespmem:$0x10C10] =	vst v19  }
0x3c0: {  	v57 =	vld [tilespmem:$0x10C08];
	_ =	sdelay $0x4  }
0x3c1: {  	v19 =	vadd.f32 v57, v19;
	_ =	sdelay $0x1  }
0x3c2: {  	[tilespmem:$0x10C00] =	vst v19  }
0x3c3: {  	[tilespmem:$0x10C10] =	vst v19  }
0x3c4: {  	v58 =	vld [tilespmem:$0x10C04];
	_ =	sdelay $0x4  }
0x3c5: {  	v19 =	vadd.f32 v58, v19;
	_ =	sdelay $0x1  }
0x3c6: {  	[tilespmem:$0x10C00] =	vst v19  }
0x3c7: {  	[tilespmem:$0x10C10] =	vst v19  }
0x3c8: {  	v59 =	vld [tilespmem:$0x10C02];
	_ =	sdelay $0x4  }
0x3c9: {  	v19 =	vadd.f32 v59, v19;
	_ =	sdelay $0x1  }
0x3ca: {  	[tilespmem:$0x10C00] =	vst v19  }
0x3cb: {  	[tilespmem:$0x10C10] =	vst v19  }
0x3cc: {  	v60 =	vld [tilespmem:$0x10C01];
	_ =	sdelay $0x4  }
0x3cd: {  	v19 =	vadd.f32 v60, v19;
	_ =	sdelay $0x1  }
0x3ce: {  	v20 =	vshra.s32 v19, $0x1;
	v61 =	vmul.f32 $5.000000000e-01, v19  }
0x3cf: {  	v20 =	vsub.s32 $0x5F3759DF, v20  }
0x3d0: {  	v62 =	vmul.f32 v20, v61;
	_ =	sdelay $0x1  }
0x3d1: {  	v22 =	vmul.f32 v20, v62;
	_ =	sdelay $0x1  }
0x3d2: {  	v22 =	vsub.f32 $1.500000000e+00, v22;
	_ =	sdelay $0x1  }
0x3d3: {  	v20 =	vmul.f32 v20, v22;
	_ =	sdelay $0x1  }
0x3d4: {  	v22 =	vmul.f32 v20, v61;
	_ =	sdelay $0x1  }
0x3d5: {  	v22 =	vmul.f32 v22, v20;
	_ =	sdelay $0x1  }
0x3d6: {  	v22 =	vsub.f32 $1.500000000e+00, v22;
	_ =	sdelay $0x1  }
0x3d7: {  	v20 =	vmul.f32 v22, v20;
	_ =	sdelay $0x1  }
0x3d8: {  	v21 =	vmul.f32 v20, v61;
	_ =	sdelay $0x1  }
0x3d9: {  	v21 =	vmul.f32 v21, v20;
	_ =	sdelay $0x1  }
0x3da: {  	v21 =	vsub.f32 $1.500000000e+00, v21;
	_ =	sdelay $0x1  }
0x3db: {  	v20 =	vmul.f32 v21, v20;
	_ =	sdelay $0x1  }
0x3dc: {  	v19 =	vmul.f32 v20, v19;
	_ =	sdelay $0x1  }
0x3dd: {  	v19 =	vmax.f32 v19, $9.999999960e-13  }
0x3de: {  	(erf) = vrcp.f32 v19;
	_ =	sdelay $0x4  }
0x3df: {  	v63 =	vld [tilespmem:$0x280];
	_ =	sdelay $0x3  }
0x3e0: {  	v24 =	vpop (erf)  }
0x3e1: {  	v25 =	vshll.u32 v63, $0x2;
	v12 =	vmul.f32 v24, v12  }
0x3e2: {  	v21 =	vand.u32 $0xFFFFFFE0, v25;
	v19 =	vand.u32 $0x7, v63;
	v13 =	vmul.f32 v24, v13  }
0x3e3: {  	v27 =	vor.u32 v19, v21;
	v26 =	vmul.f32 v24, v14;
	[tilespmem:$0x10A00] =	vst v12  }
0x3e4: {  	v29 =	vperm.xlane v27, v0;
	v28 =	vmul.f32 v24, v15;
	[tilespmem:$0x10A10] =	vst v13  }
0x3e5: {  	v30 =	vmul.f32 v24, v16;
	[tilespmem:$0x10A20] =	vst v26  }
0x3e6: {  	v31 =	vmul.f32 v24, v17;
	v15 =	vadd.s32 v1, v29;
	[tilespmem:$0x10A30] =	vst v28  }
0x3e7: {  	v32 =	vmul.f32 v24, v18;
	[tilespmem:$0x10A40] =	vst v30  }
0x3e8: {  	v33 =	vperm.xlane v27, v2;
	v11 =	vmul.f32 v24, v11;
	[tilespmem:$0x10A50] =	vst v31  }
0x3e9: {  	[tilespmem:$0x10A60] =	vst v32  }
0x3ea: {  	[tilespmem:$0x10A70] =	vst v11;
	v11 =	vadd.s32 v1, v33  }
0x3eb: {  	[tilespmem:s7], [sflag:$0x1] =	stream.indirect_vreg.gather [hbm4b:s2+s3], $0x80, v15, vm0, $0xb8;
	[tilespmem:$0x10C80] =	vst v63  }
0x3ec: {  	s9 =	simm.s32 $0x1000  }
0x3ed: {  	[tilespmem:s9], [sflag:$0x1] =	stream.indirect_vreg.gather [hbm4b:s4+s3], $0x80, v15, vm0, $0xb8;
	[tilespmem:$0x10C80] =	vst v63  }
0x3ee: {  	s6 =	simm.s32 $0x1800  }
0x3ef: {  	[tilespmem:s6], [sflag:$0x1] =	stream.indirect_vreg.gather [hbm4b:s2+s3], $0x80, v11, vm0, $0xb8;
	[tilespmem:$0x10C80] =	vst v63  }
0x3f0: {  	s9 =	simm.s32 $0x2000  }
0x3f1: {  	[tilespmem:s9], [sflag:$0x1] =	stream.indirect_vreg.gather [hbm4b:s4+s3], $0x80, v11, vm0, $0xb8;
	[tilespmem:$0x10C80] =	vst v63  }
0x3f2: {  	v11 =	vld [tilespmem:$0x290];
	_ =	sdelay $0x4  }
0x3f3: {  	v34 =	vshll.u32 v11, $0x2  }
0x3f4: {  	v11 =	vand.u32 $0x7, v11;
	v12 =	vand.u32 $0xFFFFFFE0, v34  }
0x3f5: {  	v11 =	vor.u32 v11, v12  }
0x3f6: {  	v12 =	vperm.xlane v11, v0;
	_ =	sdelay $0x1  }
0x3f7: {  	v12 =	vadd.s32 v1, v12;
	_ =	sdelay $0x1  }
0x3f8: {  	v11 =	vperm.xlane v11, v2;
	_ =	sdelay $0x1  }
0x3f9: {  	s11 =	simm.s32 $0x2800;
	v11 =	vadd.s32 v1, v11  }
0x3fa: {  	[tilespmem:s11], [sflag:$0x1] =	stream.indirect_vreg.gather [hbm4b:s2+s3], $0x80, v12, vm0, $0xb8;
	[tilespmem:$0x10C80] =	vst v63  }
0x3fb: {  	s11 =	simm.s32 $0x3000  }
0x3fc: {  	[tilespmem:s11], [sflag:$0x1] =	stream.indirect_vreg.gather [hbm4b:s4+s3], $0x80, v12, vm0, $0xb8;
	[tilespmem:$0x10C80] =	vst v63  }
0x3fd: {  	s11 =	simm.s32 $0x3800  }
0x3fe: {  	[tilespmem:s11], [sflag:$0x1] =	stream.indirect_vreg.gather [hbm4b:s2+s3], $0x80, v11, vm0, $0xb8;
	[tilespmem:$0x10C80] =	vst v63  }
0x3ff: {  	s11 =	simm.s32 $0x4000  }
0x400: {  	[tilespmem:s11], [sflag:$0x1] =	stream.indirect_vreg.gather [hbm4b:s4+s3], $0x80, v11, vm0, $0xb8;
	[tilespmem:$0x10C80] =	vst v63  }
0x401: {  	v11 =	vld [tilespmem:$0x2A0];
	_ =	sdelay $0x4  }
0x402: {  	v35 =	vshll.u32 v11, $0x2  }
0x403: {  	v11 =	vand.u32 $0x7, v11;
	v12 =	vand.u32 $0xFFFFFFE0, v35  }
0x404: {  	v11 =	vor.u32 v11, v12  }
0x405: {  	v12 =	vperm.xlane v11, v0;
	_ =	sdelay $0x1  }
0x406: {  	v12 =	vadd.s32 v1, v12;
	_ =	sdelay $0x1  }
0x407: {  	v11 =	vperm.xlane v11, v2;
	_ =	sdelay $0x1  }
0x408: {  	s11 =	simm.s32 $0x4800;
	v11 =	vadd.s32 v1, v11  }
0x409: {  	[tilespmem:s11], [sflag:$0x1] =	stream.indirect_vreg.gather [hbm4b:s2+s3], $0x80, v12, vm0, $0xb8;
	[tilespmem:$0x10C80] =	vst v63  }
0x40a: {  	s20 =	simm.s32 $0x5000  }
0x40b: {  	[tilespmem:s20], [sflag:$0x1] =	stream.indirect_vreg.gather [hbm4b:s4+s3], $0x80, v12, vm0, $0xb8;
	[tilespmem:$0x10C80] =	vst v63  }
0x40c: {  	s21 =	simm.s32 $0x5800  }
0x40d: {  	[tilespmem:s21], [sflag:$0x1] =	stream.indirect_vreg.gather [hbm4b:s2+s3], $0x80, v11, vm0, $0xb8;
	[tilespmem:$0x10C80] =	vst v63  }
0x40e: {  	s24 =	simm.s32 $0x6000  }
0x40f: {  	[tilespmem:s24], [sflag:$0x1] =	stream.indirect_vreg.gather [hbm4b:s4+s3], $0x80, v11, vm0, $0xb8;
	[tilespmem:$0x10C80] =	vst v63  }
0x410: {  	v11 =	vld [tilespmem:$0x2B0];
	_ =	sdelay $0x4  }
0x411: {  	v36 =	vshll.u32 v11, $0x2  }
0x412: {  	v11 =	vand.u32 $0x7, v11;
	v12 =	vand.u32 $0xFFFFFFE0, v36  }
0x413: {  	v11 =	vor.u32 v11, v12  }
0x414: {  	v12 =	vperm.xlane v11, v0;
	_ =	sdelay $0x1  }
0x415: {  	v12 =	vadd.s32 v1, v12;
	_ =	sdelay $0x1  }
0x416: {  	v11 =	vperm.xlane v11, v2;
	_ =	sdelay $0x1  }
0x417: {  	s25 =	simm.s32 $0x6800;
	v11 =	vadd.s32 v1, v11  }
0x418: {  	[tilespmem:s25], [sflag:$0x1] =	stream.indirect_vreg.gather [hbm4b:s2+s3], $0x80, v12, vm0, $0xb8;
	[tilespmem:$0x10C80] =	vst v63  }
0x419: {  	s26 =	simm.s32 $0x7000  }
0x41a: {  	[tilespmem:s26], [sflag:$0x1] =	stream.indirect_vreg.gather [hbm4b:s4+s3], $0x80, v12, vm0, $0xb8;
	[tilespmem:$0x10C80] =	vst v63  }
0x41b: {  	s22 =	simm.s32 $0x7800  }
0x41c: {  	[tilespmem:s22], [sflag:$0x1] =	stream.indirect_vreg.gather [hbm4b:s2+s3], $0x80, v11, vm0, $0xb8;
	[tilespmem:$0x10C80] =	vst v63  }
0x41d: {  	s19 =	simm.s32 $0x8000  }
0x41e: {  	[tilespmem:s19], [sflag:$0x1] =	stream.indirect_vreg.gather [hbm4b:s4+s3], $0x80, v11, vm0, $0xb8;
	[tilespmem:$0x10C80] =	vst v63  }
0x41f: {  	v11 =	vld [tilespmem:$0x2C0];
	_ =	sdelay $0x4  }
0x420: {  	v37 =	vshll.u32 v11, $0x2  }
0x421: {  	v11 =	vand.u32 $0x7, v11;
	v12 =	vand.u32 $0xFFFFFFE0, v37  }
0x422: {  	v11 =	vor.u32 v11, v12  }
0x423: {  	v12 =	vperm.xlane v11, v0;
	_ =	sdelay $0x1  }
0x424: {  	v12 =	vadd.s32 v1, v12;
	_ =	sdelay $0x1  }
0x425: {  	v11 =	vperm.xlane v11, v2;
	_ =	sdelay $0x1  }
0x426: {  	s25 =	simm.s32 $0x8800;
	v11 =	vadd.s32 v1, v11  }
0x427: {  	[tilespmem:s25], [sflag:$0x1] =	stream.indirect_vreg.gather [hbm4b:s2+s3], $0x80, v12, vm0, $0xb8;
	[tilespmem:$0x10C80] =	vst v63  }
0x428: {  	s23 =	simm.s32 $0x9000  }
0x429: {  	[tilespmem:s23], [sflag:$0x1] =	stream.indirect_vreg.gather [hbm4b:s4+s3], $0x80, v12, vm0, $0xb8;
	[tilespmem:$0x10C80] =	vst v63  }
0x42a: {  	s26 =	simm.s32 $0x9800  }
0x42b: {  	[tilespmem:s26], [sflag:$0x1] =	stream.indirect_vreg.gather [hbm4b:s2+s3], $0x80, v11, vm0, $0xb8;
	[tilespmem:$0x10C80] =	vst v63  }
0x42c: {  	s31 =	simm.s32 $0xA000  }
0x42d: {  	[tilespmem:s31], [sflag:$0x1] =	stream.indirect_vreg.gather [hbm4b:s4+s3], $0x80, v11, vm0, $0xb8;
	[tilespmem:$0x10C80] =	vst v63  }
0x42e: {  	v11 =	vld [tilespmem:$0x2D0];
	_ =	sdelay $0x4  }
0x42f: {  	v38 =	vshll.u32 v11, $0x2  }
0x430: {  	v11 =	vand.u32 $0x7, v11;
	v12 =	vand.u32 $0xFFFFFFE0, v38  }
0x431: {  	v11 =	vor.u32 v11, v12  }
0x432: {  	v12 =	vperm.xlane v11, v0;
	_ =	sdelay $0x1  }
0x433: {  	v12 =	vadd.s32 v1, v12;
	_ =	sdelay $0x1  }
0x434: {  	v11 =	vperm.xlane v11, v2;
	_ =	sdelay $0x1  }
0x435: {  	s29 =	simm.s32 $0xA800;
	v11 =	vadd.s32 v1, v11  }
0x436: {  	[tilespmem:s29], [sflag:$0x1] =	stream.indirect_vreg.gather [hbm4b:s2+s3], $0x80, v12, vm0, $0xb8;
	[tilespmem:$0x10C80] =	vst v63  }
0x437: {  	s30 =	simm.s32 $0xB000  }
0x438: {  	[tilespmem:s30], [sflag:$0x1] =	stream.indirect_vreg.gather [hbm4b:s4+s3], $0x80, v12, vm0, $0xb8;
	[tilespmem:$0x10C80] =	vst v63  }
0x439: {  	s28 =	simm.s32 $0xB800  }
0x43a: {  	[tilespmem:s28], [sflag:$0x1] =	stream.indirect_vreg.gather [hbm4b:s2+s3], $0x80, v11, vm0, $0xb8;
	[tilespmem:$0x10C80] =	vst v63  }
0x43b: {  	s17 =	simm.s32 $0xC000  }
0x43c: {  	[tilespmem:s17], [sflag:$0x1] =	stream.indirect_vreg.gather [hbm4b:s4+s3], $0x80, v11, vm0, $0xb8;
	[tilespmem:$0x10C80] =	vst v63  }
0x43d: {  	v11 =	vld [tilespmem:$0x2E0];
	_ =	sdelay $0x4  }
0x43e: {  	v39 =	vshll.u32 v11, $0x2  }
0x43f: {  	v11 =	vand.u32 $0x7, v11;
	v12 =	vand.u32 $0xFFFFFFE0, v39  }
0x440: {  	v11 =	vor.u32 v11, v12  }
0x441: {  	v12 =	vperm.xlane v11, v0;
	_ =	sdelay $0x1  }
0x442: {  	v12 =	vadd.s32 v1, v12;
	_ =	sdelay $0x1  }
0x443: {  	v11 =	vperm.xlane v11, v2;
	_ =	sdelay $0x1  }
0x444: {  	s13 =	simm.s32 $0xC800;
	v11 =	vadd.s32 v1, v11  }
0x445: {  	[tilespmem:s13], [sflag:$0x1] =	stream.indirect_vreg.gather [hbm4b:s2+s3], $0x80, v12, vm0, $0xb8;
	[tilespmem:$0x10C80] =	vst v63  }
0x446: {  	s15 =	simm.s32 $0xD000  }
0x447: {  	[tilespmem:s15], [sflag:$0x1] =	stream.indirect_vreg.gather [hbm4b:s4+s3], $0x80, v12, vm0, $0xb8;
	[tilespmem:$0x10C80] =	vst v63  }
0x448: {  	s16 =	simm.s32 $0xD800  }
0x449: {  	[tilespmem:s16], [sflag:$0x1] =	stream.indirect_vreg.gather [hbm4b:s2+s3], $0x80, v11, vm0, $0xb8;
	[tilespmem:$0x10C80] =	vst v63  }
0x44a: {  	s12 =	simm.s32 $0xE000  }
0x44b: {  	[tilespmem:s12], [sflag:$0x1] =	stream.indirect_vreg.gather [hbm4b:s4+s3], $0x80, v11, vm0, $0xb8;
	[tilespmem:$0x10C80] =	vst v63  }
0x44c: {  	v11 =	vld [tilespmem:$0x2F0];
	_ =	sdelay $0x4  }
0x44d: {  	v40 =	vshll.u32 v11, $0x2  }
0x44e: {  	v11 =	vand.u32 $0x7, v11;
	v12 =	vand.u32 $0xFFFFFFE0, v40  }
0x44f: {  	v11 =	vor.u32 v11, v12  }
0x450: {  	v12 =	vperm.xlane v11, v0;
	_ =	sdelay $0x1  }
0x451: {  	v12 =	vadd.s32 v1, v12;
	_ =	sdelay $0x1  }
0x452: {  	v11 =	vperm.xlane v11, v2;
	_ =	sdelay $0x1  }
0x453: {  	s10 =	simm.s32 $0xE800;
	v11 =	vadd.s32 v1, v11  }
0x454: {  	[tilespmem:s10], [sflag:$0x1] =	stream.indirect_vreg.gather [hbm4b:s2+s3], $0x80, v12, vm0, $0xb8;
	[tilespmem:$0x10C80] =	vst v63  }
0x455: {  	s8 =	simm.s32 $0xF000  }
0x456: {  	[tilespmem:s8], [sflag:$0x1] =	stream.indirect_vreg.gather [hbm4b:s4+s3], $0x80, v12, vm0, $0xb8;
	[tilespmem:$0x10C80] =	vst v63  }
0x457: {  	s1 =	simm.s32 $0xF800  }
0x458: {  	[tilespmem:s1], [sflag:$0x1] =	stream.indirect_vreg.gather [hbm4b:s2+s3], $0x80, v11, vm0, $0xb8;
	[tilespmem:$0x10C80] =	vst v63  }
0x459: {  	s0 =	simm.s32 $0x10000  }
0x45a: {  	[tilespmem:s0], [sflag:$0x1] =	stream.indirect_vreg.gather [hbm4b:s4+s3], $0x80, v11, vm0, $0xb8;
	[tilespmem:$0x10C80] =	vst v63  }
0x45b: {  	_ =	swait.ge [sflag:s14], $0x10000  }
0x45c: {  	[sflag:s14] =	ssyncset.done $0x0  }
0x45d: {  	[sflag:s14] =	ssyncadd.s32 $0xFFFF0000  }
0x45e: {  	v11 =	vld [tilespmem:$0x680];
	_ =	sdelay $0x4  }
0x45f: {  	v41 =	vshll.u32 v11, $0x3  }
0x460: {  	v11 =	vand.u32 $0x7F, v11;
	v12 =	vand.u32 $0xFFFFFC00, v41  }
0x461: {  	v11 =	vor.u32 v11, v12  }
0x462: {  	v12 =	vadd.s32 v3, v11  }
0x463: {  	v42 =	vadd.s32 v4, v11;
	_ =	sdelay $0x1  }
0x464: {  	v43 =	vadd.s32 v5, v11;
	_ =	sdelay $0x1  }
0x465: {  	v44 =	vadd.s32 v6, v11;
	v12 =	vld.idx.msk [tilespmem:v12+s7+$0x0], $0xffff  }
0x466: {  	v13 =	vld.idx.msk [tilespmem:v42+s7+$0x0], $0xffff  }
0x467: {  	v45 =	vadd.s32 v7, v11  }
0x468: {  	v14 =	vld.idx.msk [tilespmem:v43+s7+$0x0], $0xffff  }
0x469: {  	v46 =	vadd.s32 v8, v11  }
0x46a: {  	v15 =	vld.idx.msk [tilespmem:v44+s7+$0x0], $0xffff  }
0x46b: {  	v47 =	vadd.s32 v9, v11;
	v48 =	vmul.f32 v12, v12;
	v49 =	vmul.f32 v13, v13  }
0x46c: {  	v16 =	vld.idx.msk [tilespmem:v45+s7+$0x0], $0xffff  }
0x46d: {  	v11 =	vadd.s32 v10, v11;
	v50 =	vmul.f32 v14, v14;
	v19 =	vadd.f32 v49, v48  }
0x46e: {  	v17 =	vld.idx.msk [tilespmem:v46+s7+$0x0], $0xffff  }
0x46f: {  	v51 =	vmul.f32 v15, v15;
	v19 =	vadd.f32 v50, v19  }
0x470: {  	v18 =	vld.idx.msk [tilespmem:v47+s7+$0x0], $0xffff  }
0x471: {  	v52 =	vmul.f32 v16, v16;
	v19 =	vadd.f32 v51, v19  }
0x472: {  	v11 =	vld.idx.msk [tilespmem:v11+s7+$0x0], $0xffff  }
0x473: {  	v53 =	vmul.f32 v17, v17;
	v19 =	vadd.f32 v52, v19;
	_ =	sdelay $0x1  }
0x474: {  	v54 =	vmul.f32 v18, v18;
	v19 =	vadd.f32 v53, v19;
	_ =	sdelay $0x1  }
0x475: {  	v55 =	vmul.f32 v11, v11;
	v19 =	vadd.f32 v54, v19;
	_ =	sdelay $0x1  }
0x476: {  	v19 =	vadd.f32 v55, v19;
	_ =	sdelay $0x1  }
0x477: {  	[tilespmem:$0x10C00] =	vst v19  }
0x478: {  	[tilespmem:$0x10C10] =	vst v19  }
0x479: {  	v56 =	vld [tilespmem:$0x10C08];
	_ =	sdelay $0x4  }
0x47a: {  	v19 =	vadd.f32 v56, v19;
	_ =	sdelay $0x1  }
0x47b: {  	[tilespmem:$0x10C00] =	vst v19  }
0x47c: {  	[tilespmem:$0x10C10] =	vst v19  }
0x47d: {  	v57 =	vld [tilespmem:$0x10C04];
	_ =	sdelay $0x4  }
0x47e: {  	v19 =	vadd.f32 v57, v19;
	_ =	sdelay $0x1  }
0x47f: {  	[tilespmem:$0x10C00] =	vst v19  }
0x480: {  	[tilespmem:$0x10C10] =	vst v19  }
0x481: {  	v58 =	vld [tilespmem:$0x10C02];
	_ =	sdelay $0x4  }
0x482: {  	v19 =	vadd.f32 v58, v19;
	_ =	sdelay $0x1  }
0x483: {  	[tilespmem:$0x10C00] =	vst v19  }
0x484: {  	[tilespmem:$0x10C10] =	vst v19  }
0x485: {  	v59 =	vld [tilespmem:$0x10C01];
	_ =	sdelay $0x4  }
0x486: {  	v19 =	vadd.f32 v59, v19;
	_ =	sdelay $0x1  }
0x487: {  	v20 =	vshra.s32 v19, $0x1;
	v60 =	vmul.f32 $5.000000000e-01, v19  }
0x488: {  	v20 =	vsub.s32 $0x5F3759DF, v20  }
0x489: {  	v61 =	vmul.f32 v20, v60;
	_ =	sdelay $0x1  }
0x48a: {  	v22 =	vmul.f32 v20, v61;
	_ =	sdelay $0x1  }
0x48b: {  	v22 =	vsub.f32 $1.500000000e+00, v22;
	_ =	sdelay $0x1  }
0x48c: {  	v20 =	vmul.f32 v20, v22;
	_ =	sdelay $0x1  }
0x48d: {  	v22 =	vmul.f32 v20, v60;
	_ =	sdelay $0x1  }
0x48e: {  	v22 =	vmul.f32 v22, v20;
	_ =	sdelay $0x1  }
0x48f: {  	v22 =	vsub.f32 $1.500000000e+00, v22;
	_ =	sdelay $0x1  }
0x490: {  	v20 =	vmul.f32 v22, v20;
	_ =	sdelay $0x1  }
0x491: {  	v21 =	vmul.f32 v20, v60;
	_ =	sdelay $0x1  }
0x492: {  	v21 =	vmul.f32 v21, v20;
	_ =	sdelay $0x1  }
0x493: {  	v21 =	vsub.f32 $1.500000000e+00, v21;
	_ =	sdelay $0x1  }
0x494: {  	v20 =	vmul.f32 v21, v20;
	_ =	sdelay $0x1  }
0x495: {  	v19 =	vmul.f32 v20, v19;
	_ =	sdelay $0x1  }
0x496: {  	v19 =	vmax.f32 v19, $9.999999960e-13  }
0x497: {  	(erf) = vrcp.f32 v19;
	_ =	sdelay $0x4  }
0x498: {  	v62 =	vld [tilespmem:$0x300];
	_ =	sdelay $0x3  }
0x499: {  	v63 =	vpop (erf)  }
0x49a: {  	v24 =	vshll.u32 v62, $0x2;
	v12 =	vmul.f32 v63, v12  }
0x49b: {  	v21 =	vand.u32 $0xFFFFFFE0, v24;
	v19 =	vand.u32 $0x7, v62;
	v13 =	vmul.f32 v63, v13  }
0x49c: {  	v26 =	vor.u32 v19, v21;
	v25 =	vmul.f32 v63, v14;
	[tilespmem:$0x10A80] =	vst v12  }
0x49d: {  	v28 =	vperm.xlane v26, v0;
	v27 =	vmul.f32 v63, v15;
	[tilespmem:$0x10A90] =	vst v13  }
0x49e: {  	v29 =	vmul.f32 v63, v16;
	[tilespmem:$0x10AA0] =	vst v25  }
0x49f: {  	v30 =	vmul.f32 v63, v17;
	v15 =	vadd.s32 v1, v28;
	[tilespmem:$0x10AB0] =	vst v27  }
0x4a0: {  	v31 =	vmul.f32 v63, v18;
	[tilespmem:$0x10AC0] =	vst v29  }
0x4a1: {  	v32 =	vperm.xlane v26, v2;
	v11 =	vmul.f32 v63, v11;
	[tilespmem:$0x10AD0] =	vst v30  }
0x4a2: {  	[tilespmem:$0x10AE0] =	vst v31  }
0x4a3: {  	[tilespmem:$0x10AF0] =	vst v11;
	v11 =	vadd.s32 v1, v32  }
0x4a4: {  	[tilespmem:s7], [sflag:$0x1] =	stream.indirect_vreg.gather [hbm4b:s2+s3], $0x80, v15, vm0, $0xb8;
	[tilespmem:$0x10C80] =	vst v63  }
0x4a5: {  	s18 =	simm.s32 $0x1000  }
0x4a6: {  	[tilespmem:s18], [sflag:$0x1] =	stream.indirect_vreg.gather [hbm4b:s4+s3], $0x80, v15, vm0, $0xb8;
	[tilespmem:$0x10C80] =	vst v63  }
0x4a7: {  	s6 =	simm.s32 $0x1800  }
0x4a8: {  	[tilespmem:s6], [sflag:$0x1] =	stream.indirect_vreg.gather [hbm4b:s2+s3], $0x80, v11, vm0, $0xb8;
	[tilespmem:$0x10C80] =	vst v63  }
0x4a9: {  	s5 =	simm.s32 $0x2000  }
0x4aa: {  	[tilespmem:s5], [sflag:$0x1] =	stream.indirect_vreg.gather [hbm4b:s4+s3], $0x80, v11, vm0, $0xb8;
	[tilespmem:$0x10C80] =	vst v63  }
0x4ab: {  	v11 =	vld [tilespmem:$0x310];
	_ =	sdelay $0x4  }
0x4ac: {  	v33 =	vshll.u32 v11, $0x2  }
0x4ad: {  	v11 =	vand.u32 $0x7, v11;
	v12 =	vand.u32 $0xFFFFFFE0, v33  }
0x4ae: {  	v11 =	vor.u32 v11, v12  }
0x4af: {  	v12 =	vperm.xlane v11, v0;
	_ =	sdelay $0x1  }
0x4b0: {  	v12 =	vadd.s32 v1, v12;
	_ =	sdelay $0x1  }
0x4b1: {  	v11 =	vperm.xlane v11, v2;
	_ =	sdelay $0x1  }
0x4b2: {  	s18 =	simm.s32 $0x2800;
	v11 =	vadd.s32 v1, v11  }
0x4b3: {  	[tilespmem:s18], [sflag:$0x1] =	stream.indirect_vreg.gather [hbm4b:s2+s3], $0x80, v12, vm0, $0xb8;
	[tilespmem:$0x10C80] =	vst v63  }
0x4b4: {  	s30 =	simm.s32 $0x3000  }
0x4b5: {  	[tilespmem:s30], [sflag:$0x1] =	stream.indirect_vreg.gather [hbm4b:s4+s3], $0x80, v12, vm0, $0xb8;
	[tilespmem:$0x10C80] =	vst v63  }
0x4b6: {  	s6 =	simm.s32 $0x3800  }
0x4b7: {  	[tilespmem:s6], [sflag:$0x1] =	stream.indirect_vreg.gather [hbm4b:s2+s3], $0x80, v11, vm0, $0xb8;
	[tilespmem:$0x10C80] =	vst v63  }
0x4b8: {  	s10 =	simm.s32 $0x4000  }
0x4b9: {  	[tilespmem:s10], [sflag:$0x1] =	stream.indirect_vreg.gather [hbm4b:s4+s3], $0x80, v11, vm0, $0xb8;
	[tilespmem:$0x10C80] =	vst v63  }
0x4ba: {  	v11 =	vld [tilespmem:$0x320];
	_ =	sdelay $0x4  }
0x4bb: {  	v34 =	vshll.u32 v11, $0x2  }
0x4bc: {  	v11 =	vand.u32 $0x7, v11;
	v12 =	vand.u32 $0xFFFFFFE0, v34  }
0x4bd: {  	v11 =	vor.u32 v11, v12  }
0x4be: {  	v12 =	vperm.xlane v11, v0;
	_ =	sdelay $0x1  }
0x4bf: {  	v12 =	vadd.s32 v1, v12;
	_ =	sdelay $0x1  }
0x4c0: {  	v11 =	vperm.xlane v11, v2;
	_ =	sdelay $0x1  }
0x4c1: {  	s15 =	simm.s32 $0x4800;
	v11 =	vadd.s32 v1, v11  }
0x4c2: {  	[tilespmem:s15], [sflag:$0x1] =	stream.indirect_vreg.gather [hbm4b:s2+s3], $0x80, v12, vm0, $0xb8;
	[tilespmem:$0x10C80] =	vst v63  }
0x4c3: {  	s11 =	simm.s32 $0x5000  }
0x4c4: {  	[tilespmem:s11], [sflag:$0x1] =	stream.indirect_vreg.gather [hbm4b:s4+s3], $0x80, v12, vm0, $0xb8;
	[tilespmem:$0x10C80] =	vst v63  }
0x4c5: {  	s21 =	simm.s32 $0x5800  }
0x4c6: {  	[tilespmem:s21], [sflag:$0x1] =	stream.indirect_vreg.gather [hbm4b:s2+s3], $0x80, v11, vm0, $0xb8;
	[tilespmem:$0x10C80] =	vst v63  }
0x4c7: {  	s16 =	simm.s32 $0x6000  }
0x4c8: {  	[tilespmem:s16], [sflag:$0x1] =	stream.indirect_vreg.gather [hbm4b:s4+s3], $0x80, v11, vm0, $0xb8;
	[tilespmem:$0x10C80] =	vst v63  }
0x4c9: {  	v11 =	vld [tilespmem:$0x330];
	_ =	sdelay $0x4  }
0x4ca: {  	v35 =	vshll.u32 v11, $0x2  }
0x4cb: {  	v11 =	vand.u32 $0x7, v11;
	v12 =	vand.u32 $0xFFFFFFE0, v35  }
0x4cc: {  	v11 =	vor.u32 v11, v12  }
0x4cd: {  	v12 =	vperm.xlane v11, v0;
	_ =	sdelay $0x1  }
0x4ce: {  	v12 =	vadd.s32 v1, v12;
	_ =	sdelay $0x1  }
0x4cf: {  	v11 =	vperm.xlane v11, v2;
	_ =	sdelay $0x1  }
0x4d0: {  	s18 =	simm.s32 $0x6800;
	v11 =	vadd.s32 v1, v11  }
0x4d1: {  	[tilespmem:s18], [sflag:$0x1] =	stream.indirect_vreg.gather [hbm4b:s2+s3], $0x80, v12, vm0, $0xb8;
	[tilespmem:$0x10C80] =	vst v63  }
0x4d2: {  	s20 =	simm.s32 $0x7000  }
0x4d3: {  	[tilespmem:s20], [sflag:$0x1] =	stream.indirect_vreg.gather [hbm4b:s4+s3], $0x80, v12, vm0, $0xb8;
	[tilespmem:$0x10C80] =	vst v63  }
0x4d4: {  	s22 =	simm.s32 $0x7800  }
0x4d5: {  	[tilespmem:s22], [sflag:$0x1] =	stream.indirect_vreg.gather [hbm4b:s2+s3], $0x80, v11, vm0, $0xb8;
	[tilespmem:$0x10C80] =	vst v63  }
0x4d6: {  	s9 =	simm.s32 $0x8000  }
0x4d7: {  	[tilespmem:s9], [sflag:$0x1] =	stream.indirect_vreg.gather [hbm4b:s4+s3], $0x80, v11, vm0, $0xb8;
	[tilespmem:$0x10C80] =	vst v63  }
0x4d8: {  	v11 =	vld [tilespmem:$0x340];
	_ =	sdelay $0x4  }
0x4d9: {  	v36 =	vshll.u32 v11, $0x2  }
0x4da: {  	v11 =	vand.u32 $0x7, v11;
	v12 =	vand.u32 $0xFFFFFFE0, v36  }
0x4db: {  	v11 =	vor.u32 v11, v12  }
0x4dc: {  	v12 =	vperm.xlane v11, v0;
	_ =	sdelay $0x1  }
0x4dd: {  	v12 =	vadd.s32 v1, v12;
	_ =	sdelay $0x1  }
0x4de: {  	v11 =	vperm.xlane v11, v2;
	_ =	sdelay $0x1  }
0x4df: {  	s20 =	simm.s32 $0x8800;
	v11 =	vadd.s32 v1, v11  }
0x4e0: {  	[tilespmem:s20], [sflag:$0x1] =	stream.indirect_vreg.gather [hbm4b:s2+s3], $0x80, v12, vm0, $0xb8;
	[tilespmem:$0x10C80] =	vst v63  }
0x4e1: {  	s23 =	simm.s32 $0x9000  }
0x4e2: {  	[tilespmem:s23], [sflag:$0x1] =	stream.indirect_vreg.gather [hbm4b:s4+s3], $0x80, v12, vm0, $0xb8;
	[tilespmem:$0x10C80] =	vst v63  }
0x4e3: {  	s21 =	simm.s32 $0x9800  }
0x4e4: {  	[tilespmem:s21], [sflag:$0x1] =	stream.indirect_vreg.gather [hbm4b:s2+s3], $0x80, v11, vm0, $0xb8;
	[tilespmem:$0x10C80] =	vst v63  }
0x4e5: {  	s22 =	simm.s32 $0xA000  }
0x4e6: {  	[tilespmem:s22], [sflag:$0x1] =	stream.indirect_vreg.gather [hbm4b:s4+s3], $0x80, v11, vm0, $0xb8;
	[tilespmem:$0x10C80] =	vst v63  }
0x4e7: {  	v11 =	vld [tilespmem:$0x350];
	_ =	sdelay $0x4  }
0x4e8: {  	v37 =	vshll.u32 v11, $0x2  }
0x4e9: {  	v11 =	vand.u32 $0x7, v11;
	v12 =	vand.u32 $0xFFFFFFE0, v37  }
0x4ea: {  	v11 =	vor.u32 v11, v12  }
0x4eb: {  	v12 =	vperm.xlane v11, v0;
	_ =	sdelay $0x1  }
0x4ec: {  	v12 =	vadd.s32 v1, v12;
	_ =	sdelay $0x1  }
0x4ed: {  	v11 =	vperm.xlane v11, v2;
	_ =	sdelay $0x1  }
0x4ee: {  	s31 =	simm.s32 $0xA800;
	v11 =	vadd.s32 v1, v11  }
0x4ef: {  	[tilespmem:s31], [sflag:$0x1] =	stream.indirect_vreg.gather [hbm4b:s2+s3], $0x80, v12, vm0, $0xb8;
	[tilespmem:$0x10C80] =	vst v63  }
0x4f0: {  	s19 =	simm.s32 $0xB000  }
0x4f1: {  	[tilespmem:s19], [sflag:$0x1] =	stream.indirect_vreg.gather [hbm4b:s4+s3], $0x80, v12, vm0, $0xb8;
	[tilespmem:$0x10C80] =	vst v63  }
0x4f2: {  	s23 =	simm.s32 $0xB800  }
0x4f3: {  	[tilespmem:s23], [sflag:$0x1] =	stream.indirect_vreg.gather [hbm4b:s2+s3], $0x80, v11, vm0, $0xb8;
	[tilespmem:$0x10C80] =	vst v63  }
0x4f4: {  	s24 =	simm.s32 $0xC000  }
0x4f5: {  	[tilespmem:s24], [sflag:$0x1] =	stream.indirect_vreg.gather [hbm4b:s4+s3], $0x80, v11, vm0, $0xb8;
	[tilespmem:$0x10C80] =	vst v63  }
0x4f6: {  	v11 =	vld [tilespmem:$0x360];
	_ =	sdelay $0x4  }
0x4f7: {  	v38 =	vshll.u32 v11, $0x2  }
0x4f8: {  	v11 =	vand.u32 $0x7, v11;
	v12 =	vand.u32 $0xFFFFFFE0, v38  }
0x4f9: {  	v11 =	vor.u32 v11, v12  }
0x4fa: {  	v12 =	vperm.xlane v11, v0;
	_ =	sdelay $0x1  }
0x4fb: {  	v12 =	vadd.s32 v1, v12;
	_ =	sdelay $0x1  }
0x4fc: {  	v11 =	vperm.xlane v11, v2;
	_ =	sdelay $0x1  }
0x4fd: {  	s17 =	simm.s32 $0xC800;
	v11 =	vadd.s32 v1, v11  }
0x4fe: {  	[tilespmem:s17], [sflag:$0x1] =	stream.indirect_vreg.gather [hbm4b:s2+s3], $0x80, v12, vm0, $0xb8;
	[tilespmem:$0x10C80] =	vst v63  }
0x4ff: {  	s25 =	simm.s32 $0xD000  }
0x500: {  	[tilespmem:s25], [sflag:$0x1] =	stream.indirect_vreg.gather [hbm4b:s4+s3], $0x80, v12, vm0, $0xb8;
	[tilespmem:$0x10C80] =	vst v63  }
0x501: {  	s26 =	simm.s32 $0xD800  }
0x502: {  	[tilespmem:s26], [sflag:$0x1] =	stream.indirect_vreg.gather [hbm4b:s2+s3], $0x80, v11, vm0, $0xb8;
	[tilespmem:$0x10C80] =	vst v63  }
0x503: {  	s13 =	simm.s32 $0xE000  }
0x504: {  	[tilespmem:s13], [sflag:$0x1] =	stream.indirect_vreg.gather [hbm4b:s4+s3], $0x80, v11, vm0, $0xb8;
	[tilespmem:$0x10C80] =	vst v63  }
0x505: {  	v11 =	vld [tilespmem:$0x370];
	_ =	sdelay $0x4  }
0x506: {  	v39 =	vshll.u32 v11, $0x2  }
0x507: {  	v11 =	vand.u32 $0x7, v11;
	v12 =	vand.u32 $0xFFFFFFE0, v39  }
0x508: {  	v11 =	vor.u32 v11, v12  }
0x509: {  	v12 =	vperm.xlane v11, v0;
	_ =	sdelay $0x1  }
0x50a: {  	v12 =	vadd.s32 v1, v12;
	_ =	sdelay $0x1  }
0x50b: {  	v11 =	vperm.xlane v11, v2;
	_ =	sdelay $0x1  }
0x50c: {  	s29 =	simm.s32 $0xE800;
	v11 =	vadd.s32 v1, v11  }
0x50d: {  	[tilespmem:s29], [sflag:$0x1] =	stream.indirect_vreg.gather [hbm4b:s2+s3], $0x80, v12, vm0, $0xb8;
	[tilespmem:$0x10C80] =	vst v63  }
0x50e: {  	s28 =	simm.s32 $0xF000  }
0x50f: {  	[tilespmem:s28], [sflag:$0x1] =	stream.indirect_vreg.gather [hbm4b:s4+s3], $0x80, v12, vm0, $0xb8;
	[tilespmem:$0x10C80] =	vst v63  }
0x510: {  	s12 =	simm.s32 $0xF800  }
0x511: {  	[tilespmem:s12], [sflag:$0x1] =	stream.indirect_vreg.gather [hbm4b:s2+s3], $0x80, v11, vm0, $0xb8;
	[tilespmem:$0x10C80] =	vst v63  }
0x512: {  	s29 =	simm.s32 $0x10000  }
0x513: {  	[tilespmem:s29], [sflag:$0x1] =	stream.indirect_vreg.gather [hbm4b:s4+s3], $0x80, v11, vm0, $0xb8;
	[tilespmem:$0x10C80] =	vst v63  }
0x514: {  	_ =	swait.ge [sflag:s14], $0x10000  }
0x515: {  	[sflag:s14] =	ssyncset.done $0x0  }
0x516: {  	[sflag:s14] =	ssyncadd.s32 $0xFFFF0000  }
0x517: {  	v11 =	vld [tilespmem:$0x700];
	_ =	sdelay $0x4  }
0x518: {  	v40 =	vshll.u32 v11, $0x3  }
0x519: {  	v11 =	vand.u32 $0x7F, v11;
	v12 =	vand.u32 $0xFFFFFC00, v40  }
0x51a: {  	v11 =	vor.u32 v11, v12  }
0x51b: {  	v12 =	vadd.s32 v3, v11  }
0x51c: {  	v41 =	vadd.s32 v4, v11;
	_ =	sdelay $0x1  }
0x51d: {  	v42 =	vadd.s32 v5, v11;
	_ =	sdelay $0x1  }
0x51e: {  	v43 =	vadd.s32 v6, v11;
	v12 =	vld.idx.msk [tilespmem:v12+s7+$0x0], $0xffff  }
0x51f: {  	v13 =	vld.idx.msk [tilespmem:v41+s7+$0x0], $0xffff  }
0x520: {  	v44 =	vadd.s32 v7, v11  }
0x521: {  	v14 =	vld.idx.msk [tilespmem:v42+s7+$0x0], $0xffff  }
0x522: {  	v45 =	vadd.s32 v8, v11  }
0x523: {  	v15 =	vld.idx.msk [tilespmem:v43+s7+$0x0], $0xffff  }
0x524: {  	v46 =	vadd.s32 v9, v11;
	v47 =	vmul.f32 v12, v12;
	v48 =	vmul.f32 v13, v13  }
0x525: {  	v16 =	vld.idx.msk [tilespmem:v44+s7+$0x0], $0xffff  }
0x526: {  	v11 =	vadd.s32 v10, v11;
	v49 =	vmul.f32 v14, v14;
	v19 =	vadd.f32 v48, v47  }
0x527: {  	v17 =	vld.idx.msk [tilespmem:v45+s7+$0x0], $0xffff  }
0x528: {  	v50 =	vmul.f32 v15, v15;
	v19 =	vadd.f32 v49, v19  }
0x529: {  	v18 =	vld.idx.msk [tilespmem:v46+s7+$0x0], $0xffff  }
0x52a: {  	v51 =	vmul.f32 v16, v16;
	v19 =	vadd.f32 v50, v19  }
0x52b: {  	v11 =	vld.idx.msk [tilespmem:v11+s7+$0x0], $0xffff  }
0x52c: {  	v52 =	vmul.f32 v17, v17;
	v19 =	vadd.f32 v51, v19;
	_ =	sdelay $0x1  }
0x52d: {  	v53 =	vmul.f32 v18, v18;
	v19 =	vadd.f32 v52, v19;
	_ =	sdelay $0x1  }
0x52e: {  	v54 =	vmul.f32 v11, v11;
	v19 =	vadd.f32 v53, v19;
	_ =	sdelay $0x1  }
0x52f: {  	v19 =	vadd.f32 v54, v19;
	_ =	sdelay $0x1  }
0x530: {  	[tilespmem:$0x10C00] =	vst v19  }
0x531: {  	[tilespmem:$0x10C10] =	vst v19  }
0x532: {  	v55 =	vld [tilespmem:$0x10C08];
	_ =	sdelay $0x4  }
0x533: {  	v19 =	vadd.f32 v55, v19;
	_ =	sdelay $0x1  }
0x534: {  	[tilespmem:$0x10C00] =	vst v19  }
0x535: {  	[tilespmem:$0x10C10] =	vst v19  }
0x536: {  	v56 =	vld [tilespmem:$0x10C04];
	_ =	sdelay $0x4  }
0x537: {  	v19 =	vadd.f32 v56, v19;
	_ =	sdelay $0x1  }
0x538: {  	[tilespmem:$0x10C00] =	vst v19  }
0x539: {  	[tilespmem:$0x10C10] =	vst v19  }
0x53a: {  	v57 =	vld [tilespmem:$0x10C02];
	_ =	sdelay $0x4  }
0x53b: {  	v19 =	vadd.f32 v57, v19;
	_ =	sdelay $0x1  }
0x53c: {  	[tilespmem:$0x10C00] =	vst v19  }
0x53d: {  	[tilespmem:$0x10C10] =	vst v19  }
0x53e: {  	v58 =	vld [tilespmem:$0x10C01];
	_ =	sdelay $0x4  }
0x53f: {  	v19 =	vadd.f32 v58, v19;
	_ =	sdelay $0x1  }
0x540: {  	v20 =	vshra.s32 v19, $0x1;
	v59 =	vmul.f32 $5.000000000e-01, v19  }
0x541: {  	v20 =	vsub.s32 $0x5F3759DF, v20  }
0x542: {  	v60 =	vmul.f32 v20, v59;
	_ =	sdelay $0x1  }
0x543: {  	v22 =	vmul.f32 v20, v60;
	_ =	sdelay $0x1  }
0x544: {  	v22 =	vsub.f32 $1.500000000e+00, v22;
	_ =	sdelay $0x1  }
0x545: {  	v20 =	vmul.f32 v20, v22;
	_ =	sdelay $0x1  }
0x546: {  	v22 =	vmul.f32 v20, v59;
	_ =	sdelay $0x1  }
0x547: {  	v22 =	vmul.f32 v22, v20;
	_ =	sdelay $0x1  }
0x548: {  	v22 =	vsub.f32 $1.500000000e+00, v22;
	_ =	sdelay $0x1  }
0x549: {  	v20 =	vmul.f32 v22, v20;
	_ =	sdelay $0x1  }
0x54a: {  	v21 =	vmul.f32 v20, v59;
	_ =	sdelay $0x1  }
0x54b: {  	v21 =	vmul.f32 v21, v20;
	_ =	sdelay $0x1  }
0x54c: {  	v21 =	vsub.f32 $1.500000000e+00, v21;
	_ =	sdelay $0x1  }
0x54d: {  	v20 =	vmul.f32 v21, v20;
	_ =	sdelay $0x1  }
0x54e: {  	v19 =	vmul.f32 v20, v19;
	_ =	sdelay $0x1  }
0x54f: {  	v19 =	vmax.f32 v19, $9.999999960e-13  }
0x550: {  	(erf) = vrcp.f32 v19;
	_ =	sdelay $0x4  }
0x551: {  	v61 =	vld [tilespmem:$0x380];
	_ =	sdelay $0x3  }
0x552: {  	v62 =	vpop (erf)  }
0x553: {  	v63 =	vshll.u32 v61, $0x2;
	v12 =	vmul.f32 v62, v12  }
0x554: {  	v21 =	vand.u32 $0xFFFFFFE0, v63;
	v19 =	vand.u32 $0x7, v61;
	v13 =	vmul.f32 v62, v13  }
0x555: {  	v24 =	vor.u32 v19, v21;
	v23 =	vmul.f32 v62, v14;
	[tilespmem:$0x10B00] =	vst v12  }
0x556: {  	v26 =	vperm.xlane v24, v0;
	v25 =	vmul.f32 v62, v15;
	[tilespmem:$0x10B10] =	vst v13  }
0x557: {  	v27 =	vmul.f32 v62, v16;
	[tilespmem:$0x10B20] =	vst v23  }
0x558: {  	v28 =	vmul.f32 v62, v17;
	v15 =	vadd.s32 v1, v26;
	[tilespmem:$0x10B30] =	vst v25  }
0x559: {  	v29 =	vmul.f32 v62, v18;
	[tilespmem:$0x10B40] =	vst v27  }
0x55a: {  	v30 =	vperm.xlane v24, v2;
	v11 =	vmul.f32 v62, v11;
	[tilespmem:$0x10B50] =	vst v28  }
0x55b: {  	[tilespmem:$0x10B60] =	vst v29  }
0x55c: {  	[tilespmem:$0x10B70] =	vst v11;
	v11 =	vadd.s32 v1, v30  }
0x55d: {  	[tilespmem:s7], [sflag:$0x1] =	stream.indirect_vreg.gather [hbm4b:s2+s3], $0x80, v15, vm0, $0xb8;
	[tilespmem:$0x10C80] =	vst v63  }
0x55e: {  	s8 =	simm.s32 $0x1000  }
0x55f: {  	[tilespmem:s8], [sflag:$0x1] =	stream.indirect_vreg.gather [hbm4b:s4+s3], $0x80, v15, vm0, $0xb8;
	[tilespmem:$0x10C80] =	vst v63  }
0x560: {  	s1 =	simm.s32 $0x1800  }
0x561: {  	[tilespmem:s1], [sflag:$0x1] =	stream.indirect_vreg.gather [hbm4b:s2+s3], $0x80, v11, vm0, $0xb8;
	[tilespmem:$0x10C80] =	vst v63  }
0x562: {  	s0 =	simm.s32 $0x2000  }
0x563: {  	[tilespmem:s0], [sflag:$0x1] =	stream.indirect_vreg.gather [hbm4b:s4+s3], $0x80, v11, vm0, $0xb8;
	[tilespmem:$0x10C80] =	vst v63  }
0x564: {  	v11 =	vld [tilespmem:$0x390];
	_ =	sdelay $0x4  }
0x565: {  	v31 =	vshll.u32 v11, $0x2  }
0x566: {  	v11 =	vand.u32 $0x7, v11;
	v12 =	vand.u32 $0xFFFFFFE0, v31  }
0x567: {  	v11 =	vor.u32 v11, v12  }
0x568: {  	v12 =	vperm.xlane v11, v0;
	_ =	sdelay $0x1  }
0x569: {  	v12 =	vadd.s32 v1, v12;
	_ =	sdelay $0x1  }
0x56a: {  	v11 =	vperm.xlane v11, v2;
	_ =	sdelay $0x1  }
0x56b: {  	s26 =	simm.s32 $0x2800;
	v11 =	vadd.s32 v1, v11  }
0x56c: {  	[tilespmem:s26], [sflag:$0x1] =	stream.indirect_vreg.gather [hbm4b:s2+s3], $0x80, v12, vm0, $0xb8;
	[tilespmem:$0x10C80] =	vst v63  }
0x56d: {  	s28 =	simm.s32 $0x3000  }
0x56e: {  	[tilespmem:s28], [sflag:$0x1] =	stream.indirect_vreg.gather [hbm4b:s4+s3], $0x80, v12, vm0, $0xb8;
	[tilespmem:$0x10C80] =	vst v63  }
0x56f: {  	s29 =	simm.s32 $0x3800  }
0x570: {  	[tilespmem:s29], [sflag:$0x1] =	stream.indirect_vreg.gather [hbm4b:s2+s3], $0x80, v11, vm0, $0xb8;
	[tilespmem:$0x10C80] =	vst v63  }
0x571: {  	s1 =	simm.s32 $0x4000  }
0x572: {  	[tilespmem:s1], [sflag:$0x1] =	stream.indirect_vreg.gather [hbm4b:s4+s3], $0x80, v11, vm0, $0xb8;
	[tilespmem:$0x10C80] =	vst v63  }
0x573: {  	v11 =	vld [tilespmem:$0x3A0];
	_ =	sdelay $0x4  }
0x574: {  	v32 =	vshll.u32 v11, $0x2  }
0x575: {  	v11 =	vand.u32 $0x7, v11;
	v12 =	vand.u32 $0xFFFFFFE0, v32  }
0x576: {  	v11 =	vor.u32 v11, v12  }
0x577: {  	v12 =	vperm.xlane v11, v0;
	_ =	sdelay $0x1  }
0x578: {  	v12 =	vadd.s32 v1, v12;
	_ =	sdelay $0x1  }
0x579: {  	v11 =	vperm.xlane v11, v2;
	_ =	sdelay $0x1  }
0x57a: {  	s8 =	simm.s32 $0x4800;
	v11 =	vadd.s32 v1, v11  }
0x57b: {  	[tilespmem:s8], [sflag:$0x1] =	stream.indirect_vreg.gather [hbm4b:s2+s3], $0x80, v12, vm0, $0xb8;
	[tilespmem:$0x10C80] =	vst v63  }
0x57c: {  	s6 =	simm.s32 $0x5000  }
0x57d: {  	[tilespmem:s6], [sflag:$0x1] =	stream.indirect_vreg.gather [hbm4b:s4+s3], $0x80, v12, vm0, $0xb8;
	[tilespmem:$0x10C80] =	vst v63  }
0x57e: {  	s11 =	simm.s32 $0x5800  }
0x57f: {  	[tilespmem:s11], [sflag:$0x1] =	stream.indirect_vreg.gather [hbm4b:s2+s3], $0x80, v11, vm0, $0xb8;
	[tilespmem:$0x10C80] =	vst v63  }
0x580: {  	s15 =	simm.s32 $0x6000  }
0x581: {  	[tilespmem:s15], [sflag:$0x1] =	stream.indirect_vreg.gather [hbm4b:s4+s3], $0x80, v11, vm0, $0xb8;
	[tilespmem:$0x10C80] =	vst v63  }
0x582: {  	v11 =	vld [tilespmem:$0x3B0];
	_ =	sdelay $0x4  }
0x583: {  	v33 =	vshll.u32 v11, $0x2  }
0x584: {  	v11 =	vand.u32 $0x7, v11;
	v12 =	vand.u32 $0xFFFFFFE0, v33  }
0x585: {  	v11 =	vor.u32 v11, v12  }
0x586: {  	v12 =	vperm.xlane v11, v0;
	_ =	sdelay $0x1  }
0x587: {  	v12 =	vadd.s32 v1, v12;
	_ =	sdelay $0x1  }
0x588: {  	v11 =	vperm.xlane v11, v2;
	_ =	sdelay $0x1  }
0x589: {  	s16 =	simm.s32 $0x6800;
	v11 =	vadd.s32 v1, v11  }
0x58a: {  	[tilespmem:s16], [sflag:$0x1] =	stream.indirect_vreg.gather [hbm4b:s2+s3], $0x80, v12, vm0, $0xb8;
	[tilespmem:$0x10C80] =	vst v63  }
0x58b: {  	s10 =	simm.s32 $0x7000  }
0x58c: {  	[tilespmem:s10], [sflag:$0x1] =	stream.indirect_vreg.gather [hbm4b:s4+s3], $0x80, v12, vm0, $0xb8;
	[tilespmem:$0x10C80] =	vst v63  }
0x58d: {  	s18 =	simm.s32 $0x7800  }
0x58e: {  	[tilespmem:s18], [sflag:$0x1] =	stream.indirect_vreg.gather [hbm4b:s2+s3], $0x80, v11, vm0, $0xb8;
	[tilespmem:$0x10C80] =	vst v63  }
0x58f: {  	s5 =	simm.s32 $0x8000  }
0x590: {  	[tilespmem:s5], [sflag:$0x1] =	stream.indirect_vreg.gather [hbm4b:s4+s3], $0x80, v11, vm0, $0xb8;
	[tilespmem:$0x10C80] =	vst v63  }
0x591: {  	v11 =	vld [tilespmem:$0x3C0];
	_ =	sdelay $0x4  }
0x592: {  	v34 =	vshll.u32 v11, $0x2  }
0x593: {  	v11 =	vand.u32 $0x7, v11;
	v12 =	vand.u32 $0xFFFFFFE0, v34  }
0x594: {  	v11 =	vor.u32 v11, v12  }
0x595: {  	v12 =	vperm.xlane v11, v0;
	_ =	sdelay $0x1  }
0x596: {  	v12 =	vadd.s32 v1, v12;
	_ =	sdelay $0x1  }
0x597: {  	v11 =	vperm.xlane v11, v2;
	_ =	sdelay $0x1  }
0x598: {  	s16 =	simm.s32 $0x8800;
	v11 =	vadd.s32 v1, v11  }
0x599: {  	[tilespmem:s16], [sflag:$0x1] =	stream.indirect_vreg.gather [hbm4b:s2+s3], $0x80, v12, vm0, $0xb8;
	[tilespmem:$0x10C80] =	vst v63  }
0x59a: {  	s20 =	simm.s32 $0x9000  }
0x59b: {  	[tilespmem:s20], [sflag:$0x1] =	stream.indirect_vreg.gather [hbm4b:s4+s3], $0x80, v12, vm0, $0xb8;
	[tilespmem:$0x10C80] =	vst v63  }
0x59c: {  	s18 =	simm.s32 $0x9800  }
0x59d: {  	[tilespmem:s18], [sflag:$0x1] =	stream.indirect_vreg.gather [hbm4b:s2+s3], $0x80, v11, vm0, $0xb8;
	[tilespmem:$0x10C80] =	vst v63  }
0x59e: {  	s20 =	simm.s32 $0xA000  }
0x59f: {  	[tilespmem:s20], [sflag:$0x1] =	stream.indirect_vreg.gather [hbm4b:s4+s3], $0x80, v11, vm0, $0xb8;
	[tilespmem:$0x10C80] =	vst v63  }
0x5a0: {  	v11 =	vld [tilespmem:$0x3D0];
	_ =	sdelay $0x4  }
0x5a1: {  	v35 =	vshll.u32 v11, $0x2  }
0x5a2: {  	v11 =	vand.u32 $0x7, v11;
	v12 =	vand.u32 $0xFFFFFFE0, v35  }
0x5a3: {  	v11 =	vor.u32 v11, v12  }
0x5a4: {  	v12 =	vperm.xlane v11, v0;
	_ =	sdelay $0x1  }
0x5a5: {  	v12 =	vadd.s32 v1, v12;
	_ =	sdelay $0x1  }
0x5a6: {  	v11 =	vperm.xlane v11, v2;
	_ =	sdelay $0x1  }
0x5a7: {  	s30 =	simm.s32 $0xA800;
	v11 =	vadd.s32 v1, v11  }
0x5a8: {  	[tilespmem:s30], [sflag:$0x1] =	stream.indirect_vreg.gather [hbm4b:s2+s3], $0x80, v12, vm0, $0xb8;
	[tilespmem:$0x10C80] =	vst v63  }
0x5a9: {  	s9 =	simm.s32 $0xB000  }
0x5aa: {  	[tilespmem:s9], [sflag:$0x1] =	stream.indirect_vreg.gather [hbm4b:s4+s3], $0x80, v12, vm0, $0xb8;
	[tilespmem:$0x10C80] =	vst v63  }
0x5ab: {  	s31 =	simm.s32 $0xB800  }
0x5ac: {  	[tilespmem:s31], [sflag:$0x1] =	stream.indirect_vreg.gather [hbm4b:s2+s3], $0x80, v11, vm0, $0xb8;
	[tilespmem:$0x10C80] =	vst v63  }
0x5ad: {  	s23 =	simm.s32 $0xC000  }
0x5ae: {  	[tilespmem:s23], [sflag:$0x1] =	stream.indirect_vreg.gather [hbm4b:s4+s3], $0x80, v11, vm0, $0xb8;
	[tilespmem:$0x10C80] =	vst v63  }
0x5af: {  	v11 =	vld [tilespmem:$0x3E0];
	_ =	sdelay $0x4  }
0x5b0: {  	v36 =	vshll.u32 v11, $0x2  }
0x5b1: {  	v11 =	vand.u32 $0x7, v11;
	v12 =	vand.u32 $0xFFFFFFE0, v36  }
0x5b2: {  	v11 =	vor.u32 v11, v12  }
0x5b3: {  	v12 =	vperm.xlane v11, v0;
	_ =	sdelay $0x1  }
0x5b4: {  	v12 =	vadd.s32 v1, v12;
	_ =	sdelay $0x1  }
0x5b5: {  	v11 =	vperm.xlane v11, v2;
	_ =	sdelay $0x1  }
0x5b6: {  	s22 =	simm.s32 $0xC800;
	v11 =	vadd.s32 v1, v11  }
0x5b7: {  	[tilespmem:s22], [sflag:$0x1] =	stream.indirect_vreg.gather [hbm4b:s2+s3], $0x80, v12, vm0, $0xb8;
	[tilespmem:$0x10C80] =	vst v63  }
0x5b8: {  	s17 =	simm.s32 $0xD000  }
0x5b9: {  	[tilespmem:s17], [sflag:$0x1] =	stream.indirect_vreg.gather [hbm4b:s4+s3], $0x80, v12, vm0, $0xb8;
	[tilespmem:$0x10C80] =	vst v63  }
0x5ba: {  	s24 =	simm.s32 $0xD800  }
0x5bb: {  	[tilespmem:s24], [sflag:$0x1] =	stream.indirect_vreg.gather [hbm4b:s2+s3], $0x80, v11, vm0, $0xb8;
	[tilespmem:$0x10C80] =	vst v63  }
0x5bc: {  	s21 =	simm.s32 $0xE000  }
0x5bd: {  	[tilespmem:s21], [sflag:$0x1] =	stream.indirect_vreg.gather [hbm4b:s4+s3], $0x80, v11, vm0, $0xb8;
	[tilespmem:$0x10C80] =	vst v63  }
0x5be: {  	v11 =	vld [tilespmem:$0x3F0];
	_ =	sdelay $0x4  }
0x5bf: {  	v37 =	vshll.u32 v11, $0x2  }
0x5c0: {  	v11 =	vand.u32 $0x7, v11;
	v12 =	vand.u32 $0xFFFFFFE0, v37  }
0x5c1: {  	v11 =	vor.u32 v11, v12  }
0x5c2: {  	v12 =	vperm.xlane v11, v0;
	_ =	sdelay $0x1  }
0x5c3: {  	v12 =	vadd.s32 v1, v12;
	_ =	sdelay $0x1  }
0x5c4: {  	v11 =	vperm.xlane v11, v2;
	_ =	sdelay $0x1  }
0x5c5: {  	s25 =	simm.s32 $0xE800;
	v11 =	vadd.s32 v1, v11  }
0x5c6: {  	[tilespmem:s25], [sflag:$0x1] =	stream.indirect_vreg.gather [hbm4b:s2+s3], $0x80, v12, vm0, $0xb8;
	[tilespmem:$0x10C80] =	vst v63  }
0x5c7: {  	s13 =	simm.s32 $0xF000  }
0x5c8: {  	[tilespmem:s13], [sflag:$0x1] =	stream.indirect_vreg.gather [hbm4b:s4+s3], $0x80, v12, vm0, $0xb8;
	[tilespmem:$0x10C80] =	vst v63  }
0x5c9: {  	s19 =	simm.s32 $0xF800  }
0x5ca: {  	[tilespmem:s19], [sflag:$0x1] =	stream.indirect_vreg.gather [hbm4b:s2+s3], $0x80, v11, vm0, $0xb8;
	[tilespmem:$0x10C80] =	vst v63  }
0x5cb: {  	s12 =	simm.s32 $0x10000  }
0x5cc: {  	[tilespmem:s12], [sflag:$0x1] =	stream.indirect_vreg.gather [hbm4b:s4+s3], $0x80, v11, vm0, $0xb8;
	[tilespmem:$0x10C80] =	vst v63  }
0x5cd: {  	s26 =	rddreg [dreg:$0x8];
	_ =	swait.ge [sflag:s14], $0x10000  }
0x5ce: {  	[sflag:s14] =	ssyncset.done $0x0  }
0x5cf: {  	[sflag:s14] =	ssyncadd.s32 $0xFFFF0000  }
0x5d0: {  	v11 =	vld [tilespmem:$0x780];
	_ =	sdelay $0x4  }
0x5d1: {  	v38 =	vshll.u32 v11, $0x3  }
0x5d2: {  	v11 =	vand.u32 $0x7F, v11;
	v12 =	vand.u32 $0xFFFFFC00, v38  }
0x5d3: {  	v11 =	vor.u32 v11, v12  }
0x5d4: {  	v12 =	vadd.s32 v3, v11  }
0x5d5: {  	v39 =	vadd.s32 v4, v11;
	_ =	sdelay $0x1  }
0x5d6: {  	v40 =	vadd.s32 v5, v11;
	_ =	sdelay $0x1  }
0x5d7: {  	v41 =	vadd.s32 v6, v11;
	v12 =	vld.idx.msk [tilespmem:v12+s7+$0x0], $0xffff  }
0x5d8: {  	v13 =	vld.idx.msk [tilespmem:v39+s7+$0x0], $0xffff  }
0x5d9: {  	v42 =	vadd.s32 v7, v11  }
0x5da: {  	v14 =	vld.idx.msk [tilespmem:v40+s7+$0x0], $0xffff  }
0x5db: {  	v43 =	vadd.s32 v8, v11  }
0x5dc: {  	v15 =	vld.idx.msk [tilespmem:v41+s7+$0x0], $0xffff  }
0x5dd: {  	v44 =	vadd.s32 v9, v11;
	v45 =	vmul.f32 v12, v12;
	v46 =	vmul.f32 v13, v13  }
0x5de: {  	v16 =	vld.idx.msk [tilespmem:v42+s7+$0x0], $0xffff  }
0x5df: {  	v11 =	vadd.s32 v10, v11;
	v47 =	vmul.f32 v14, v14;
	v19 =	vadd.f32 v46, v45  }
0x5e0: {  	v17 =	vld.idx.msk [tilespmem:v43+s7+$0x0], $0xffff  }
0x5e1: {  	v48 =	vmul.f32 v15, v15;
	v19 =	vadd.f32 v47, v19  }
0x5e2: {  	v18 =	vld.idx.msk [tilespmem:v44+s7+$0x0], $0xffff  }
0x5e3: {  	v49 =	vmul.f32 v16, v16;
	v19 =	vadd.f32 v48, v19  }
0x5e4: {  	v11 =	vld.idx.msk [tilespmem:v11+s7+$0x0], $0xffff  }
0x5e5: {  	v50 =	vmul.f32 v17, v17;
	v19 =	vadd.f32 v49, v19;
	_ =	sdelay $0x1  }
0x5e6: {  	v51 =	vmul.f32 v18, v18;
	v19 =	vadd.f32 v50, v19;
	_ =	sdelay $0x1  }
0x5e7: {  	v52 =	vmul.f32 v11, v11;
	v19 =	vadd.f32 v51, v19;
	_ =	sdelay $0x1  }
0x5e8: {  	v19 =	vadd.f32 v52, v19;
	_ =	sdelay $0x1  }
0x5e9: {  	[tilespmem:$0x10C00] =	vst v19  }
0x5ea: {  	[tilespmem:$0x10C10] =	vst v19  }
0x5eb: {  	v53 =	vld [tilespmem:$0x10C08];
	_ =	sdelay $0x4  }
0x5ec: {  	v19 =	vadd.f32 v53, v19;
	_ =	sdelay $0x1  }
0x5ed: {  	[tilespmem:$0x10C00] =	vst v19  }
0x5ee: {  	[tilespmem:$0x10C10] =	vst v19  }
0x5ef: {  	v54 =	vld [tilespmem:$0x10C04];
	_ =	sdelay $0x4  }
0x5f0: {  	v19 =	vadd.f32 v54, v19;
	_ =	sdelay $0x1  }
0x5f1: {  	[tilespmem:$0x10C00] =	vst v19  }
0x5f2: {  	[tilespmem:$0x10C10] =	vst v19  }
0x5f3: {  	v55 =	vld [tilespmem:$0x10C02];
	_ =	sdelay $0x4  }
0x5f4: {  	v19 =	vadd.f32 v55, v19;
	_ =	sdelay $0x1  }
0x5f5: {  	[tilespmem:$0x10C00] =	vst v19  }
0x5f6: {  	[tilespmem:$0x10C10] =	vst v19  }
0x5f7: {  	v56 =	vld [tilespmem:$0x10C01];
	_ =	sdelay $0x4  }
0x5f8: {  	v19 =	vadd.f32 v56, v19;
	_ =	sdelay $0x1  }
0x5f9: {  	v20 =	vshra.s32 v19, $0x1;
	v57 =	vmul.f32 $5.000000000e-01, v19  }
0x5fa: {  	v20 =	vsub.s32 $0x5F3759DF, v20  }
0x5fb: {  	v58 =	vmul.f32 v20, v57;
	_ =	sdelay $0x1  }
0x5fc: {  	v22 =	vmul.f32 v20, v58;
	_ =	sdelay $0x1  }
0x5fd: {  	v22 =	vsub.f32 $1.500000000e+00, v22;
	_ =	sdelay $0x1  }
0x5fe: {  	v20 =	vmul.f32 v20, v22;
	_ =	sdelay $0x1  }
0x5ff: {  	v22 =	vmul.f32 v20, v57;
	_ =	sdelay $0x1  }
0x600: {  	v22 =	vmul.f32 v22, v20;
	_ =	sdelay $0x1  }
0x601: {  	v22 =	vsub.f32 $1.500000000e+00, v22;
	_ =	sdelay $0x1  }
0x602: {  	v20 =	vmul.f32 v22, v20;
	_ =	sdelay $0x1  }
0x603: {  	v21 =	vmul.f32 v20, v57;
	_ =	sdelay $0x1  }
0x604: {  	v21 =	vmul.f32 v21, v20;
	_ =	sdelay $0x1  }
0x605: {  	v21 =	vsub.f32 $1.500000000e+00, v21;
	_ =	sdelay $0x1  }
0x606: {  	v20 =	vmul.f32 v21, v20;
	_ =	sdelay $0x1  }
0x607: {  	v19 =	vmul.f32 v20, v19;
	_ =	sdelay $0x1  }
0x608: {  	v19 =	vmax.f32 v19, $9.999999960e-13  }
0x609: {  	(erf) = vrcp.f32 v19;
	_ =	sdelay $0x8  }
0x60a: {  	v19 =	vpop (erf)  }
0x60b: {  	v12 =	vmul.f32 v19, v12  }
0x60c: {  	v13 =	vmul.f32 v19, v13  }
0x60d: {  	v59 =	vmul.f32 v19, v14;
	[tilespmem:$0x10B80] =	vst v12  }
0x60e: {  	v60 =	vmul.f32 v19, v15;
	[tilespmem:$0x10B90] =	vst v13  }
0x60f: {  	v61 =	vmul.f32 v19, v16;
	[tilespmem:$0x10BA0] =	vst v59  }
0x610: {  	v62 =	vmul.f32 v19, v17;
	[tilespmem:$0x10BB0] =	vst v60  }
0x611: {  	v63 =	vmul.f32 v19, v18;
	[tilespmem:$0x10BC0] =	vst v61  }
0x612: {  	v11 =	vmul.f32 v19, v11;
	[tilespmem:$0x10BD0] =	vst v62  }
0x613: {  	p0 =	sne.s32 s26, $0x1;
	s28 =	rddreg [dreg:$0x4];
	[tilespmem:$0x10BE0] =	vst v63  }
.Ltmp1:
0x614: {  	s30 =	simm.s32 $0x2;
	s29 =	rddreg [dreg:$0x7];
	[tilespmem:$0x10BF0] =	vst v11;
	(pc) =	sbr.rel @p0 .LBB2_2-.Ltmp1, $4  }
0x615: {  	[hbm4b:s28+s3] =	stream.linear.scatter [tilespmem:s29], [sflag:$0x2], $0x400, $0x38;
	[tilespmem:$0x10C80] =	vst v63  }
0x616: {  	_ =	swait.ge [sflag:s30], $0x400  }
0x617: {  	s31 =	simm.s32 $0x2;
	[sflag:s30] =	ssyncset.done $0x0  }
0x618: {  	s1 =	sadd.s32 $0xFFFFFFFF, s26;
	[sflag:s31] =	ssyncadd.s32 $0xFFFFFC00  }
.LBB2_3:
0x619: {  	_ =	sfence.sel $0x180000  }
0x61a: {  	[bflag:$0x0] =	sbarrier.arrive $0xFFFF  }
0x61b: {  	_ =	strace $0x90000047  }
0x61c: {  	s0 =	stileid.u32;
	[bflag:$0x2] =	sbarrier.arrive $0xFFFF  }
0x61d: {  	p0 =	sne.s32 s0, $0x0;
	s0 =	rddreg [dreg:$0x2]  }
0x61e: {  	s0 =	sadd.s32 @!p0 $0x100000, s0  }
0x61f: {  	[sflag:s0] =	ssyncadd.tile.s32 @!p0 $0x1;
	_ =	shalt  }
.Lfunc_end2:
_tile_overlayer_lowered:
.L_overlay_start_2:
0x620: {  	(tag) =	ssettag $0x2  }
0x621: {  	s0 =	rddreg [dreg:$0x0];
	s2 =	stileid.u32  }
0x622: {  	s1 =	rddreg [dreg:$0x1];
	p0 =	sne.s32 s2, $0x0  }
0x623: {  	s3 =	rddreg [dreg:$0x2];
	[bflag:$0x3] =	sbarrier.arrive $0xFFFF;
	s2 =	simm.s32 @!p0 $0x1C02  }
0x624: {  	[timem:s3], [sflag:s2] =	dma.local @!p0 [hbm:s0], s1  }
0x625: {  	s0 =	simm.s32 @!p0 $0x2  }
0x626: {  	_ =	swait.ge @!p0 [sflag:s0], s1  }
0x627: {  	s1 =	ssub.s32 @!p0 $0x0, s1;
	[sflag:s0] =	ssyncset.done @!p0 $0x0  }
0x628: {  	[sflag:s0] =	ssyncadd.s32 @!p0 s1  }
0x629: {  	[bflag:$0x3] =	sbarrier.arrive $0xFFFF  }
0x62a: {  	_ =	shalt  }

</sc_bundles>
